<compile_context>
chip_gen: v7x
topology: tpu7x:2x2x1
jax: 0.10.2.dev20260603
libtpu: 0.0.44.dev20260713+nightly
codegen_flags: <defaults>
</compile_context>

<pallas_src>
import functools

import jax
import jax.numpy as jnp
from jax import lax
from jax.experimental import pallas as pl
from jax.experimental.pallas import tpu as pltpu
from jax.experimental.pallas import tpu_sc as plsc

_B = 4096
_D = 128
_L = 16
_NC = 2
_NS = 16
_NW = _NC * _NS
_BPW = _B // _NW
_NCH = _D // _L


_NCK = 8
_CR = _BPW // _NCK
_U = 4


def _tec_body(h_hbm, r_hbm, t_hbm, ent_hbm, rel_hbm, nrm_hbm, out_hbm,
              hidx, ridx, tidx, hrows, trows, rrows, wrows, outv,
              sem_idx, *sems):
    wid = lax.axis_index("s") * _NC + lax.axis_index("c")
    base = wid * _BPW

    ci_h = pltpu.async_copy(h_hbm.at[pl.ds(base, _BPW)], hidx, sem_idx)
    ci_t = pltpu.async_copy(t_hbm.at[pl.ds(base, _BPW)], tidx, sem_idx)
    ci_r = pltpu.async_copy(r_hbm.at[pl.ds(base, _BPW)], ridx, sem_idx)
    ci_h.wait()
    ci_t.wait()
    ci_r.wait()

    copies = []
    for c in range(_NCK):
        sl = pl.ds(c * _CR, _CR)
        copies.append((
            pltpu.make_async_copy(ent_hbm.at[hidx.at[sl]], hrows.at[sl], sems[c]),
            pltpu.make_async_copy(ent_hbm.at[tidx.at[sl]], trows.at[sl], sems[c]),
            pltpu.make_async_copy(rel_hbm.at[ridx.at[sl]], rrows.at[sl], sems[c]),
            pltpu.make_async_copy(nrm_hbm.at[ridx.at[sl]], wrows.at[sl], sems[c]),
        ))
    for cp in copies[0]:
        cp.start()
    for cp in copies[1]:
        cp.start()

    lane = lax.broadcasted_iota(jnp.int32, (_L,), 0)
    _dnums = lax.GatherDimensionNumbers(
        offset_dims=(), collapsed_slice_dims=(0,), start_index_map=(0,))

    def shuffle(x, idx):
        return lax.gather(x, idx[:, None], _dnums, slice_sizes=(1,),
                          mode=lax.GatherScatterMode.PROMISE_IN_BOUNDS)

    def allsum(x):
        for d in (8, 4, 2, 1):
            x = x + shuffle(x, lane ^ d)
        return x

    def quad(g, svec):
        for u in range(_U):
            i = g * _U + u
            dw0 = jnp.zeros((_L,), jnp.float32)
            dw1 = jnp.zeros((_L,), jnp.float32)
            ww0 = jnp.zeros((_L,), jnp.float32)
            ww1 = jnp.zeros((_L,), jnp.float32)
            dch = []
            wch = []
            for k in range(_NCH):
                hk = hrows[i, pl.ds(k * _L, _L)]
                tk = trows[i, pl.ds(k * _L, _L)]
                wk = wrows[i, pl.ds(k * _L, _L)]
                dk = hk - tk
                if k % 2 == 0:
                    dw0 = dw0 + dk * wk
                    ww0 = ww0 + wk * wk
                else:
                    dw1 = dw1 + dk * wk
                    ww1 = ww1 + wk * wk
                dch.append(dk)
                wch.append(wk)
            c = allsum(dw0 + dw1) / jnp.maximum(allsum(ww0 + ww1), 1e-24)
            acc0 = jnp.zeros((_L,), jnp.float32)
            acc1 = jnp.zeros((_L,), jnp.float32)
            for k in range(_NCH):
                rk = rrows[i, pl.ds(k * _L, _L)]
                term = jnp.abs(dch[k] + rk - c * wch[k])
                if k % 2 == 0:
                    acc0 = acc0 - term
                else:
                    acc1 = acc1 - term
            lpos = (g % (_L // _U)) * _U + u
            svec = jnp.where(lane == lpos, allsum(acc0 + acc1), svec)
        outv[pl.ds((g // (_L // _U)) * _L, _L)] = svec
        return svec

    gpc = _CR // _U
    svec = jnp.zeros((_L,), jnp.float32)

    def step(g, svec):
        for c in range(_NCK):
            @pl.when(g == c * gpc)
            def _(c=c):
                for cp in copies[c]:
                    cp.wait()
                if c + 2 < _NCK:
                    for cp in copies[c + 2]:
                        cp.start()
        return quad(g, svec)

    lax.fori_loop(0, _NCK * gpc, step, svec)
    pltpu.sync_copy(outv, out_hbm.at[pl.ds(base, _BPW)])


@jax.jit
def _transh_sc(h, r, t, ent_emb, rel_emb, rel_norm):
    mesh = plsc.VectorSubcoreMesh(core_axis_name="c", subcore_axis_name="s")
    run = functools.partial(
        pl.kernel,
        mesh=mesh,
        out_type=jax.ShapeDtypeStruct((_B,), jnp.float32),
        scratch_types=[
            pltpu.VMEM((_BPW,), jnp.int32),
            pltpu.VMEM((_BPW,), jnp.int32),
            pltpu.VMEM((_BPW,), jnp.int32),
            pltpu.VMEM((_BPW, _D), jnp.float32),
            pltpu.VMEM((_BPW, _D), jnp.float32),
            pltpu.VMEM((_BPW, _D), jnp.float32),
            pltpu.VMEM((_BPW, _D), jnp.float32),
            pltpu.VMEM((_BPW,), jnp.float32),
        ] + [pltpu.SemaphoreType.DMA] * (1 + _NCK),
    )(_tec_body)
    return run(h, r, t, ent_emb, rel_emb, rel_norm)


def kernel(h, r, t, ent_emb, rel_emb, rel_norm):
    score = _transh_sc(h.astype(jnp.int32), r.astype(jnp.int32),
                       t.astype(jnp.int32), ent_emb, rel_emb, rel_norm)
    return score.reshape(_B, 1)

# --- scband reference (transcript-rebuilt; emitter-appended) ---
"""Pipeline reference for scband-trans-h-26860725469684 (READ-ONLY COPY).

The authoritative reference and input builder live on the scoring server;
editing this copy changes nothing except your own understanding.
"""

import jax, jax.numpy as jnp
import numpy as np

N_ENTITY = 100000
N_RELATION = 1000
DIM = 128
BATCH = 4096


def setup_inputs(seed: int = 0) -> dict:
    key = jax.random.key(seed)
    k1, k2, k3, k4, k5, k6 = jax.random.split(key, 6)
    h = jax.random.randint(k1, (BATCH,), 0, N_ENTITY, dtype=jnp.int64 if jax.config.jax_enable_x64 else jnp.int32)
    r = jax.random.randint(k2, (BATCH,), 0, N_RELATION, dtype=jnp.int64 if jax.config.jax_enable_x64 else jnp.int32)
    t = jax.random.randint(k3, (BATCH,), 0, N_ENTITY, dtype=jnp.int64 if jax.config.jax_enable_x64 else jnp.int32)
    # xavier_uniform init: bound = sqrt(6 / (fan_in + fan_out))
    def xavier(k, shape):
        bound = np.sqrt(6.0 / (shape[0] + shape[1]))
        return jax.random.uniform(k, shape, dtype=jnp.float32, minval=-bound, maxval=bound)
    ent_emb = xavier(k4, (N_ENTITY, DIM))
    rel_emb = xavier(k5, (N_RELATION, DIM))
    rel_norm = xavier(k6, (N_RELATION, DIM))
    return {"h": h, "r": r, "t": t, "ent_emb": ent_emb, "rel_emb": rel_emb, "rel_norm": rel_norm}


def _normalize(x, axis=-1, eps=1e-12):
    n = jnp.linalg.norm(x, ord=2, axis=axis, keepdims=True)
    return x / jnp.maximum(n, eps)


def reference(h, r, t, ent_emb, rel_emb, rel_norm):
    # mode == 'hrt'
    relation = jnp.take(rel_emb, r, axis=0)[:, None, :]        # [B, 1, d]
    relation_norm = jnp.take(rel_norm, r, axis=0)[:, None, :]  # [B, 1, d]
    head = jnp.take(ent_emb, h, axis=0)[:, None, :]            # [B, 1, d]
    tail = jnp.take(ent_emb, t, axis=0)[:, None, :]            # [B, 1, d]

    def transfer(entity, norm):
        norm = _normalize(norm, axis=-1)
        # norm.shape[0] == entity.shape[0] branch:
        # project = bmm(entity [B,1,d], norm^T [B,d,1]) -> [B,1,1]
        project = jnp.einsum('bij,bkj->bik', entity, norm)
        # entity - bmm(project [B,1,1], norm [B,1,d]) -> [B,1,d]
        entity = entity - project * norm
        return entity

    head = transfer(head, relation_norm)
    tail = transfer(tail, relation_norm)
    score = head + relation - tail
    score = jnp.sum(jnp.abs(score), axis=-1)  # p_norm = 1
    return -score  # [B, 1]

if __name__ == "__main__":
    import jax
    _d = setup_inputs()
    print(jax.jit(kernel)(*tuple(_d.values())))

</pallas_src>

<mosaic_0001>
#map = affine_map<(d0, d1) -> (0)>
#map1 = affine_map<(d0, d1) -> (0, 0)>
module attributes {stable_mosaic.version = 14 : i64} {
  func.func @_tec_body(%arg0: i32, %arg1: i32, %arg2: memref<4096xi32, #tpu.memory_space<hbm>>, %arg3: memref<4096xi32, #tpu.memory_space<hbm>>, %arg4: memref<4096xi32, #tpu.memory_space<hbm>>, %arg5: memref<100000x128xf32, #tpu.memory_space<hbm>>, %arg6: memref<1000x128xf32, #tpu.memory_space<hbm>>, %arg7: memref<1000x128xf32, #tpu.memory_space<hbm>>, %arg8: memref<4096xf32, #tpu.memory_space<hbm>>, %arg9: memref<128xi32, #tpu.memory_space<vmem>>, %arg10: memref<128xi32, #tpu.memory_space<vmem>>, %arg11: memref<128xi32, #tpu.memory_space<vmem>>, %arg12: memref<128x128xf32, #tpu.memory_space<vmem>>, %arg13: memref<128x128xf32, #tpu.memory_space<vmem>>, %arg14: memref<128x128xf32, #tpu.memory_space<vmem>>, %arg15: memref<128x128xf32, #tpu.memory_space<vmem>>, %arg16: memref<128xf32, #tpu.memory_space<vmem>>, %arg17: memref<!tpu.dma_semaphore, #tpu.memory_space<semaphore_mem>>, %arg18: memref<!tpu.dma_semaphore, #tpu.memory_space<semaphore_mem>>, %arg19: memref<!tpu.dma_semaphore, #tpu.memory_space<semaphore_mem>>, %arg20: memref<!tpu.dma_semaphore, #tpu.memory_space<semaphore_mem>>, %arg21: memref<!tpu.dma_semaphore, #tpu.memory_space<semaphore_mem>>, %arg22: memref<!tpu.dma_semaphore, #tpu.memory_space<semaphore_mem>>, %arg23: memref<!tpu.dma_semaphore, #tpu.memory_space<semaphore_mem>>, %arg24: memref<!tpu.dma_semaphore, #tpu.memory_space<semaphore_mem>>, %arg25: memref<!tpu.dma_semaphore, #tpu.memory_space<semaphore_mem>>) attributes {dimension_semantics = [#tpu.dimension_semantics<core_parallel>, #tpu.dimension_semantics<subcore_parallel>], iteration_bounds = array<i64: 2, 16>, scalar_prefetch = 0 : i64, scratch_operands = 17 : i64, tpu.core_type = #tpu.core_type<sc_vector_subcore>, window_params = [{transform_indices = #map}, {transform_indices = #map}, {transform_indices = #map}, {transform_indices = #map1}, {transform_indices = #map1}, {transform_indices = #map1}, {transform_indices = #map}]} {
    %mul3A = arith.constant 2 : i32
    %mul3A_0 = arith.muli %arg1, %mul3A : i32
    %add3A = arith.addi %mul3A_0, %arg0 : i32
    %mul3A_1 = arith.constant 128 : i32
    %mul3A_2 = arith.muli %add3A, %mul3A_1 : i32
    %dma_start3A = tpu.memref_slice %arg2[%mul3A_2] : memref<4096xi32, #tpu.memory_space<hbm>> -> memref<128xi32, #tpu.memory_space<hbm>>
    %dma_start3A_3 = tpu.memref_slice %arg2[%mul3A_2] : memref<4096xi32, #tpu.memory_space<hbm>> -> memref<128xi32, #tpu.memory_space<hbm>>
    tpu.enqueue_dma source(%dma_start3A_3 : memref<128xi32, #tpu.memory_space<hbm>>) target(%arg9 : memref<128xi32, #tpu.memory_space<vmem>>) target_semaphore(%arg17 : memref<!tpu.dma_semaphore, #tpu.memory_space<semaphore_mem>>)
    %dma_start3A_4 = tpu.memref_slice %arg4[%mul3A_2] : memref<4096xi32, #tpu.memory_space<hbm>> -> memref<128xi32, #tpu.memory_space<hbm>>
    %dma_start3A_5 = tpu.memref_slice %arg4[%mul3A_2] : memref<4096xi32, #tpu.memory_space<hbm>> -> memref<128xi32, #tpu.memory_space<hbm>>
    tpu.enqueue_dma source(%dma_start3A_5 : memref<128xi32, #tpu.memory_space<hbm>>) target(%arg11 : memref<128xi32, #tpu.memory_space<vmem>>) target_semaphore(%arg17 : memref<!tpu.dma_semaphore, #tpu.memory_space<semaphore_mem>>)
    %dma_start3A_6 = tpu.memref_slice %arg3[%mul3A_2] : memref<4096xi32, #tpu.memory_space<hbm>> -> memref<128xi32, #tpu.memory_space<hbm>>
    %dma_start3A_7 = tpu.memref_slice %arg3[%mul3A_2] : memref<4096xi32, #tpu.memory_space<hbm>> -> memref<128xi32, #tpu.memory_space<hbm>>
    tpu.enqueue_dma source(%dma_start3A_7 : memref<128xi32, #tpu.memory_space<hbm>>) target(%arg10 : memref<128xi32, #tpu.memory_space<vmem>>) target_semaphore(%arg17 : memref<!tpu.dma_semaphore, #tpu.memory_space<semaphore_mem>>)
    %dma_wait3A = tpu.memref_slice %arg2[%mul3A_2] : memref<4096xi32, #tpu.memory_space<hbm>> -> memref<128xi32, #tpu.memory_space<hbm>>
    %dma_wait3A_8 = tpu.memref_slice %arg2[%mul3A_2] : memref<4096xi32, #tpu.memory_space<hbm>> -> memref<128xi32, #tpu.memory_space<hbm>>
    tpu.wait_dma2 semaphore(%arg17 : memref<!tpu.dma_semaphore, #tpu.memory_space<semaphore_mem>>) src(%dma_wait3A_8 : memref<128xi32, #tpu.memory_space<hbm>>) dst(%arg9 : memref<128xi32, #tpu.memory_space<vmem>>)
    %dma_wait3A_9 = tpu.memref_slice %arg4[%mul3A_2] : memref<4096xi32, #tpu.memory_space<hbm>> -> memref<128xi32, #tpu.memory_space<hbm>>
    %dma_wait3A_10 = tpu.memref_slice %arg4[%mul3A_2] : memref<4096xi32, #tpu.memory_space<hbm>> -> memref<128xi32, #tpu.memory_space<hbm>>
    tpu.wait_dma2 semaphore(%arg17 : memref<!tpu.dma_semaphore, #tpu.memory_space<semaphore_mem>>) src(%dma_wait3A_10 : memref<128xi32, #tpu.memory_space<hbm>>) dst(%arg11 : memref<128xi32, #tpu.memory_space<vmem>>)
    %dma_wait3A_11 = tpu.memref_slice %arg3[%mul3A_2] : memref<4096xi32, #tpu.memory_space<hbm>> -> memref<128xi32, #tpu.memory_space<hbm>>
    %dma_wait3A_12 = tpu.memref_slice %arg3[%mul3A_2] : memref<4096xi32, #tpu.memory_space<hbm>> -> memref<128xi32, #tpu.memory_space<hbm>>
    tpu.wait_dma2 semaphore(%arg17 : memref<!tpu.dma_semaphore, #tpu.memory_space<semaphore_mem>>) src(%dma_wait3A_12 : memref<128xi32, #tpu.memory_space<hbm>>) dst(%arg10 : memref<128xi32, #tpu.memory_space<vmem>>)
    %dma_start3A_13 = arith.constant 0 : i32
    %dma_start3A_14 = arith.constant 0 : i32
    %dma_start3A_15 = tpu.memref_slice %arg12[%dma_start3A_13, %dma_start3A_14] : memref<128x128xf32, #tpu.memory_space<vmem>> -> memref<16x128xf32, #tpu.memory_space<vmem>>
    %dma_start3A_16 = arith.constant 0 : i32
    %dma_start3A_17 = tpu.memref_slice %arg9[%dma_start3A_16] : memref<128xi32, #tpu.memory_space<vmem>> -> memref<16xi32, #tpu.memory_space<vmem>>
    %dma_start3A_18 = arith.constant 0 : i32
    %dma_start3A_19 = arith.constant 0 : i32
    %dma_start3A_20 = tpu.memref_slice %arg5[%dma_start3A_18, %dma_start3A_19] : memref<100000x128xf32, #tpu.memory_space<hbm>> -> memref<100000x128xf32, #tpu.memory_space<hbm>>
    tpu.enqueue_indirect_dma source(%dma_start3A_20 : memref<100000x128xf32, #tpu.memory_space<hbm>>) target(%dma_start3A_15 : memref<16x128xf32, #tpu.memory_space<vmem>>) offsets(%dma_start3A_17 : memref<16xi32, #tpu.memory_space<vmem>>) semaphore(%arg18 : memref<!tpu.dma_semaphore, #tpu.memory_space<semaphore_mem>>)
    %dma_start3A_21 = arith.constant 0 : i32
    %dma_start3A_22 = arith.constant 0 : i32
    %dma_start3A_23 = tpu.memref_slice %arg13[%dma_start3A_21, %dma_start3A_22] : memref<128x128xf32, #tpu.memory_space<vmem>> -> memref<16x128xf32, #tpu.memory_space<vmem>>
    %dma_start3A_24 = arith.constant 0 : i32
    %dma_start3A_25 = tpu.memref_slice %arg11[%dma_start3A_24] : memref<128xi32, #tpu.memory_space<vmem>> -> memref<16xi32, #tpu.memory_space<vmem>>
    %dma_start3A_26 = arith.constant 0 : i32
    %dma_start3A_27 = arith.constant 0 : i32
    %dma_start3A_28 = tpu.memref_slice %arg5[%dma_start3A_26, %dma_start3A_27] : memref<100000x128xf32, #tpu.memory_space<hbm>> -> memref<100000x128xf32, #tpu.memory_space<hbm>>
    tpu.enqueue_indirect_dma source(%dma_start3A_28 : memref<100000x128xf32, #tpu.memory_space<hbm>>) target(%dma_start3A_23 : memref<16x128xf32, #tpu.memory_space<vmem>>) offsets(%dma_start3A_25 : memref<16xi32, #tpu.memory_space<vmem>>) semaphore(%arg18 : memref<!tpu.dma_semaphore, #tpu.memory_space<semaphore_mem>>)
    %dma_start3A_29 = arith.constant 0 : i32
    %dma_start3A_30 = arith.constant 0 : i32
    %dma_start3A_31 = tpu.memref_slice %arg14[%dma_start3A_29, %dma_start3A_30] : memref<128x128xf32, #tpu.memory_space<vmem>> -> memref<16x128xf32, #tpu.memory_space<vmem>>
    %dma_start3A_32 = arith.constant 0 : i32
    %dma_start3A_33 = tpu.memref_slice %arg10[%dma_start3A_32] : memref<128xi32, #tpu.memory_space<vmem>> -> memref<16xi32, #tpu.memory_space<vmem>>
    %dma_start3A_34 = arith.constant 0 : i32
    %dma_start3A_35 = arith.constant 0 : i32
    %dma_start3A_36 = tpu.memref_slice %arg6[%dma_start3A_34, %dma_start3A_35] : memref<1000x128xf32, #tpu.memory_space<hbm>> -> memref<1000x128xf32, #tpu.memory_space<hbm>>
    tpu.enqueue_indirect_dma source(%dma_start3A_36 : memref<1000x128xf32, #tpu.memory_space<hbm>>) target(%dma_start3A_31 : memref<16x128xf32, #tpu.memory_space<vmem>>) offsets(%dma_start3A_33 : memref<16xi32, #tpu.memory_space<vmem>>) semaphore(%arg18 : memref<!tpu.dma_semaphore, #tpu.memory_space<semaphore_mem>>)
    %dma_start3A_37 = arith.constant 0 : i32
    %dma_start3A_38 = arith.constant 0 : i32
    %dma_start3A_39 = tpu.memref_slice %arg15[%dma_start3A_37, %dma_start3A_38] : memref<128x128xf32, #tpu.memory_space<vmem>> -> memref<16x128xf32, #tpu.memory_space<vmem>>
    %dma_start3A_40 = arith.constant 0 : i32
    %dma_start3A_41 = tpu.memref_slice %arg10[%dma_start3A_40] : memref<128xi32, #tpu.memory_space<vmem>> -> memref<16xi32, #tpu.memory_space<vmem>>
    %dma_start3A_42 = arith.constant 0 : i32
    %dma_start3A_43 = arith.constant 0 : i32
    %dma_start3A_44 = tpu.memref_slice %arg7[%dma_start3A_42, %dma_start3A_43] : memref<1000x128xf32, #tpu.memory_space<hbm>> -> memref<1000x128xf32, #tpu.memory_space<hbm>>
    tpu.enqueue_indirect_dma source(%dma_start3A_44 : memref<1000x128xf32, #tpu.memory_space<hbm>>) target(%dma_start3A_39 : memref<16x128xf32, #tpu.memory_space<vmem>>) offsets(%dma_start3A_41 : memref<16xi32, #tpu.memory_space<vmem>>) semaphore(%arg18 : memref<!tpu.dma_semaphore, #tpu.memory_space<semaphore_mem>>)
    %dma_start3A_45 = arith.constant 16 : i32
    %dma_start3A_46 = arith.constant 0 : i32
    %dma_start3A_47 = tpu.memref_slice %arg12[%dma_start3A_45, %dma_start3A_46] : memref<128x128xf32, #tpu.memory_space<vmem>> -> memref<16x128xf32, #tpu.memory_space<vmem>>
    %dma_start3A_48 = arith.constant 16 : i32
    %dma_start3A_49 = tpu.memref_slice %arg9[%dma_start3A_48] : memref<128xi32, #tpu.memory_space<vmem>> -> memref<16xi32, #tpu.memory_space<vmem>>
    %dma_start3A_50 = arith.constant 0 : i32
    %dma_start3A_51 = arith.constant 0 : i32
    %dma_start3A_52 = tpu.memref_slice %arg5[%dma_start3A_50, %dma_start3A_51] : memref<100000x128xf32, #tpu.memory_space<hbm>> -> memref<100000x128xf32, #tpu.memory_space<hbm>>
    tpu.enqueue_indirect_dma source(%dma_start3A_52 : memref<100000x128xf32, #tpu.memory_space<hbm>>) target(%dma_start3A_47 : memref<16x128xf32, #tpu.memory_space<vmem>>) offsets(%dma_start3A_49 : memref<16xi32, #tpu.memory_space<vmem>>) semaphore(%arg19 : memref<!tpu.dma_semaphore, #tpu.memory_space<semaphore_mem>>)
    %dma_start3A_53 = arith.constant 16 : i32
    %dma_start3A_54 = arith.constant 0 : i32
    %dma_start3A_55 = tpu.memref_slice %arg13[%dma_start3A_53, %dma_start3A_54] : memref<128x128xf32, #tpu.memory_space<vmem>> -> memref<16x128xf32, #tpu.memory_space<vmem>>
    %dma_start3A_56 = arith.constant 16 : i32
    %dma_start3A_57 = tpu.memref_slice %arg11[%dma_start3A_56] : memref<128xi32, #tpu.memory_space<vmem>> -> memref<16xi32, #tpu.memory_space<vmem>>
    %dma_start3A_58 = arith.constant 0 : i32
    %dma_start3A_59 = arith.constant 0 : i32
    %dma_start3A_60 = tpu.memref_slice %arg5[%dma_start3A_58, %dma_start3A_59] : memref<100000x128xf32, #tpu.memory_space<hbm>> -> memref<100000x128xf32, #tpu.memory_space<hbm>>
    tpu.enqueue_indirect_dma source(%dma_start3A_60 : memref<100000x128xf32, #tpu.memory_space<hbm>>) target(%dma_start3A_55 : memref<16x128xf32, #tpu.memory_space<vmem>>) offsets(%dma_start3A_57 : memref<16xi32, #tpu.memory_space<vmem>>) semaphore(%arg19 : memref<!tpu.dma_semaphore, #tpu.memory_space<semaphore_mem>>)
    %dma_start3A_61 = arith.constant 16 : i32
    %dma_start3A_62 = arith.constant 0 : i32
    %dma_start3A_63 = tpu.memref_slice %arg14[%dma_start3A_61, %dma_start3A_62] : memref<128x128xf32, #tpu.memory_space<vmem>> -> memref<16x128xf32, #tpu.memory_space<vmem>>
    %dma_start3A_64 = arith.constant 16 : i32
    %dma_start3A_65 = tpu.memref_slice %arg10[%dma_start3A_64] : memref<128xi32, #tpu.memory_space<vmem>> -> memref<16xi32, #tpu.memory_space<vmem>>
    %dma_start3A_66 = arith.constant 0 : i32
    %dma_start3A_67 = arith.constant 0 : i32
    %dma_start3A_68 = tpu.memref_slice %arg6[%dma_start3A_66, %dma_start3A_67] : memref<1000x128xf32, #tpu.memory_space<hbm>> -> memref<1000x128xf32, #tpu.memory_space<hbm>>
    tpu.enqueue_indirect_dma source(%dma_start3A_68 : memref<1000x128xf32, #tpu.memory_space<hbm>>) target(%dma_start3A_63 : memref<16x128xf32, #tpu.memory_space<vmem>>) offsets(%dma_start3A_65 : memref<16xi32, #tpu.memory_space<vmem>>) semaphore(%arg19 : memref<!tpu.dma_semaphore, #tpu.memory_space<semaphore_mem>>)
    %dma_start3A_69 = arith.constant 16 : i32
    %dma_start3A_70 = arith.constant 0 : i32
    %dma_start3A_71 = tpu.memref_slice %arg15[%dma_start3A_69, %dma_start3A_70] : memref<128x128xf32, #tpu.memory_space<vmem>> -> memref<16x128xf32, #tpu.memory_space<vmem>>
    %dma_start3A_72 = arith.constant 16 : i32
    %dma_start3A_73 = tpu.memref_slice %arg10[%dma_start3A_72] : memref<128xi32, #tpu.memory_space<vmem>> -> memref<16xi32, #tpu.memory_space<vmem>>
    %dma_start3A_74 = arith.constant 0 : i32
    %dma_start3A_75 = arith.constant 0 : i32
    %dma_start3A_76 = tpu.memref_slice %arg7[%dma_start3A_74, %dma_start3A_75] : memref<1000x128xf32, #tpu.memory_space<hbm>> -> memref<1000x128xf32, #tpu.memory_space<hbm>>
    tpu.enqueue_indirect_dma source(%dma_start3A_76 : memref<1000x128xf32, #tpu.memory_space<hbm>>) target(%dma_start3A_71 : memref<16x128xf32, #tpu.memory_space<vmem>>) offsets(%dma_start3A_73 : memref<16xi32, #tpu.memory_space<vmem>>) semaphore(%arg19 : memref<!tpu.dma_semaphore, #tpu.memory_space<semaphore_mem>>)
    %iota3A = tpu.iota {dimensions = array<i32: 0>} : vector<16xi32>
    %broadcast_in_dim3A = arith.constant 0.000000e+00 : f32
    %broadcast_in_dim3A_77 = vector.broadcast %broadcast_in_dim3A : f32 to vector<16xf32>
    %scan3A = arith.constant 0 : i32
    %scan3A_78 = arith.constant 32 : i32
    %scan3A_79 = arith.addi %scan3A, %scan3A_78 : i32
    %scan3A_80 = arith.constant 1 : i32
    %scan3A_81 = scf.for %scan3A_83 = %scan3A to %scan3A_79 step %scan3A_80 iter_args(%scan3A_84 = %broadcast_in_dim3A_77) -> (vector<16xf32>)  : i32 {
      %eq3A = arith.constant 0 : i32
      %eq3A_85 = arith.cmpi eq, %scan3A_83, %eq3A : i32
      %convert_element_type3A = arith.extui %eq3A_85 : i1 to i32
      %cond3A = arith.constant 0 : i32
      %cond3A_86 = arith.cmpi ne, %convert_element_type3A, %cond3A : i32
      scf.if %cond3A_86 {
        %dma_wait3A_1489 = arith.constant 0 : i32
        %dma_wait3A_1490 = arith.constant 0 : i32
        %dma_wait3A_1491 = tpu.memref_slice %arg12[%dma_wait3A_1489, %dma_wait3A_1490] : memref<128x128xf32, #tpu.memory_space<vmem>> -> memref<16x128xf32, #tpu.memory_space<vmem>>
        %dma_wait3A_1492 = arith.constant 0 : i32
        %dma_wait3A_1493 = tpu.memref_slice %arg9[%dma_wait3A_1492] : memref<128xi32, #tpu.memory_space<vmem>> -> memref<16xi32, #tpu.memory_space<vmem>>
        %dma_wait3A_1494 = arith.constant 0 : i32
        %dma_wait3A_1495 = arith.constant 0 : i32
        %dma_wait3A_1496 = tpu.memref_slice %arg5[%dma_wait3A_1494, %dma_wait3A_1495] : memref<100000x128xf32, #tpu.memory_space<hbm>> -> memref<100000x128xf32, #tpu.memory_space<hbm>>
        tpu.wait_indirect_dma semaphore(%arg18 : memref<!tpu.dma_semaphore, #tpu.memory_space<semaphore_mem>>) src(%dma_wait3A_1496 : memref<100000x128xf32, #tpu.memory_space<hbm>>) dst(%dma_wait3A_1491 : memref<16x128xf32, #tpu.memory_space<vmem>>)
        %dma_wait3A_1497 = arith.constant 0 : i32
        %dma_wait3A_1498 = arith.constant 0 : i32
        %dma_wait3A_1499 = tpu.memref_slice %arg13[%dma_wait3A_1497, %dma_wait3A_1498] : memref<128x128xf32, #tpu.memory_space<vmem>> -> memref<16x128xf32, #tpu.memory_space<vmem>>
        %dma_wait3A_1500 = arith.constant 0 : i32
        %dma_wait3A_1501 = tpu.memref_slice %arg11[%dma_wait3A_1500] : memref<128xi32, #tpu.memory_space<vmem>> -> memref<16xi32, #tpu.memory_space<vmem>>
        %dma_wait3A_1502 = arith.constant 0 : i32
        %dma_wait3A_1503 = arith.constant 0 : i32
        %dma_wait3A_1504 = tpu.memref_slice %arg5[%dma_wait3A_1502, %dma_wait3A_1503] : memref<100000x128xf32, #tpu.memory_space<hbm>> -> memref<100000x128xf32, #tpu.memory_space<hbm>>
        tpu.wait_indirect_dma semaphore(%arg18 : memref<!tpu.dma_semaphore, #tpu.memory_space<semaphore_mem>>) src(%dma_wait3A_1504 : memref<100000x128xf32, #tpu.memory_space<hbm>>) dst(%dma_wait3A_1499 : memref<16x128xf32, #tpu.memory_space<vmem>>)
        %dma_wait3A_1505 = arith.constant 0 : i32
        %dma_wait3A_1506 = arith.constant 0 : i32
        %dma_wait3A_1507 = tpu.memref_slice %arg14[%dma_wait3A_1505, %dma_wait3A_1506] : memref<128x128xf32, #tpu.memory_space<vmem>> -> memref<16x128xf32, #tpu.memory_space<vmem>>
        %dma_wait3A_1508 = arith.constant 0 : i32
        %dma_wait3A_1509 = tpu.memref_slice %arg10[%dma_wait3A_1508] : memref<128xi32, #tpu.memory_space<vmem>> -> memref<16xi32, #tpu.memory_space<vmem>>
        %dma_wait3A_1510 = arith.constant 0 : i32
        %dma_wait3A_1511 = arith.constant 0 : i32
        %dma_wait3A_1512 = tpu.memref_slice %arg6[%dma_wait3A_1510, %dma_wait3A_1511] : memref<1000x128xf32, #tpu.memory_space<hbm>> -> memref<1000x128xf32, #tpu.memory_space<hbm>>
        tpu.wait_indirect_dma semaphore(%arg18 : memref<!tpu.dma_semaphore, #tpu.memory_space<semaphore_mem>>) src(%dma_wait3A_1512 : memref<1000x128xf32, #tpu.memory_space<hbm>>) dst(%dma_wait3A_1507 : memref<16x128xf32, #tpu.memory_space<vmem>>)
        %dma_wait3A_1513 = arith.constant 0 : i32
        %dma_wait3A_1514 = arith.constant 0 : i32
        %dma_wait3A_1515 = tpu.memref_slice %arg15[%dma_wait3A_1513, %dma_wait3A_1514] : memref<128x128xf32, #tpu.memory_space<vmem>> -> memref<16x128xf32, #tpu.memory_space<vmem>>
        %dma_wait3A_1516 = arith.constant 0 : i32
        %dma_wait3A_1517 = tpu.memref_slice %arg10[%dma_wait3A_1516] : memref<128xi32, #tpu.memory_space<vmem>> -> memref<16xi32, #tpu.memory_space<vmem>>
        %dma_wait3A_1518 = arith.constant 0 : i32
        %dma_wait3A_1519 = arith.constant 0 : i32
        %dma_wait3A_1520 = tpu.memref_slice %arg7[%dma_wait3A_1518, %dma_wait3A_1519] : memref<1000x128xf32, #tpu.memory_space<hbm>> -> memref<1000x128xf32, #tpu.memory_space<hbm>>
        tpu.wait_indirect_dma semaphore(%arg18 : memref<!tpu.dma_semaphore, #tpu.memory_space<semaphore_mem>>) src(%dma_wait3A_1520 : memref<1000x128xf32, #tpu.memory_space<hbm>>) dst(%dma_wait3A_1515 : memref<16x128xf32, #tpu.memory_space<vmem>>)
        %dma_start3A_1521 = arith.constant 32 : i32
        %dma_start3A_1522 = arith.constant 0 : i32
        %dma_start3A_1523 = tpu.memref_slice %arg12[%dma_start3A_1521, %dma_start3A_1522] : memref<128x128xf32, #tpu.memory_space<vmem>> -> memref<16x128xf32, #tpu.memory_space<vmem>>
        %dma_start3A_1524 = arith.constant 32 : i32
        %dma_start3A_1525 = tpu.memref_slice %arg9[%dma_start3A_1524] : memref<128xi32, #tpu.memory_space<vmem>> -> memref<16xi32, #tpu.memory_space<vmem>>
        %dma_start3A_1526 = arith.constant 0 : i32
        %dma_start3A_1527 = arith.constant 0 : i32
        %dma_start3A_1528 = tpu.memref_slice %arg5[%dma_start3A_1526, %dma_start3A_1527] : memref<100000x128xf32, #tpu.memory_space<hbm>> -> memref<100000x128xf32, #tpu.memory_space<hbm>>
        tpu.enqueue_indirect_dma source(%dma_start3A_1528 : memref<100000x128xf32, #tpu.memory_space<hbm>>) target(%dma_start3A_1523 : memref<16x128xf32, #tpu.memory_space<vmem>>) offsets(%dma_start3A_1525 : memref<16xi32, #tpu.memory_space<vmem>>) semaphore(%arg20 : memref<!tpu.dma_semaphore, #tpu.memory_space<semaphore_mem>>)
        %dma_start3A_1529 = arith.constant 32 : i32
        %dma_start3A_1530 = arith.constant 0 : i32
        %dma_start3A_1531 = tpu.memref_slice %arg13[%dma_start3A_1529, %dma_start3A_1530] : memref<128x128xf32, #tpu.memory_space<vmem>> -> memref<16x128xf32, #tpu.memory_space<vmem>>
        %dma_start3A_1532 = arith.constant 32 : i32
        %dma_start3A_1533 = tpu.memref_slice %arg11[%dma_start3A_1532] : memref<128xi32, #tpu.memory_space<vmem>> -> memref<16xi32, #tpu.memory_space<vmem>>
        %dma_start3A_1534 = arith.constant 0 : i32
        %dma_start3A_1535 = arith.constant 0 : i32
        %dma_start3A_1536 = tpu.memref_slice %arg5[%dma_start3A_1534, %dma_start3A_1535] : memref<100000x128xf32, #tpu.memory_space<hbm>> -> memref<100000x128xf32, #tpu.memory_space<hbm>>
        tpu.enqueue_indirect_dma source(%dma_start3A_1536 : memref<100000x128xf32, #tpu.memory_space<hbm>>) target(%dma_start3A_1531 : memref<16x128xf32, #tpu.memory_space<vmem>>) offsets(%dma_start3A_1533 : memref<16xi32, #tpu.memory_space<vmem>>) semaphore(%arg20 : memref<!tpu.dma_semaphore, #tpu.memory_space<semaphore_mem>>)
        %dma_start3A_1537 = arith.constant 32 : i32
        %dma_start3A_1538 = arith.constant 0 : i32
        %dma_start3A_1539 = tpu.memref_slice %arg14[%dma_start3A_1537, %dma_start3A_1538] : memref<128x128xf32, #tpu.memory_space<vmem>> -> memref<16x128xf32, #tpu.memory_space<vmem>>
        %dma_start3A_1540 = arith.constant 32 : i32
        %dma_start3A_1541 = tpu.memref_slice %arg10[%dma_start3A_1540] : memref<128xi32, #tpu.memory_space<vmem>> -> memref<16xi32, #tpu.memory_space<vmem>>
        %dma_start3A_1542 = arith.constant 0 : i32
        %dma_start3A_1543 = arith.constant 0 : i32
        %dma_start3A_1544 = tpu.memref_slice %arg6[%dma_start3A_1542, %dma_start3A_1543] : memref<1000x128xf32, #tpu.memory_space<hbm>> -> memref<1000x128xf32, #tpu.memory_space<hbm>>
        tpu.enqueue_indirect_dma source(%dma_start3A_1544 : memref<1000x128xf32, #tpu.memory_space<hbm>>) target(%dma_start3A_1539 : memref<16x128xf32, #tpu.memory_space<vmem>>) offsets(%dma_start3A_1541 : memref<16xi32, #tpu.memory_space<vmem>>) semaphore(%arg20 : memref<!tpu.dma_semaphore, #tpu.memory_space<semaphore_mem>>)
        %dma_start3A_1545 = arith.constant 32 : i32
        %dma_start3A_1546 = arith.constant 0 : i32
        %dma_start3A_1547 = tpu.memref_slice %arg15[%dma_start3A_1545, %dma_start3A_1546] : memref<128x128xf32, #tpu.memory_space<vmem>> -> memref<16x128xf32, #tpu.memory_space<vmem>>
        %dma_start3A_1548 = arith.constant 32 : i32
        %dma_start3A_1549 = tpu.memref_slice %arg10[%dma_start3A_1548] : memref<128xi32, #tpu.memory_space<vmem>> -> memref<16xi32, #tpu.memory_space<vmem>>
        %dma_start3A_1550 = arith.constant 0 : i32
        %dma_start3A_1551 = arith.constant 0 : i32
        %dma_start3A_1552 = tpu.memref_slice %arg7[%dma_start3A_1550, %dma_start3A_1551] : memref<1000x128xf32, #tpu.memory_space<hbm>> -> memref<1000x128xf32, #tpu.memory_space<hbm>>
        tpu.enqueue_indirect_dma source(%dma_start3A_1552 : memref<1000x128xf32, #tpu.memory_space<hbm>>) target(%dma_start3A_1547 : memref<16x128xf32, #tpu.memory_space<vmem>>) offsets(%dma_start3A_1549 : memref<16xi32, #tpu.memory_space<vmem>>) semaphore(%arg20 : memref<!tpu.dma_semaphore, #tpu.memory_space<semaphore_mem>>)
      } else {
      }
      %eq3A_87 = arith.constant 4 : i32
      %eq3A_88 = arith.cmpi eq, %scan3A_83, %eq3A_87 : i32
      %convert_element_type3A_89 = arith.extui %eq3A_88 : i1 to i32
      %cond3A_90 = arith.constant 0 : i32
      %cond3A_91 = arith.cmpi ne, %convert_element_type3A_89, %cond3A_90 : i32
      scf.if %cond3A_91 {
        %dma_wait3A_1489 = arith.constant 16 : i32
        %dma_wait3A_1490 = arith.constant 0 : i32
        %dma_wait3A_1491 = tpu.memref_slice %arg12[%dma_wait3A_1489, %dma_wait3A_1490] : memref<128x128xf32, #tpu.memory_space<vmem>> -> memref<16x128xf32, #tpu.memory_space<vmem>>
        %dma_wait3A_1492 = arith.constant 16 : i32
        %dma_wait3A_1493 = tpu.memref_slice %arg9[%dma_wait3A_1492] : memref<128xi32, #tpu.memory_space<vmem>> -> memref<16xi32, #tpu.memory_space<vmem>>
        %dma_wait3A_1494 = arith.constant 0 : i32
        %dma_wait3A_1495 = arith.constant 0 : i32
        %dma_wait3A_1496 = tpu.memref_slice %arg5[%dma_wait3A_1494, %dma_wait3A_1495] : memref<100000x128xf32, #tpu.memory_space<hbm>> -> memref<100000x128xf32, #tpu.memory_space<hbm>>
        tpu.wait_indirect_dma semaphore(%arg19 : memref<!tpu.dma_semaphore, #tpu.memory_space<semaphore_mem>>) src(%dma_wait3A_1496 : memref<100000x128xf32, #tpu.memory_space<hbm>>) dst(%dma_wait3A_1491 : memref<16x128xf32, #tpu.memory_space<vmem>>)
        %dma_wait3A_1497 = arith.constant 16 : i32
        %dma_wait3A_1498 = arith.constant 0 : i32
        %dma_wait3A_1499 = tpu.memref_slice %arg13[%dma_wait3A_1497, %dma_wait3A_1498] : memref<128x128xf32, #tpu.memory_space<vmem>> -> memref<16x128xf32, #tpu.memory_space<vmem>>
        %dma_wait3A_1500 = arith.constant 16 : i32
        %dma_wait3A_1501 = tpu.memref_slice %arg11[%dma_wait3A_1500] : memref<128xi32, #tpu.memory_space<vmem>> -> memref<16xi32, #tpu.memory_space<vmem>>
        %dma_wait3A_1502 = arith.constant 0 : i32
        %dma_wait3A_1503 = arith.constant 0 : i32
        %dma_wait3A_1504 = tpu.memref_slice %arg5[%dma_wait3A_1502, %dma_wait3A_1503] : memref<100000x128xf32, #tpu.memory_space<hbm>> -> memref<100000x128xf32, #tpu.memory_space<hbm>>
        tpu.wait_indirect_dma semaphore(%arg19 : memref<!tpu.dma_semaphore, #tpu.memory_space<semaphore_mem>>) src(%dma_wait3A_1504 : memref<100000x128xf32, #tpu.memory_space<hbm>>) dst(%dma_wait3A_1499 : memref<16x128xf32, #tpu.memory_space<vmem>>)
        %dma_wait3A_1505 = arith.constant 16 : i32
        %dma_wait3A_1506 = arith.constant 0 : i32
        %dma_wait3A_1507 = tpu.memref_slice %arg14[%dma_wait3A_1505, %dma_wait3A_1506] : memref<128x128xf32, #tpu.memory_space<vmem>> -> memref<16x128xf32, #tpu.memory_space<vmem>>
        %dma_wait3A_1508 = arith.constant 16 : i32
        %dma_wait3A_1509 = tpu.memref_slice %arg10[%dma_wait3A_1508] : memref<128xi32, #tpu.memory_space<vmem>> -> memref<16xi32, #tpu.memory_space<vmem>>
        %dma_wait3A_1510 = arith.constant 0 : i32
        %dma_wait3A_1511 = arith.constant 0 : i32
        %dma_wait3A_1512 = tpu.memref_slice %arg6[%dma_wait3A_1510, %dma_wait3A_1511] : memref<1000x128xf32, #tpu.memory_space<hbm>> -> memref<1000x128xf32, #tpu.memory_space<hbm>>
        tpu.wait_indirect_dma semaphore(%arg19 : memref<!tpu.dma_semaphore, #tpu.memory_space<semaphore_mem>>) src(%dma_wait3A_1512 : memref<1000x128xf32, #tpu.memory_space<hbm>>) dst(%dma_wait3A_1507 : memref<16x128xf32, #tpu.memory_space<vmem>>)
        %dma_wait3A_1513 = arith.constant 16 : i32
        %dma_wait3A_1514 = arith.constant 0 : i32
        %dma_wait3A_1515 = tpu.memref_slice %arg15[%dma_wait3A_1513, %dma_wait3A_1514] : memref<128x128xf32, #tpu.memory_space<vmem>> -> memref<16x128xf32, #tpu.memory_space<vmem>>
        %dma_wait3A_1516 = arith.constant 16 : i32
        %dma_wait3A_1517 = tpu.memref_slice %arg10[%dma_wait3A_1516] : memref<128xi32, #tpu.memory_space<vmem>> -> memref<16xi32, #tpu.memory_space<vmem>>
        %dma_wait3A_1518 = arith.constant 0 : i32
        %dma_wait3A_1519 = arith.constant 0 : i32
        %dma_wait3A_1520 = tpu.memref_slice %arg7[%dma_wait3A_1518, %dma_wait3A_1519] : memref<1000x128xf32, #tpu.memory_space<hbm>> -> memref<1000x128xf32, #tpu.memory_space<hbm>>
        tpu.wait_indirect_dma semaphore(%arg19 : memref<!tpu.dma_semaphore, #tpu.memory_space<semaphore_mem>>) src(%dma_wait3A_1520 : memref<1000x128xf32, #tpu.memory_space<hbm>>) dst(%dma_wait3A_1515 : memref<16x128xf32, #tpu.memory_space<vmem>>)
        %dma_start3A_1521 = arith.constant 48 : i32
        %dma_start3A_1522 = arith.constant 0 : i32
        %dma_start3A_1523 = tpu.memref_slice %arg12[%dma_start3A_1521, %dma_start3A_1522] : memref<128x128xf32, #tpu.memory_space<vmem>> -> memref<16x128xf32, #tpu.memory_space<vmem>>
        %dma_start3A_1524 = arith.constant 48 : i32
        %dma_start3A_1525 = tpu.memref_slice %arg9[%dma_start3A_1524] : memref<128xi32, #tpu.memory_space<vmem>> -> memref<16xi32, #tpu.memory_space<vmem>>
        %dma_start3A_1526 = arith.constant 0 : i32
        %dma_start3A_1527 = arith.constant 0 : i32
        %dma_start3A_1528 = tpu.memref_slice %arg5[%dma_start3A_1526, %dma_start3A_1527] : memref<100000x128xf32, #tpu.memory_space<hbm>> -> memref<100000x128xf32, #tpu.memory_space<hbm>>
        tpu.enqueue_indirect_dma source(%dma_start3A_1528 : memref<100000x128xf32, #tpu.memory_space<hbm>>) target(%dma_start3A_1523 : memref<16x128xf32, #tpu.memory_space<vmem>>) offsets(%dma_start3A_1525 : memref<16xi32, #tpu.memory_space<vmem>>) semaphore(%arg21 : memref<!tpu.dma_semaphore, #tpu.memory_space<semaphore_mem>>)
        %dma_start3A_1529 = arith.constant 48 : i32
        %dma_start3A_1530 = arith.constant 0 : i32
        %dma_start3A_1531 = tpu.memref_slice %arg13[%dma_start3A_1529, %dma_start3A_1530] : memref<128x128xf32, #tpu.memory_space<vmem>> -> memref<16x128xf32, #tpu.memory_space<vmem>>
        %dma_start3A_1532 = arith.constant 48 : i32
        %dma_start3A_1533 = tpu.memref_slice %arg11[%dma_start3A_1532] : memref<128xi32, #tpu.memory_space<vmem>> -> memref<16xi32, #tpu.memory_space<vmem>>
        %dma_start3A_1534 = arith.constant 0 : i32
        %dma_start3A_1535 = arith.constant 0 : i32
        %dma_start3A_1536 = tpu.memref_slice %arg5[%dma_start3A_1534, %dma_start3A_1535] : memref<100000x128xf32, #tpu.memory_space<hbm>> -> memref<100000x128xf32, #tpu.memory_space<hbm>>
        tpu.enqueue_indirect_dma source(%dma_start3A_1536 : memref<100000x128xf32, #tpu.memory_space<hbm>>) target(%dma_start3A_1531 : memref<16x128xf32, #tpu.memory_space<vmem>>) offsets(%dma_start3A_1533 : memref<16xi32, #tpu.memory_space<vmem>>) semaphore(%arg21 : memref<!tpu.dma_semaphore, #tpu.memory_space<semaphore_mem>>)
        %dma_start3A_1537 = arith.constant 48 : i32
        %dma_start3A_1538 = arith.constant 0 : i32
        %dma_start3A_1539 = tpu.memref_slice %arg14[%dma_start3A_1537, %dma_start3A_1538] : memref<128x128xf32, #tpu.memory_space<vmem>> -> memref<16x128xf32, #tpu.memory_space<vmem>>
        %dma_start3A_1540 = arith.constant 48 : i32
        %dma_start3A_1541 = tpu.memref_slice %arg10[%dma_start3A_1540] : memref<128xi32, #tpu.memory_space<vmem>> -> memref<16xi32, #tpu.memory_space<vmem>>
        %dma_start3A_1542 = arith.constant 0 : i32
        %dma_start3A_1543 = arith.constant 0 : i32
        %dma_start3A_1544 = tpu.memref_slice %arg6[%dma_start3A_1542, %dma_start3A_1543] : memref<1000x128xf32, #tpu.memory_space<hbm>> -> memref<1000x128xf32, #tpu.memory_space<hbm>>
        tpu.enqueue_indirect_dma source(%dma_start3A_1544 : memref<1000x128xf32, #tpu.memory_space<hbm>>) target(%dma_start3A_1539 : memref<16x128xf32, #tpu.memory_space<vmem>>) offsets(%dma_start3A_1541 : memref<16xi32, #tpu.memory_space<vmem>>) semaphore(%arg21 : memref<!tpu.dma_semaphore, #tpu.memory_space<semaphore_mem>>)
        %dma_start3A_1545 = arith.constant 48 : i32
        %dma_start3A_1546 = arith.constant 0 : i32
        %dma_start3A_1547 = tpu.memref_slice %arg15[%dma_start3A_1545, %dma_start3A_1546] : memref<128x128xf32, #tpu.memory_space<vmem>> -> memref<16x128xf32, #tpu.memory_space<vmem>>
        %dma_start3A_1548 = arith.constant 48 : i32
        %dma_start3A_1549 = tpu.memref_slice %arg10[%dma_start3A_1548] : memref<128xi32, #tpu.memory_space<vmem>> -> memref<16xi32, #tpu.memory_space<vmem>>
        %dma_start3A_1550 = arith.constant 0 : i32
        %dma_start3A_1551 = arith.constant 0 : i32
        %dma_start3A_1552 = tpu.memref_slice %arg7[%dma_start3A_1550, %dma_start3A_1551] : memref<1000x128xf32, #tpu.memory_space<hbm>> -> memref<1000x128xf32, #tpu.memory_space<hbm>>
        tpu.enqueue_indirect_dma source(%dma_start3A_1552 : memref<1000x128xf32, #tpu.memory_space<hbm>>) target(%dma_start3A_1547 : memref<16x128xf32, #tpu.memory_space<vmem>>) offsets(%dma_start3A_1549 : memref<16xi32, #tpu.memory_space<vmem>>) semaphore(%arg21 : memref<!tpu.dma_semaphore, #tpu.memory_space<semaphore_mem>>)
      } else {
      }
      %eq3A_92 = arith.constant 8 : i32
      %eq3A_93 = arith.cmpi eq, %scan3A_83, %eq3A_92 : i32
      %convert_element_type3A_94 = arith.extui %eq3A_93 : i1 to i32
      %cond3A_95 = arith.constant 0 : i32
      %cond3A_96 = arith.cmpi ne, %convert_element_type3A_94, %cond3A_95 : i32
      scf.if %cond3A_96 {
        %dma_wait3A_1489 = arith.constant 32 : i32
        %dma_wait3A_1490 = arith.constant 0 : i32
        %dma_wait3A_1491 = tpu.memref_slice %arg12[%dma_wait3A_1489, %dma_wait3A_1490] : memref<128x128xf32, #tpu.memory_space<vmem>> -> memref<16x128xf32, #tpu.memory_space<vmem>>
        %dma_wait3A_1492 = arith.constant 32 : i32
        %dma_wait3A_1493 = tpu.memref_slice %arg9[%dma_wait3A_1492] : memref<128xi32, #tpu.memory_space<vmem>> -> memref<16xi32, #tpu.memory_space<vmem>>
        %dma_wait3A_1494 = arith.constant 0 : i32
        %dma_wait3A_1495 = arith.constant 0 : i32
        %dma_wait3A_1496 = tpu.memref_slice %arg5[%dma_wait3A_1494, %dma_wait3A_1495] : memref<100000x128xf32, #tpu.memory_space<hbm>> -> memref<100000x128xf32, #tpu.memory_space<hbm>>
        tpu.wait_indirect_dma semaphore(%arg20 : memref<!tpu.dma_semaphore, #tpu.memory_space<semaphore_mem>>) src(%dma_wait3A_1496 : memref<100000x128xf32, #tpu.memory_space<hbm>>) dst(%dma_wait3A_1491 : memref<16x128xf32, #tpu.memory_space<vmem>>)
        %dma_wait3A_1497 = arith.constant 32 : i32
        %dma_wait3A_1498 = arith.constant 0 : i32
        %dma_wait3A_1499 = tpu.memref_slice %arg13[%dma_wait3A_1497, %dma_wait3A_1498] : memref<128x128xf32, #tpu.memory_space<vmem>> -> memref<16x128xf32, #tpu.memory_space<vmem>>
        %dma_wait3A_1500 = arith.constant 32 : i32
        %dma_wait3A_1501 = tpu.memref_slice %arg11[%dma_wait3A_1500] : memref<128xi32, #tpu.memory_space<vmem>> -> memref<16xi32, #tpu.memory_space<vmem>>
        %dma_wait3A_1502 = arith.constant 0 : i32
        %dma_wait3A_1503 = arith.constant 0 : i32
        %dma_wait3A_1504 = tpu.memref_slice %arg5[%dma_wait3A_1502, %dma_wait3A_1503] : memref<100000x128xf32, #tpu.memory_space<hbm>> -> memref<100000x128xf32, #tpu.memory_space<hbm>>
        tpu.wait_indirect_dma semaphore(%arg20 : memref<!tpu.dma_semaphore, #tpu.memory_space<semaphore_mem>>) src(%dma_wait3A_1504 : memref<100000x128xf32, #tpu.memory_space<hbm>>) dst(%dma_wait3A_1499 : memref<16x128xf32, #tpu.memory_space<vmem>>)
        %dma_wait3A_1505 = arith.constant 32 : i32
        %dma_wait3A_1506 = arith.constant 0 : i32
        %dma_wait3A_1507 = tpu.memref_slice %arg14[%dma_wait3A_1505, %dma_wait3A_1506] : memref<128x128xf32, #tpu.memory_space<vmem>> -> memref<16x128xf32, #tpu.memory_space<vmem>>
        %dma_wait3A_1508 = arith.constant 32 : i32
        %dma_wait3A_1509 = tpu.memref_slice %arg10[%dma_wait3A_1508] : memref<128xi32, #tpu.memory_space<vmem>> -> memref<16xi32, #tpu.memory_space<vmem>>
        %dma_wait3A_1510 = arith.constant 0 : i32
        %dma_wait3A_1511 = arith.constant 0 : i32
        %dma_wait3A_1512 = tpu.memref_slice %arg6[%dma_wait3A_1510, %dma_wait3A_1511] : memref<1000x128xf32, #tpu.memory_space<hbm>> -> memref<1000x128xf32, #tpu.memory_space<hbm>>
        tpu.wait_indirect_dma semaphore(%arg20 : memref<!tpu.dma_semaphore, #tpu.memory_space<semaphore_mem>>) src(%dma_wait3A_1512 : memref<1000x128xf32, #tpu.memory_space<hbm>>) dst(%dma_wait3A_1507 : memref<16x128xf32, #tpu.memory_space<vmem>>)
        %dma_wait3A_1513 = arith.constant 32 : i32
        %dma_wait3A_1514 = arith.constant 0 : i32
        %dma_wait3A_1515 = tpu.memref_slice %arg15[%dma_wait3A_1513, %dma_wait3A_1514] : memref<128x128xf32, #tpu.memory_space<vmem>> -> memref<16x128xf32, #tpu.memory_space<vmem>>
        %dma_wait3A_1516 = arith.constant 32 : i32
        %dma_wait3A_1517 = tpu.memref_slice %arg10[%dma_wait3A_1516] : memref<128xi32, #tpu.memory_space<vmem>> -> memref<16xi32, #tpu.memory_space<vmem>>
        %dma_wait3A_1518 = arith.constant 0 : i32
        %dma_wait3A_1519 = arith.constant 0 : i32
        %dma_wait3A_1520 = tpu.memref_slice %arg7[%dma_wait3A_1518, %dma_wait3A_1519] : memref<1000x128xf32, #tpu.memory_space<hbm>> -> memref<1000x128xf32, #tpu.memory_space<hbm>>
        tpu.wait_indirect_dma semaphore(%arg20 : memref<!tpu.dma_semaphore, #tpu.memory_space<semaphore_mem>>) src(%dma_wait3A_1520 : memref<1000x128xf32, #tpu.memory_space<hbm>>) dst(%dma_wait3A_1515 : memref<16x128xf32, #tpu.memory_space<vmem>>)
        %dma_start3A_1521 = arith.constant 64 : i32
        %dma_start3A_1522 = arith.constant 0 : i32
        %dma_start3A_1523 = tpu.memref_slice %arg12[%dma_start3A_1521, %dma_start3A_1522] : memref<128x128xf32, #tpu.memory_space<vmem>> -> memref<16x128xf32, #tpu.memory_space<vmem>>
        %dma_start3A_1524 = arith.constant 64 : i32
        %dma_start3A_1525 = tpu.memref_slice %arg9[%dma_start3A_1524] : memref<128xi32, #tpu.memory_space<vmem>> -> memref<16xi32, #tpu.memory_space<vmem>>
        %dma_start3A_1526 = arith.constant 0 : i32
        %dma_start3A_1527 = arith.constant 0 : i32
        %dma_start3A_1528 = tpu.memref_slice %arg5[%dma_start3A_1526, %dma_start3A_1527] : memref<100000x128xf32, #tpu.memory_space<hbm>> -> memref<100000x128xf32, #tpu.memory_space<hbm>>
        tpu.enqueue_indirect_dma source(%dma_start3A_1528 : memref<100000x128xf32, #tpu.memory_space<hbm>>) target(%dma_start3A_1523 : memref<16x128xf32, #tpu.memory_space<vmem>>) offsets(%dma_start3A_1525 : memref<16xi32, #tpu.memory_space<vmem>>) semaphore(%arg22 : memref<!tpu.dma_semaphore, #tpu.memory_space<semaphore_mem>>)
        %dma_start3A_1529 = arith.constant 64 : i32
        %dma_start3A_1530 = arith.constant 0 : i32
        %dma_start3A_1531 = tpu.memref_slice %arg13[%dma_start3A_1529, %dma_start3A_1530] : memref<128x128xf32, #tpu.memory_space<vmem>> -> memref<16x128xf32, #tpu.memory_space<vmem>>
        %dma_start3A_1532 = arith.constant 64 : i32
        %dma_start3A_1533 = tpu.memref_slice %arg11[%dma_start3A_1532] : memref<128xi32, #tpu.memory_space<vmem>> -> memref<16xi32, #tpu.memory_space<vmem>>
        %dma_start3A_1534 = arith.constant 0 : i32
        %dma_start3A_1535 = arith.constant 0 : i32
        %dma_start3A_1536 = tpu.memref_slice %arg5[%dma_start3A_1534, %dma_start3A_1535] : memref<100000x128xf32, #tpu.memory_space<hbm>> -> memref<100000x128xf32, #tpu.memory_space<hbm>>
        tpu.enqueue_indirect_dma source(%dma_start3A_1536 : memref<100000x128xf32, #tpu.memory_space<hbm>>) target(%dma_start3A_1531 : memref<16x128xf32, #tpu.memory_space<vmem>>) offsets(%dma_start3A_1533 : memref<16xi32, #tpu.memory_space<vmem>>) semaphore(%arg22 : memref<!tpu.dma_semaphore, #tpu.memory_space<semaphore_mem>>)
        %dma_start3A_1537 = arith.constant 64 : i32
        %dma_start3A_1538 = arith.constant 0 : i32
        %dma_start3A_1539 = tpu.memref_slice %arg14[%dma_start3A_1537, %dma_start3A_1538] : memref<128x128xf32, #tpu.memory_space<vmem>> -> memref<16x128xf32, #tpu.memory_space<vmem>>
        %dma_start3A_1540 = arith.constant 64 : i32
        %dma_start3A_1541 = tpu.memref_slice %arg10[%dma_start3A_1540] : memref<128xi32, #tpu.memory_space<vmem>> -> memref<16xi32, #tpu.memory_space<vmem>>
        %dma_start3A_1542 = arith.constant 0 : i32
        %dma_start3A_1543 = arith.constant 0 : i32
        %dma_start3A_1544 = tpu.memref_slice %arg6[%dma_start3A_1542, %dma_start3A_1543] : memref<1000x128xf32, #tpu.memory_space<hbm>> -> memref<1000x128xf32, #tpu.memory_space<hbm>>
        tpu.enqueue_indirect_dma source(%dma_start3A_1544 : memref<1000x128xf32, #tpu.memory_space<hbm>>) target(%dma_start3A_1539 : memref<16x128xf32, #tpu.memory_space<vmem>>) offsets(%dma_start3A_1541 : memref<16xi32, #tpu.memory_space<vmem>>) semaphore(%arg22 : memref<!tpu.dma_semaphore, #tpu.memory_space<semaphore_mem>>)
        %dma_start3A_1545 = arith.constant 64 : i32
        %dma_start3A_1546 = arith.constant 0 : i32
        %dma_start3A_1547 = tpu.memref_slice %arg15[%dma_start3A_1545, %dma_start3A_1546] : memref<128x128xf32, #tpu.memory_space<vmem>> -> memref<16x128xf32, #tpu.memory_space<vmem>>
        %dma_start3A_1548 = arith.constant 64 : i32
        %dma_start3A_1549 = tpu.memref_slice %arg10[%dma_start3A_1548] : memref<128xi32, #tpu.memory_space<vmem>> -> memref<16xi32, #tpu.memory_space<vmem>>
        %dma_start3A_1550 = arith.constant 0 : i32
        %dma_start3A_1551 = arith.constant 0 : i32
        %dma_start3A_1552 = tpu.memref_slice %arg7[%dma_start3A_1550, %dma_start3A_1551] : memref<1000x128xf32, #tpu.memory_space<hbm>> -> memref<1000x128xf32, #tpu.memory_space<hbm>>
        tpu.enqueue_indirect_dma source(%dma_start3A_1552 : memref<1000x128xf32, #tpu.memory_space<hbm>>) target(%dma_start3A_1547 : memref<16x128xf32, #tpu.memory_space<vmem>>) offsets(%dma_start3A_1549 : memref<16xi32, #tpu.memory_space<vmem>>) semaphore(%arg22 : memref<!tpu.dma_semaphore, #tpu.memory_space<semaphore_mem>>)
      } else {
      }
      %eq3A_97 = arith.constant 12 : i32
      %eq3A_98 = arith.cmpi eq, %scan3A_83, %eq3A_97 : i32
      %convert_element_type3A_99 = arith.extui %eq3A_98 : i1 to i32
      %cond3A_100 = arith.constant 0 : i32
      %cond3A_101 = arith.cmpi ne, %convert_element_type3A_99, %cond3A_100 : i32
      scf.if %cond3A_101 {
        %dma_wait3A_1489 = arith.constant 48 : i32
        %dma_wait3A_1490 = arith.constant 0 : i32
        %dma_wait3A_1491 = tpu.memref_slice %arg12[%dma_wait3A_1489, %dma_wait3A_1490] : memref<128x128xf32, #tpu.memory_space<vmem>> -> memref<16x128xf32, #tpu.memory_space<vmem>>
        %dma_wait3A_1492 = arith.constant 48 : i32
        %dma_wait3A_1493 = tpu.memref_slice %arg9[%dma_wait3A_1492] : memref<128xi32, #tpu.memory_space<vmem>> -> memref<16xi32, #tpu.memory_space<vmem>>
        %dma_wait3A_1494 = arith.constant 0 : i32
        %dma_wait3A_1495 = arith.constant 0 : i32
        %dma_wait3A_1496 = tpu.memref_slice %arg5[%dma_wait3A_1494, %dma_wait3A_1495] : memref<100000x128xf32, #tpu.memory_space<hbm>> -> memref<100000x128xf32, #tpu.memory_space<hbm>>
        tpu.wait_indirect_dma semaphore(%arg21 : memref<!tpu.dma_semaphore, #tpu.memory_space<semaphore_mem>>) src(%dma_wait3A_1496 : memref<100000x128xf32, #tpu.memory_space<hbm>>) dst(%dma_wait3A_1491 : memref<16x128xf32, #tpu.memory_space<vmem>>)
        %dma_wait3A_1497 = arith.constant 48 : i32
        %dma_wait3A_1498 = arith.constant 0 : i32
        %dma_wait3A_1499 = tpu.memref_slice %arg13[%dma_wait3A_1497, %dma_wait3A_1498] : memref<128x128xf32, #tpu.memory_space<vmem>> -> memref<16x128xf32, #tpu.memory_space<vmem>>
        %dma_wait3A_1500 = arith.constant 48 : i32
        %dma_wait3A_1501 = tpu.memref_slice %arg11[%dma_wait3A_1500] : memref<128xi32, #tpu.memory_space<vmem>> -> memref<16xi32, #tpu.memory_space<vmem>>
        %dma_wait3A_1502 = arith.constant 0 : i32
        %dma_wait3A_1503 = arith.constant 0 : i32
        %dma_wait3A_1504 = tpu.memref_slice %arg5[%dma_wait3A_1502, %dma_wait3A_1503] : memref<100000x128xf32, #tpu.memory_space<hbm>> -> memref<100000x128xf32, #tpu.memory_space<hbm>>
        tpu.wait_indirect_dma semaphore(%arg21 : memref<!tpu.dma_semaphore, #tpu.memory_space<semaphore_mem>>) src(%dma_wait3A_1504 : memref<100000x128xf32, #tpu.memory_space<hbm>>) dst(%dma_wait3A_1499 : memref<16x128xf32, #tpu.memory_space<vmem>>)
        %dma_wait3A_1505 = arith.constant 48 : i32
        %dma_wait3A_1506 = arith.constant 0 : i32
        %dma_wait3A_1507 = tpu.memref_slice %arg14[%dma_wait3A_1505, %dma_wait3A_1506] : memref<128x128xf32, #tpu.memory_space<vmem>> -> memref<16x128xf32, #tpu.memory_space<vmem>>
        %dma_wait3A_1508 = arith.constant 48 : i32
        %dma_wait3A_1509 = tpu.memref_slice %arg10[%dma_wait3A_1508] : memref<128xi32, #tpu.memory_space<vmem>> -> memref<16xi32, #tpu.memory_space<vmem>>
        %dma_wait3A_1510 = arith.constant 0 : i32
        %dma_wait3A_1511 = arith.constant 0 : i32
        %dma_wait3A_1512 = tpu.memref_slice %arg6[%dma_wait3A_1510, %dma_wait3A_1511] : memref<1000x128xf32, #tpu.memory_space<hbm>> -> memref<1000x128xf32, #tpu.memory_space<hbm>>
        tpu.wait_indirect_dma semaphore(%arg21 : memref<!tpu.dma_semaphore, #tpu.memory_space<semaphore_mem>>) src(%dma_wait3A_1512 : memref<1000x128xf32, #tpu.memory_space<hbm>>) dst(%dma_wait3A_1507 : memref<16x128xf32, #tpu.memory_space<vmem>>)
        %dma_wait3A_1513 = arith.constant 48 : i32
        %dma_wait3A_1514 = arith.constant 0 : i32
        %dma_wait3A_1515 = tpu.memref_slice %arg15[%dma_wait3A_1513, %dma_wait3A_1514] : memref<128x128xf32, #tpu.memory_space<vmem>> -> memref<16x128xf32, #tpu.memory_space<vmem>>
        %dma_wait3A_1516 = arith.constant 48 : i32
        %dma_wait3A_1517 = tpu.memref_slice %arg10[%dma_wait3A_1516] : memref<128xi32, #tpu.memory_space<vmem>> -> memref<16xi32, #tpu.memory_space<vmem>>
        %dma_wait3A_1518 = arith.constant 0 : i32
        %dma_wait3A_1519 = arith.constant 0 : i32
        %dma_wait3A_1520 = tpu.memref_slice %arg7[%dma_wait3A_1518, %dma_wait3A_1519] : memref<1000x128xf32, #tpu.memory_space<hbm>> -> memref<1000x128xf32, #tpu.memory_space<hbm>>
        tpu.wait_indirect_dma semaphore(%arg21 : memref<!tpu.dma_semaphore, #tpu.memory_space<semaphore_mem>>) src(%dma_wait3A_1520 : memref<1000x128xf32, #tpu.memory_space<hbm>>) dst(%dma_wait3A_1515 : memref<16x128xf32, #tpu.memory_space<vmem>>)
        %dma_start3A_1521 = arith.constant 80 : i32
        %dma_start3A_1522 = arith.constant 0 : i32
        %dma_start3A_1523 = tpu.memref_slice %arg12[%dma_start3A_1521, %dma_start3A_1522] : memref<128x128xf32, #tpu.memory_space<vmem>> -> memref<16x128xf32, #tpu.memory_space<vmem>>
        %dma_start3A_1524 = arith.constant 80 : i32
        %dma_start3A_1525 = tpu.memref_slice %arg9[%dma_start3A_1524] : memref<128xi32, #tpu.memory_space<vmem>> -> memref<16xi32, #tpu.memory_space<vmem>>
        %dma_start3A_1526 = arith.constant 0 : i32
        %dma_start3A_1527 = arith.constant 0 : i32
        %dma_start3A_1528 = tpu.memref_slice %arg5[%dma_start3A_1526, %dma_start3A_1527] : memref<100000x128xf32, #tpu.memory_space<hbm>> -> memref<100000x128xf32, #tpu.memory_space<hbm>>
        tpu.enqueue_indirect_dma source(%dma_start3A_1528 : memref<100000x128xf32, #tpu.memory_space<hbm>>) target(%dma_start3A_1523 : memref<16x128xf32, #tpu.memory_space<vmem>>) offsets(%dma_start3A_1525 : memref<16xi32, #tpu.memory_space<vmem>>) semaphore(%arg23 : memref<!tpu.dma_semaphore, #tpu.memory_space<semaphore_mem>>)
        %dma_start3A_1529 = arith.constant 80 : i32
        %dma_start3A_1530 = arith.constant 0 : i32
        %dma_start3A_1531 = tpu.memref_slice %arg13[%dma_start3A_1529, %dma_start3A_1530] : memref<128x128xf32, #tpu.memory_space<vmem>> -> memref<16x128xf32, #tpu.memory_space<vmem>>
        %dma_start3A_1532 = arith.constant 80 : i32
        %dma_start3A_1533 = tpu.memref_slice %arg11[%dma_start3A_1532] : memref<128xi32, #tpu.memory_space<vmem>> -> memref<16xi32, #tpu.memory_space<vmem>>
        %dma_start3A_1534 = arith.constant 0 : i32
        %dma_start3A_1535 = arith.constant 0 : i32
        %dma_start3A_1536 = tpu.memref_slice %arg5[%dma_start3A_1534, %dma_start3A_1535] : memref<100000x128xf32, #tpu.memory_space<hbm>> -> memref<100000x128xf32, #tpu.memory_space<hbm>>
        tpu.enqueue_indirect_dma source(%dma_start3A_1536 : memref<100000x128xf32, #tpu.memory_space<hbm>>) target(%dma_start3A_1531 : memref<16x128xf32, #tpu.memory_space<vmem>>) offsets(%dma_start3A_1533 : memref<16xi32, #tpu.memory_space<vmem>>) semaphore(%arg23 : memref<!tpu.dma_semaphore, #tpu.memory_space<semaphore_mem>>)
        %dma_start3A_1537 = arith.constant 80 : i32
        %dma_start3A_1538 = arith.constant 0 : i32
        %dma_start3A_1539 = tpu.memref_slice %arg14[%dma_start3A_1537, %dma_start3A_1538] : memref<128x128xf32, #tpu.memory_space<vmem>> -> memref<16x128xf32, #tpu.memory_space<vmem>>
        %dma_start3A_1540 = arith.constant 80 : i32
        %dma_start3A_1541 = tpu.memref_slice %arg10[%dma_start3A_1540] : memref<128xi32, #tpu.memory_space<vmem>> -> memref<16xi32, #tpu.memory_space<vmem>>
        %dma_start3A_1542 = arith.constant 0 : i32
        %dma_start3A_1543 = arith.constant 0 : i32
        %dma_start3A_1544 = tpu.memref_slice %arg6[%dma_start3A_1542, %dma_start3A_1543] : memref<1000x128xf32, #tpu.memory_space<hbm>> -> memref<1000x128xf32, #tpu.memory_space<hbm>>
        tpu.enqueue_indirect_dma source(%dma_start3A_1544 : memref<1000x128xf32, #tpu.memory_space<hbm>>) target(%dma_start3A_1539 : memref<16x128xf32, #tpu.memory_space<vmem>>) offsets(%dma_start3A_1541 : memref<16xi32, #tpu.memory_space<vmem>>) semaphore(%arg23 : memref<!tpu.dma_semaphore, #tpu.memory_space<semaphore_mem>>)
        %dma_start3A_1545 = arith.constant 80 : i32
        %dma_start3A_1546 = arith.constant 0 : i32
        %dma_start3A_1547 = tpu.memref_slice %arg15[%dma_start3A_1545, %dma_start3A_1546] : memref<128x128xf32, #tpu.memory_space<vmem>> -> memref<16x128xf32, #tpu.memory_space<vmem>>
        %dma_start3A_1548 = arith.constant 80 : i32
        %dma_start3A_1549 = tpu.memref_slice %arg10[%dma_start3A_1548] : memref<128xi32, #tpu.memory_space<vmem>> -> memref<16xi32, #tpu.memory_space<vmem>>
        %dma_start3A_1550 = arith.constant 0 : i32
        %dma_start3A_1551 = arith.constant 0 : i32
        %dma_start3A_1552 = tpu.memref_slice %arg7[%dma_start3A_1550, %dma_start3A_1551] : memref<1000x128xf32, #tpu.memory_space<hbm>> -> memref<1000x128xf32, #tpu.memory_space<hbm>>
        tpu.enqueue_indirect_dma source(%dma_start3A_1552 : memref<1000x128xf32, #tpu.memory_space<hbm>>) target(%dma_start3A_1547 : memref<16x128xf32, #tpu.memory_space<vmem>>) offsets(%dma_start3A_1549 : memref<16xi32, #tpu.memory_space<vmem>>) semaphore(%arg23 : memref<!tpu.dma_semaphore, #tpu.memory_space<semaphore_mem>>)
      } else {
      }
      %eq3A_102 = arith.constant 16 : i32
      %eq3A_103 = arith.cmpi eq, %scan3A_83, %eq3A_102 : i32
      %convert_element_type3A_104 = arith.extui %eq3A_103 : i1 to i32
      %cond3A_105 = arith.constant 0 : i32
      %cond3A_106 = arith.cmpi ne, %convert_element_type3A_104, %cond3A_105 : i32
      scf.if %cond3A_106 {
        %dma_wait3A_1489 = arith.constant 64 : i32
        %dma_wait3A_1490 = arith.constant 0 : i32
        %dma_wait3A_1491 = tpu.memref_slice %arg12[%dma_wait3A_1489, %dma_wait3A_1490] : memref<128x128xf32, #tpu.memory_space<vmem>> -> memref<16x128xf32, #tpu.memory_space<vmem>>
        %dma_wait3A_1492 = arith.constant 64 : i32
        %dma_wait3A_1493 = tpu.memref_slice %arg9[%dma_wait3A_1492] : memref<128xi32, #tpu.memory_space<vmem>> -> memref<16xi32, #tpu.memory_space<vmem>>
        %dma_wait3A_1494 = arith.constant 0 : i32
        %dma_wait3A_1495 = arith.constant 0 : i32
        %dma_wait3A_1496 = tpu.memref_slice %arg5[%dma_wait3A_1494, %dma_wait3A_1495] : memref<100000x128xf32, #tpu.memory_space<hbm>> -> memref<100000x128xf32, #tpu.memory_space<hbm>>
        tpu.wait_indirect_dma semaphore(%arg22 : memref<!tpu.dma_semaphore, #tpu.memory_space<semaphore_mem>>) src(%dma_wait3A_1496 : memref<100000x128xf32, #tpu.memory_space<hbm>>) dst(%dma_wait3A_1491 : memref<16x128xf32, #tpu.memory_space<vmem>>)
        %dma_wait3A_1497 = arith.constant 64 : i32
        %dma_wait3A_1498 = arith.constant 0 : i32
        %dma_wait3A_1499 = tpu.memref_slice %arg13[%dma_wait3A_1497, %dma_wait3A_1498] : memref<128x128xf32, #tpu.memory_space<vmem>> -> memref<16x128xf32, #tpu.memory_space<vmem>>
        %dma_wait3A_1500 = arith.constant 64 : i32
        %dma_wait3A_1501 = tpu.memref_slice %arg11[%dma_wait3A_1500] : memref<128xi32, #tpu.memory_space<vmem>> -> memref<16xi32, #tpu.memory_space<vmem>>
        %dma_wait3A_1502 = arith.constant 0 : i32
        %dma_wait3A_1503 = arith.constant 0 : i32
        %dma_wait3A_1504 = tpu.memref_slice %arg5[%dma_wait3A_1502, %dma_wait3A_1503] : memref<100000x128xf32, #tpu.memory_space<hbm>> -> memref<100000x128xf32, #tpu.memory_space<hbm>>
        tpu.wait_indirect_dma semaphore(%arg22 : memref<!tpu.dma_semaphore, #tpu.memory_space<semaphore_mem>>) src(%dma_wait3A_1504 : memref<100000x128xf32, #tpu.memory_space<hbm>>) dst(%dma_wait3A_1499 : memref<16x128xf32, #tpu.memory_space<vmem>>)
        %dma_wait3A_1505 = arith.constant 64 : i32
        %dma_wait3A_1506 = arith.constant 0 : i32
        %dma_wait3A_1507 = tpu.memref_slice %arg14[%dma_wait3A_1505, %dma_wait3A_1506] : memref<128x128xf32, #tpu.memory_space<vmem>> -> memref<16x128xf32, #tpu.memory_space<vmem>>
        %dma_wait3A_1508 = arith.constant 64 : i32
        %dma_wait3A_1509 = tpu.memref_slice %arg10[%dma_wait3A_1508] : memref<128xi32, #tpu.memory_space<vmem>> -> memref<16xi32, #tpu.memory_space<vmem>>
        %dma_wait3A_1510 = arith.constant 0 : i32
        %dma_wait3A_1511 = arith.constant 0 : i32
        %dma_wait3A_1512 = tpu.memref_slice %arg6[%dma_wait3A_1510, %dma_wait3A_1511] : memref<1000x128xf32, #tpu.memory_space<hbm>> -> memref<1000x128xf32, #tpu.memory_space<hbm>>
        tpu.wait_indirect_dma semaphore(%arg22 : memref<!tpu.dma_semaphore, #tpu.memory_space<semaphore_mem>>) src(%dma_wait3A_1512 : memref<1000x128xf32, #tpu.memory_space<hbm>>) dst(%dma_wait3A_1507 : memref<16x128xf32, #tpu.memory_space<vmem>>)
        %dma_wait3A_1513 = arith.constant 64 : i32
        %dma_wait3A_1514 = arith.constant 0 : i32
        %dma_wait3A_1515 = tpu.memref_slice %arg15[%dma_wait3A_1513, %dma_wait3A_1514] : memref<128x128xf32, #tpu.memory_space<vmem>> -> memref<16x128xf32, #tpu.memory_space<vmem>>
        %dma_wait3A_1516 = arith.constant 64 : i32
        %dma_wait3A_1517 = tpu.memref_slice %arg10[%dma_wait3A_1516] : memref<128xi32, #tpu.memory_space<vmem>> -> memref<16xi32, #tpu.memory_space<vmem>>
        %dma_wait3A_1518 = arith.constant 0 : i32
        %dma_wait3A_1519 = arith.constant 0 : i32
        %dma_wait3A_1520 = tpu.memref_slice %arg7[%dma_wait3A_1518, %dma_wait3A_1519] : memref<1000x128xf32, #tpu.memory_space<hbm>> -> memref<1000x128xf32, #tpu.memory_space<hbm>>
        tpu.wait_indirect_dma semaphore(%arg22 : memref<!tpu.dma_semaphore, #tpu.memory_space<semaphore_mem>>) src(%dma_wait3A_1520 : memref<1000x128xf32, #tpu.memory_space<hbm>>) dst(%dma_wait3A_1515 : memref<16x128xf32, #tpu.memory_space<vmem>>)
        %dma_start3A_1521 = arith.constant 96 : i32
        %dma_start3A_1522 = arith.constant 0 : i32
        %dma_start3A_1523 = tpu.memref_slice %arg12[%dma_start3A_1521, %dma_start3A_1522] : memref<128x128xf32, #tpu.memory_space<vmem>> -> memref<16x128xf32, #tpu.memory_space<vmem>>
        %dma_start3A_1524 = arith.constant 96 : i32
        %dma_start3A_1525 = tpu.memref_slice %arg9[%dma_start3A_1524] : memref<128xi32, #tpu.memory_space<vmem>> -> memref<16xi32, #tpu.memory_space<vmem>>
        %dma_start3A_1526 = arith.constant 0 : i32
        %dma_start3A_1527 = arith.constant 0 : i32
        %dma_start3A_1528 = tpu.memref_slice %arg5[%dma_start3A_1526, %dma_start3A_1527] : memref<100000x128xf32, #tpu.memory_space<hbm>> -> memref<100000x128xf32, #tpu.memory_space<hbm>>
        tpu.enqueue_indirect_dma source(%dma_start3A_1528 : memref<100000x128xf32, #tpu.memory_space<hbm>>) target(%dma_start3A_1523 : memref<16x128xf32, #tpu.memory_space<vmem>>) offsets(%dma_start3A_1525 : memref<16xi32, #tpu.memory_space<vmem>>) semaphore(%arg24 : memref<!tpu.dma_semaphore, #tpu.memory_space<semaphore_mem>>)
        %dma_start3A_1529 = arith.constant 96 : i32
        %dma_start3A_1530 = arith.constant 0 : i32
        %dma_start3A_1531 = tpu.memref_slice %arg13[%dma_start3A_1529, %dma_start3A_1530] : memref<128x128xf32, #tpu.memory_space<vmem>> -> memref<16x128xf32, #tpu.memory_space<vmem>>
        %dma_start3A_1532 = arith.constant 96 : i32
        %dma_start3A_1533 = tpu.memref_slice %arg11[%dma_start3A_1532] : memref<128xi32, #tpu.memory_space<vmem>> -> memref<16xi32, #tpu.memory_space<vmem>>
        %dma_start3A_1534 = arith.constant 0 : i32
        %dma_start3A_1535 = arith.constant 0 : i32
        %dma_start3A_1536 = tpu.memref_slice %arg5[%dma_start3A_1534, %dma_start3A_1535] : memref<100000x128xf32, #tpu.memory_space<hbm>> -> memref<100000x128xf32, #tpu.memory_space<hbm>>
        tpu.enqueue_indirect_dma source(%dma_start3A_1536 : memref<100000x128xf32, #tpu.memory_space<hbm>>) target(%dma_start3A_1531 : memref<16x128xf32, #tpu.memory_space<vmem>>) offsets(%dma_start3A_1533 : memref<16xi32, #tpu.memory_space<vmem>>) semaphore(%arg24 : memref<!tpu.dma_semaphore, #tpu.memory_space<semaphore_mem>>)
        %dma_start3A_1537 = arith.constant 96 : i32
        %dma_start3A_1538 = arith.constant 0 : i32
        %dma_start3A_1539 = tpu.memref_slice %arg14[%dma_start3A_1537, %dma_start3A_1538] : memref<128x128xf32, #tpu.memory_space<vmem>> -> memref<16x128xf32, #tpu.memory_space<vmem>>
        %dma_start3A_1540 = arith.constant 96 : i32
        %dma_start3A_1541 = tpu.memref_slice %arg10[%dma_start3A_1540] : memref<128xi32, #tpu.memory_space<vmem>> -> memref<16xi32, #tpu.memory_space<vmem>>
        %dma_start3A_1542 = arith.constant 0 : i32
        %dma_start3A_1543 = arith.constant 0 : i32
        %dma_start3A_1544 = tpu.memref_slice %arg6[%dma_start3A_1542, %dma_start3A_1543] : memref<1000x128xf32, #tpu.memory_space<hbm>> -> memref<1000x128xf32, #tpu.memory_space<hbm>>
        tpu.enqueue_indirect_dma source(%dma_start3A_1544 : memref<1000x128xf32, #tpu.memory_space<hbm>>) target(%dma_start3A_1539 : memref<16x128xf32, #tpu.memory_space<vmem>>) offsets(%dma_start3A_1541 : memref<16xi32, #tpu.memory_space<vmem>>) semaphore(%arg24 : memref<!tpu.dma_semaphore, #tpu.memory_space<semaphore_mem>>)
        %dma_start3A_1545 = arith.constant 96 : i32
        %dma_start3A_1546 = arith.constant 0 : i32
        %dma_start3A_1547 = tpu.memref_slice %arg15[%dma_start3A_1545, %dma_start3A_1546] : memref<128x128xf32, #tpu.memory_space<vmem>> -> memref<16x128xf32, #tpu.memory_space<vmem>>
        %dma_start3A_1548 = arith.constant 96 : i32
        %dma_start3A_1549 = tpu.memref_slice %arg10[%dma_start3A_1548] : memref<128xi32, #tpu.memory_space<vmem>> -> memref<16xi32, #tpu.memory_space<vmem>>
        %dma_start3A_1550 = arith.constant 0 : i32
        %dma_start3A_1551 = arith.constant 0 : i32
        %dma_start3A_1552 = tpu.memref_slice %arg7[%dma_start3A_1550, %dma_start3A_1551] : memref<1000x128xf32, #tpu.memory_space<hbm>> -> memref<1000x128xf32, #tpu.memory_space<hbm>>
        tpu.enqueue_indirect_dma source(%dma_start3A_1552 : memref<1000x128xf32, #tpu.memory_space<hbm>>) target(%dma_start3A_1547 : memref<16x128xf32, #tpu.memory_space<vmem>>) offsets(%dma_start3A_1549 : memref<16xi32, #tpu.memory_space<vmem>>) semaphore(%arg24 : memref<!tpu.dma_semaphore, #tpu.memory_space<semaphore_mem>>)
      } else {
      }
      %eq3A_107 = arith.constant 20 : i32
      %eq3A_108 = arith.cmpi eq, %scan3A_83, %eq3A_107 : i32
      %convert_element_type3A_109 = arith.extui %eq3A_108 : i1 to i32
      %cond3A_110 = arith.constant 0 : i32
      %cond3A_111 = arith.cmpi ne, %convert_element_type3A_109, %cond3A_110 : i32
      scf.if %cond3A_111 {
        %dma_wait3A_1489 = arith.constant 80 : i32
        %dma_wait3A_1490 = arith.constant 0 : i32
        %dma_wait3A_1491 = tpu.memref_slice %arg12[%dma_wait3A_1489, %dma_wait3A_1490] : memref<128x128xf32, #tpu.memory_space<vmem>> -> memref<16x128xf32, #tpu.memory_space<vmem>>
        %dma_wait3A_1492 = arith.constant 80 : i32
        %dma_wait3A_1493 = tpu.memref_slice %arg9[%dma_wait3A_1492] : memref<128xi32, #tpu.memory_space<vmem>> -> memref<16xi32, #tpu.memory_space<vmem>>
        %dma_wait3A_1494 = arith.constant 0 : i32
        %dma_wait3A_1495 = arith.constant 0 : i32
        %dma_wait3A_1496 = tpu.memref_slice %arg5[%dma_wait3A_1494, %dma_wait3A_1495] : memref<100000x128xf32, #tpu.memory_space<hbm>> -> memref<100000x128xf32, #tpu.memory_space<hbm>>
        tpu.wait_indirect_dma semaphore(%arg23 : memref<!tpu.dma_semaphore, #tpu.memory_space<semaphore_mem>>) src(%dma_wait3A_1496 : memref<100000x128xf32, #tpu.memory_space<hbm>>) dst(%dma_wait3A_1491 : memref<16x128xf32, #tpu.memory_space<vmem>>)
        %dma_wait3A_1497 = arith.constant 80 : i32
        %dma_wait3A_1498 = arith.constant 0 : i32
        %dma_wait3A_1499 = tpu.memref_slice %arg13[%dma_wait3A_1497, %dma_wait3A_1498] : memref<128x128xf32, #tpu.memory_space<vmem>> -> memref<16x128xf32, #tpu.memory_space<vmem>>
        %dma_wait3A_1500 = arith.constant 80 : i32
        %dma_wait3A_1501 = tpu.memref_slice %arg11[%dma_wait3A_1500] : memref<128xi32, #tpu.memory_space<vmem>> -> memref<16xi32, #tpu.memory_space<vmem>>
        %dma_wait3A_1502 = arith.constant 0 : i32
        %dma_wait3A_1503 = arith.constant 0 : i32
        %dma_wait3A_1504 = tpu.memref_slice %arg5[%dma_wait3A_1502, %dma_wait3A_1503] : memref<100000x128xf32, #tpu.memory_space<hbm>> -> memref<100000x128xf32, #tpu.memory_space<hbm>>
        tpu.wait_indirect_dma semaphore(%arg23 : memref<!tpu.dma_semaphore, #tpu.memory_space<semaphore_mem>>) src(%dma_wait3A_1504 : memref<100000x128xf32, #tpu.memory_space<hbm>>) dst(%dma_wait3A_1499 : memref<16x128xf32, #tpu.memory_space<vmem>>)
        %dma_wait3A_1505 = arith.constant 80 : i32
        %dma_wait3A_1506 = arith.constant 0 : i32
        %dma_wait3A_1507 = tpu.memref_slice %arg14[%dma_wait3A_1505, %dma_wait3A_1506] : memref<128x128xf32, #tpu.memory_space<vmem>> -> memref<16x128xf32, #tpu.memory_space<vmem>>
        %dma_wait3A_1508 = arith.constant 80 : i32
        %dma_wait3A_1509 = tpu.memref_slice %arg10[%dma_wait3A_1508] : memref<128xi32, #tpu.memory_space<vmem>> -> memref<16xi32, #tpu.memory_space<vmem>>
        %dma_wait3A_1510 = arith.constant 0 : i32
        %dma_wait3A_1511 = arith.constant 0 : i32
        %dma_wait3A_1512 = tpu.memref_slice %arg6[%dma_wait3A_1510, %dma_wait3A_1511] : memref<1000x128xf32, #tpu.memory_space<hbm>> -> memref<1000x128xf32, #tpu.memory_space<hbm>>
        tpu.wait_indirect_dma semaphore(%arg23 : memref<!tpu.dma_semaphore, #tpu.memory_space<semaphore_mem>>) src(%dma_wait3A_1512 : memref<1000x128xf32, #tpu.memory_space<hbm>>) dst(%dma_wait3A_1507 : memref<16x128xf32, #tpu.memory_space<vmem>>)
        %dma_wait3A_1513 = arith.constant 80 : i32
        %dma_wait3A_1514 = arith.constant 0 : i32
        %dma_wait3A_1515 = tpu.memref_slice %arg15[%dma_wait3A_1513, %dma_wait3A_1514] : memref<128x128xf32, #tpu.memory_space<vmem>> -> memref<16x128xf32, #tpu.memory_space<vmem>>
        %dma_wait3A_1516 = arith.constant 80 : i32
        %dma_wait3A_1517 = tpu.memref_slice %arg10[%dma_wait3A_1516] : memref<128xi32, #tpu.memory_space<vmem>> -> memref<16xi32, #tpu.memory_space<vmem>>
        %dma_wait3A_1518 = arith.constant 0 : i32
        %dma_wait3A_1519 = arith.constant 0 : i32
        %dma_wait3A_1520 = tpu.memref_slice %arg7[%dma_wait3A_1518, %dma_wait3A_1519] : memref<1000x128xf32, #tpu.memory_space<hbm>> -> memref<1000x128xf32, #tpu.memory_space<hbm>>
        tpu.wait_indirect_dma semaphore(%arg23 : memref<!tpu.dma_semaphore, #tpu.memory_space<semaphore_mem>>) src(%dma_wait3A_1520 : memref<1000x128xf32, #tpu.memory_space<hbm>>) dst(%dma_wait3A_1515 : memref<16x128xf32, #tpu.memory_space<vmem>>)
        %dma_start3A_1521 = arith.constant 112 : i32
        %dma_start3A_1522 = arith.constant 0 : i32
        %dma_start3A_1523 = tpu.memref_slice %arg12[%dma_start3A_1521, %dma_start3A_1522] : memref<128x128xf32, #tpu.memory_space<vmem>> -> memref<16x128xf32, #tpu.memory_space<vmem>>
        %dma_start3A_1524 = arith.constant 112 : i32
        %dma_start3A_1525 = tpu.memref_slice %arg9[%dma_start3A_1524] : memref<128xi32, #tpu.memory_space<vmem>> -> memref<16xi32, #tpu.memory_space<vmem>>
        %dma_start3A_1526 = arith.constant 0 : i32
        %dma_start3A_1527 = arith.constant 0 : i32
        %dma_start3A_1528 = tpu.memref_slice %arg5[%dma_start3A_1526, %dma_start3A_1527] : memref<100000x128xf32, #tpu.memory_space<hbm>> -> memref<100000x128xf32, #tpu.memory_space<hbm>>
        tpu.enqueue_indirect_dma source(%dma_start3A_1528 : memref<100000x128xf32, #tpu.memory_space<hbm>>) target(%dma_start3A_1523 : memref<16x128xf32, #tpu.memory_space<vmem>>) offsets(%dma_start3A_1525 : memref<16xi32, #tpu.memory_space<vmem>>) semaphore(%arg25 : memref<!tpu.dma_semaphore, #tpu.memory_space<semaphore_mem>>)
        %dma_start3A_1529 = arith.constant 112 : i32
        %dma_start3A_1530 = arith.constant 0 : i32
        %dma_start3A_1531 = tpu.memref_slice %arg13[%dma_start3A_1529, %dma_start3A_1530] : memref<128x128xf32, #tpu.memory_space<vmem>> -> memref<16x128xf32, #tpu.memory_space<vmem>>
        %dma_start3A_1532 = arith.constant 112 : i32
        %dma_start3A_1533 = tpu.memref_slice %arg11[%dma_start3A_1532] : memref<128xi32, #tpu.memory_space<vmem>> -> memref<16xi32, #tpu.memory_space<vmem>>
        %dma_start3A_1534 = arith.constant 0 : i32
        %dma_start3A_1535 = arith.constant 0 : i32
        %dma_start3A_1536 = tpu.memref_slice %arg5[%dma_start3A_1534, %dma_start3A_1535] : memref<100000x128xf32, #tpu.memory_space<hbm>> -> memref<100000x128xf32, #tpu.memory_space<hbm>>
        tpu.enqueue_indirect_dma source(%dma_start3A_1536 : memref<100000x128xf32, #tpu.memory_space<hbm>>) target(%dma_start3A_1531 : memref<16x128xf32, #tpu.memory_space<vmem>>) offsets(%dma_start3A_1533 : memref<16xi32, #tpu.memory_space<vmem>>) semaphore(%arg25 : memref<!tpu.dma_semaphore, #tpu.memory_space<semaphore_mem>>)
        %dma_start3A_1537 = arith.constant 112 : i32
        %dma_start3A_1538 = arith.constant 0 : i32
        %dma_start3A_1539 = tpu.memref_slice %arg14[%dma_start3A_1537, %dma_start3A_1538] : memref<128x128xf32, #tpu.memory_space<vmem>> -> memref<16x128xf32, #tpu.memory_space<vmem>>
        %dma_start3A_1540 = arith.constant 112 : i32
        %dma_start3A_1541 = tpu.memref_slice %arg10[%dma_start3A_1540] : memref<128xi32, #tpu.memory_space<vmem>> -> memref<16xi32, #tpu.memory_space<vmem>>
        %dma_start3A_1542 = arith.constant 0 : i32
        %dma_start3A_1543 = arith.constant 0 : i32
        %dma_start3A_1544 = tpu.memref_slice %arg6[%dma_start3A_1542, %dma_start3A_1543] : memref<1000x128xf32, #tpu.memory_space<hbm>> -> memref<1000x128xf32, #tpu.memory_space<hbm>>
        tpu.enqueue_indirect_dma source(%dma_start3A_1544 : memref<1000x128xf32, #tpu.memory_space<hbm>>) target(%dma_start3A_1539 : memref<16x128xf32, #tpu.memory_space<vmem>>) offsets(%dma_start3A_1541 : memref<16xi32, #tpu.memory_space<vmem>>) semaphore(%arg25 : memref<!tpu.dma_semaphore, #tpu.memory_space<semaphore_mem>>)
        %dma_start3A_1545 = arith.constant 112 : i32
        %dma_start3A_1546 = arith.constant 0 : i32
        %dma_start3A_1547 = tpu.memref_slice %arg15[%dma_start3A_1545, %dma_start3A_1546] : memref<128x128xf32, #tpu.memory_space<vmem>> -> memref<16x128xf32, #tpu.memory_space<vmem>>
        %dma_start3A_1548 = arith.constant 112 : i32
        %dma_start3A_1549 = tpu.memref_slice %arg10[%dma_start3A_1548] : memref<128xi32, #tpu.memory_space<vmem>> -> memref<16xi32, #tpu.memory_space<vmem>>
        %dma_start3A_1550 = arith.constant 0 : i32
        %dma_start3A_1551 = arith.constant 0 : i32
        %dma_start3A_1552 = tpu.memref_slice %arg7[%dma_start3A_1550, %dma_start3A_1551] : memref<1000x128xf32, #tpu.memory_space<hbm>> -> memref<1000x128xf32, #tpu.memory_space<hbm>>
        tpu.enqueue_indirect_dma source(%dma_start3A_1552 : memref<1000x128xf32, #tpu.memory_space<hbm>>) target(%dma_start3A_1547 : memref<16x128xf32, #tpu.memory_space<vmem>>) offsets(%dma_start3A_1549 : memref<16xi32, #tpu.memory_space<vmem>>) semaphore(%arg25 : memref<!tpu.dma_semaphore, #tpu.memory_space<semaphore_mem>>)
      } else {
      }
      %eq3A_112 = arith.constant 24 : i32
      %eq3A_113 = arith.cmpi eq, %scan3A_83, %eq3A_112 : i32
      %convert_element_type3A_114 = arith.extui %eq3A_113 : i1 to i32
      %cond3A_115 = arith.constant 0 : i32
      %cond3A_116 = arith.cmpi ne, %convert_element_type3A_114, %cond3A_115 : i32
      scf.if %cond3A_116 {
        %dma_wait3A_1489 = arith.constant 96 : i32
        %dma_wait3A_1490 = arith.constant 0 : i32
        %dma_wait3A_1491 = tpu.memref_slice %arg12[%dma_wait3A_1489, %dma_wait3A_1490] : memref<128x128xf32, #tpu.memory_space<vmem>> -> memref<16x128xf32, #tpu.memory_space<vmem>>
        %dma_wait3A_1492 = arith.constant 96 : i32
        %dma_wait3A_1493 = tpu.memref_slice %arg9[%dma_wait3A_1492] : memref<128xi32, #tpu.memory_space<vmem>> -> memref<16xi32, #tpu.memory_space<vmem>>
        %dma_wait3A_1494 = arith.constant 0 : i32
        %dma_wait3A_1495 = arith.constant 0 : i32
        %dma_wait3A_1496 = tpu.memref_slice %arg5[%dma_wait3A_1494, %dma_wait3A_1495] : memref<100000x128xf32, #tpu.memory_space<hbm>> -> memref<100000x128xf32, #tpu.memory_space<hbm>>
        tpu.wait_indirect_dma semaphore(%arg24 : memref<!tpu.dma_semaphore, #tpu.memory_space<semaphore_mem>>) src(%dma_wait3A_1496 : memref<100000x128xf32, #tpu.memory_space<hbm>>) dst(%dma_wait3A_1491 : memref<16x128xf32, #tpu.memory_space<vmem>>)
        %dma_wait3A_1497 = arith.constant 96 : i32
        %dma_wait3A_1498 = arith.constant 0 : i32
        %dma_wait3A_1499 = tpu.memref_slice %arg13[%dma_wait3A_1497, %dma_wait3A_1498] : memref<128x128xf32, #tpu.memory_space<vmem>> -> memref<16x128xf32, #tpu.memory_space<vmem>>
        %dma_wait3A_1500 = arith.constant 96 : i32
        %dma_wait3A_1501 = tpu.memref_slice %arg11[%dma_wait3A_1500] : memref<128xi32, #tpu.memory_space<vmem>> -> memref<16xi32, #tpu.memory_space<vmem>>
        %dma_wait3A_1502 = arith.constant 0 : i32
        %dma_wait3A_1503 = arith.constant 0 : i32
        %dma_wait3A_1504 = tpu.memref_slice %arg5[%dma_wait3A_1502, %dma_wait3A_1503] : memref<100000x128xf32, #tpu.memory_space<hbm>> -> memref<100000x128xf32, #tpu.memory_space<hbm>>
        tpu.wait_indirect_dma semaphore(%arg24 : memref<!tpu.dma_semaphore, #tpu.memory_space<semaphore_mem>>) src(%dma_wait3A_1504 : memref<100000x128xf32, #tpu.memory_space<hbm>>) dst(%dma_wait3A_1499 : memref<16x128xf32, #tpu.memory_space<vmem>>)
        %dma_wait3A_1505 = arith.constant 96 : i32
        %dma_wait3A_1506 = arith.constant 0 : i32
        %dma_wait3A_1507 = tpu.memref_slice %arg14[%dma_wait3A_1505, %dma_wait3A_1506] : memref<128x128xf32, #tpu.memory_space<vmem>> -> memref<16x128xf32, #tpu.memory_space<vmem>>
        %dma_wait3A_1508 = arith.constant 96 : i32
        %dma_wait3A_1509 = tpu.memref_slice %arg10[%dma_wait3A_1508] : memref<128xi32, #tpu.memory_space<vmem>> -> memref<16xi32, #tpu.memory_space<vmem>>
        %dma_wait3A_1510 = arith.constant 0 : i32
        %dma_wait3A_1511 = arith.constant 0 : i32
        %dma_wait3A_1512 = tpu.memref_slice %arg6[%dma_wait3A_1510, %dma_wait3A_1511] : memref<1000x128xf32, #tpu.memory_space<hbm>> -> memref<1000x128xf32, #tpu.memory_space<hbm>>
        tpu.wait_indirect_dma semaphore(%arg24 : memref<!tpu.dma_semaphore, #tpu.memory_space<semaphore_mem>>) src(%dma_wait3A_1512 : memref<1000x128xf32, #tpu.memory_space<hbm>>) dst(%dma_wait3A_1507 : memref<16x128xf32, #tpu.memory_space<vmem>>)
        %dma_wait3A_1513 = arith.constant 96 : i32
        %dma_wait3A_1514 = arith.constant 0 : i32
        %dma_wait3A_1515 = tpu.memref_slice %arg15[%dma_wait3A_1513, %dma_wait3A_1514] : memref<128x128xf32, #tpu.memory_space<vmem>> -> memref<16x128xf32, #tpu.memory_space<vmem>>
        %dma_wait3A_1516 = arith.constant 96 : i32
        %dma_wait3A_1517 = tpu.memref_slice %arg10[%dma_wait3A_1516] : memref<128xi32, #tpu.memory_space<vmem>> -> memref<16xi32, #tpu.memory_space<vmem>>
        %dma_wait3A_1518 = arith.constant 0 : i32
        %dma_wait3A_1519 = arith.constant 0 : i32
        %dma_wait3A_1520 = tpu.memref_slice %arg7[%dma_wait3A_1518, %dma_wait3A_1519] : memref<1000x128xf32, #tpu.memory_space<hbm>> -> memref<1000x128xf32, #tpu.memory_space<hbm>>
        tpu.wait_indirect_dma semaphore(%arg24 : memref<!tpu.dma_semaphore, #tpu.memory_space<semaphore_mem>>) src(%dma_wait3A_1520 : memref<1000x128xf32, #tpu.memory_space<hbm>>) dst(%dma_wait3A_1515 : memref<16x128xf32, #tpu.memory_space<vmem>>)
      } else {
      }
      %eq3A_117 = arith.constant 28 : i32
      %eq3A_118 = arith.cmpi eq, %scan3A_83, %eq3A_117 : i32
      %convert_element_type3A_119 = arith.extui %eq3A_118 : i1 to i32
      %cond3A_120 = arith.constant 0 : i32
      %cond3A_121 = arith.cmpi ne, %convert_element_type3A_119, %cond3A_120 : i32
      scf.if %cond3A_121 {
        %dma_wait3A_1489 = arith.constant 112 : i32
        %dma_wait3A_1490 = arith.constant 0 : i32
        %dma_wait3A_1491 = tpu.memref_slice %arg12[%dma_wait3A_1489, %dma_wait3A_1490] : memref<128x128xf32, #tpu.memory_space<vmem>> -> memref<16x128xf32, #tpu.memory_space<vmem>>
        %dma_wait3A_1492 = arith.constant 112 : i32
        %dma_wait3A_1493 = tpu.memref_slice %arg9[%dma_wait3A_1492] : memref<128xi32, #tpu.memory_space<vmem>> -> memref<16xi32, #tpu.memory_space<vmem>>
        %dma_wait3A_1494 = arith.constant 0 : i32
        %dma_wait3A_1495 = arith.constant 0 : i32
        %dma_wait3A_1496 = tpu.memref_slice %arg5[%dma_wait3A_1494, %dma_wait3A_1495] : memref<100000x128xf32, #tpu.memory_space<hbm>> -> memref<100000x128xf32, #tpu.memory_space<hbm>>
        tpu.wait_indirect_dma semaphore(%arg25 : memref<!tpu.dma_semaphore, #tpu.memory_space<semaphore_mem>>) src(%dma_wait3A_1496 : memref<100000x128xf32, #tpu.memory_space<hbm>>) dst(%dma_wait3A_1491 : memref<16x128xf32, #tpu.memory_space<vmem>>)
        %dma_wait3A_1497 = arith.constant 112 : i32
        %dma_wait3A_1498 = arith.constant 0 : i32
        %dma_wait3A_1499 = tpu.memref_slice %arg13[%dma_wait3A_1497, %dma_wait3A_1498] : memref<128x128xf32, #tpu.memory_space<vmem>> -> memref<16x128xf32, #tpu.memory_space<vmem>>
        %dma_wait3A_1500 = arith.constant 112 : i32
        %dma_wait3A_1501 = tpu.memref_slice %arg11[%dma_wait3A_1500] : memref<128xi32, #tpu.memory_space<vmem>> -> memref<16xi32, #tpu.memory_space<vmem>>
        %dma_wait3A_1502 = arith.constant 0 : i32
        %dma_wait3A_1503 = arith.constant 0 : i32
        %dma_wait3A_1504 = tpu.memref_slice %arg5[%dma_wait3A_1502, %dma_wait3A_1503] : memref<100000x128xf32, #tpu.memory_space<hbm>> -> memref<100000x128xf32, #tpu.memory_space<hbm>>
        tpu.wait_indirect_dma semaphore(%arg25 : memref<!tpu.dma_semaphore, #tpu.memory_space<semaphore_mem>>) src(%dma_wait3A_1504 : memref<100000x128xf32, #tpu.memory_space<hbm>>) dst(%dma_wait3A_1499 : memref<16x128xf32, #tpu.memory_space<vmem>>)
        %dma_wait3A_1505 = arith.constant 112 : i32
        %dma_wait3A_1506 = arith.constant 0 : i32
        %dma_wait3A_1507 = tpu.memref_slice %arg14[%dma_wait3A_1505, %dma_wait3A_1506] : memref<128x128xf32, #tpu.memory_space<vmem>> -> memref<16x128xf32, #tpu.memory_space<vmem>>
        %dma_wait3A_1508 = arith.constant 112 : i32
        %dma_wait3A_1509 = tpu.memref_slice %arg10[%dma_wait3A_1508] : memref<128xi32, #tpu.memory_space<vmem>> -> memref<16xi32, #tpu.memory_space<vmem>>
        %dma_wait3A_1510 = arith.constant 0 : i32
        %dma_wait3A_1511 = arith.constant 0 : i32
        %dma_wait3A_1512 = tpu.memref_slice %arg6[%dma_wait3A_1510, %dma_wait3A_1511] : memref<1000x128xf32, #tpu.memory_space<hbm>> -> memref<1000x128xf32, #tpu.memory_space<hbm>>
        tpu.wait_indirect_dma semaphore(%arg25 : memref<!tpu.dma_semaphore, #tpu.memory_space<semaphore_mem>>) src(%dma_wait3A_1512 : memref<1000x128xf32, #tpu.memory_space<hbm>>) dst(%dma_wait3A_1507 : memref<16x128xf32, #tpu.memory_space<vmem>>)
        %dma_wait3A_1513 = arith.constant 112 : i32
        %dma_wait3A_1514 = arith.constant 0 : i32
        %dma_wait3A_1515 = tpu.memref_slice %arg15[%dma_wait3A_1513, %dma_wait3A_1514] : memref<128x128xf32, #tpu.memory_space<vmem>> -> memref<16x128xf32, #tpu.memory_space<vmem>>
        %dma_wait3A_1516 = arith.constant 112 : i32
        %dma_wait3A_1517 = tpu.memref_slice %arg10[%dma_wait3A_1516] : memref<128xi32, #tpu.memory_space<vmem>> -> memref<16xi32, #tpu.memory_space<vmem>>
        %dma_wait3A_1518 = arith.constant 0 : i32
        %dma_wait3A_1519 = arith.constant 0 : i32
        %dma_wait3A_1520 = tpu.memref_slice %arg7[%dma_wait3A_1518, %dma_wait3A_1519] : memref<1000x128xf32, #tpu.memory_space<hbm>> -> memref<1000x128xf32, #tpu.memory_space<hbm>>
        tpu.wait_indirect_dma semaphore(%arg25 : memref<!tpu.dma_semaphore, #tpu.memory_space<semaphore_mem>>) src(%dma_wait3A_1520 : memref<1000x128xf32, #tpu.memory_space<hbm>>) dst(%dma_wait3A_1515 : memref<16x128xf32, #tpu.memory_space<vmem>>)
      } else {
      }
      %mul3A_122 = arith.constant 4 : i32
      %mul3A_123 = arith.muli %scan3A_83, %mul3A_122 : i32
      %add3A_124 = arith.constant 0 : i32
      %add3A_125 = arith.addi %mul3A_123, %add3A_124 : i32
      %broadcast_in_dim3A_126 = arith.constant 0.000000e+00 : f32
      %broadcast_in_dim3A_127 = vector.broadcast %broadcast_in_dim3A_126 : f32 to vector<16xf32>
      %broadcast_in_dim3A_128 = arith.constant 0.000000e+00 : f32
      %broadcast_in_dim3A_129 = vector.broadcast %broadcast_in_dim3A_128 : f32 to vector<16xf32>
      %broadcast_in_dim3A_130 = arith.constant 0.000000e+00 : f32
      %broadcast_in_dim3A_131 = vector.broadcast %broadcast_in_dim3A_130 : f32 to vector<16xf32>
      %broadcast_in_dim3A_132 = arith.constant 0.000000e+00 : f32
      %broadcast_in_dim3A_133 = vector.broadcast %broadcast_in_dim3A_132 : f32 to vector<16xf32>
      %get3A = arith.index_cast %add3A_125 : i32 to index
      %get3A_134 = arith.constant 0 : index
      %get3A_135 = tpu.vector_load %arg12[%get3A, %get3A_134] {strides = array<i32>} : memref<128x128xf32, #tpu.memory_space<vmem>>, vector<1x16xf32>,
      %get3A_136 = vector.shape_cast %get3A_135 : vector<1x16xf32> to vector<16xf32>
      %get3A_137 = arith.index_cast %add3A_125 : i32 to index
      %get3A_138 = arith.constant 0 : index
      %get3A_139 = tpu.vector_load %arg13[%get3A_137, %get3A_138] {strides = array<i32>} : memref<128x128xf32, #tpu.memory_space<vmem>>, vector<1x16xf32>,
      %get3A_140 = vector.shape_cast %get3A_139 : vector<1x16xf32> to vector<16xf32>
      %get3A_141 = arith.index_cast %add3A_125 : i32 to index
      %get3A_142 = arith.constant 0 : index
      %get3A_143 = tpu.vector_load %arg15[%get3A_141, %get3A_142] {strides = array<i32>} : memref<128x128xf32, #tpu.memory_space<vmem>>, vector<1x16xf32>,
      %get3A_144 = vector.shape_cast %get3A_143 : vector<1x16xf32> to vector<16xf32>
      %sub3A = arith.subf %get3A_136, %get3A_140 : vector<16xf32>
      %mul3A_145 = arith.mulf %sub3A, %get3A_144 : vector<16xf32>
      %add3A_146 = arith.addf %broadcast_in_dim3A_127, %mul3A_145 : vector<16xf32>
      %mul3A_147 = arith.mulf %get3A_144, %get3A_144 : vector<16xf32>
      %add3A_148 = arith.addf %broadcast_in_dim3A_131, %mul3A_147 : vector<16xf32>
      %get3A_149 = arith.index_cast %add3A_125 : i32 to index
      %get3A_150 = arith.constant 16 : index
      %get3A_151 = tpu.vector_load %arg12[%get3A_149, %get3A_150] {strides = array<i32>} : memref<128x128xf32, #tpu.memory_space<vmem>>, vector<1x16xf32>,
      %get3A_152 = vector.shape_cast %get3A_151 : vector<1x16xf32> to vector<16xf32>
      %get3A_153 = arith.index_cast %add3A_125 : i32 to index
      %get3A_154 = arith.constant 16 : index
      %get3A_155 = tpu.vector_load %arg13[%get3A_153, %get3A_154] {strides = array<i32>} : memref<128x128xf32, #tpu.memory_space<vmem>>, vector<1x16xf32>,
      %get3A_156 = vector.shape_cast %get3A_155 : vector<1x16xf32> to vector<16xf32>
      %get3A_157 = arith.index_cast %add3A_125 : i32 to index
      %get3A_158 = arith.constant 16 : index
      %get3A_159 = tpu.vector_load %arg15[%get3A_157, %get3A_158] {strides = array<i32>} : memref<128x128xf32, #tpu.memory_space<vmem>>, vector<1x16xf32>,
      %get3A_160 = vector.shape_cast %get3A_159 : vector<1x16xf32> to vector<16xf32>
      %sub3A_161 = arith.subf %get3A_152, %get3A_156 : vector<16xf32>
      %mul3A_162 = arith.mulf %sub3A_161, %get3A_160 : vector<16xf32>
      %add3A_163 = arith.addf %broadcast_in_dim3A_129, %mul3A_162 : vector<16xf32>
      %mul3A_164 = arith.mulf %get3A_160, %get3A_160 : vector<16xf32>
      %add3A_165 = arith.addf %broadcast_in_dim3A_133, %mul3A_164 : vector<16xf32>
      %get3A_166 = arith.index_cast %add3A_125 : i32 to index
      %get3A_167 = arith.constant 32 : index
      %get3A_168 = tpu.vector_load %arg12[%get3A_166, %get3A_167] {strides = array<i32>} : memref<128x128xf32, #tpu.memory_space<vmem>>, vector<1x16xf32>,
      %get3A_169 = vector.shape_cast %get3A_168 : vector<1x16xf32> to vector<16xf32>
      %get3A_170 = arith.index_cast %add3A_125 : i32 to index
      %get3A_171 = arith.constant 32 : index
      %get3A_172 = tpu.vector_load %arg13[%get3A_170, %get3A_171] {strides = array<i32>} : memref<128x128xf32, #tpu.memory_space<vmem>>, vector<1x16xf32>,
      %get3A_173 = vector.shape_cast %get3A_172 : vector<1x16xf32> to vector<16xf32>
      %get3A_174 = arith.index_cast %add3A_125 : i32 to index
      %get3A_175 = arith.constant 32 : index
      %get3A_176 = tpu.vector_load %arg15[%get3A_174, %get3A_175] {strides = array<i32>} : memref<128x128xf32, #tpu.memory_space<vmem>>, vector<1x16xf32>,
      %get3A_177 = vector.shape_cast %get3A_176 : vector<1x16xf32> to vector<16xf32>
      %sub3A_178 = arith.subf %get3A_169, %get3A_173 : vector<16xf32>
      %mul3A_179 = arith.mulf %sub3A_178, %get3A_177 : vector<16xf32>
      %add3A_180 = arith.addf %add3A_146, %mul3A_179 : vector<16xf32>
      %mul3A_181 = arith.mulf %get3A_177, %get3A_177 : vector<16xf32>
      %add3A_182 = arith.addf %add3A_148, %mul3A_181 : vector<16xf32>
      %get3A_183 = arith.index_cast %add3A_125 : i32 to index
      %get3A_184 = arith.constant 48 : index
      %get3A_185 = tpu.vector_load %arg12[%get3A_183, %get3A_184] {strides = array<i32>} : memref<128x128xf32, #tpu.memory_space<vmem>>, vector<1x16xf32>,
      %get3A_186 = vector.shape_cast %get3A_185 : vector<1x16xf32> to vector<16xf32>
      %get3A_187 = arith.index_cast %add3A_125 : i32 to index
      %get3A_188 = arith.constant 48 : index
      %get3A_189 = tpu.vector_load %arg13[%get3A_187, %get3A_188] {strides = array<i32>} : memref<128x128xf32, #tpu.memory_space<vmem>>, vector<1x16xf32>,
      %get3A_190 = vector.shape_cast %get3A_189 : vector<1x16xf32> to vector<16xf32>
      %get3A_191 = arith.index_cast %add3A_125 : i32 to index
      %get3A_192 = arith.constant 48 : index
      %get3A_193 = tpu.vector_load %arg15[%get3A_191, %get3A_192] {strides = array<i32>} : memref<128x128xf32, #tpu.memory_space<vmem>>, vector<1x16xf32>,
      %get3A_194 = vector.shape_cast %get3A_193 : vector<1x16xf32> to vector<16xf32>
      %sub3A_195 = arith.subf %get3A_186, %get3A_190 : vector<16xf32>
      %mul3A_196 = arith.mulf %sub3A_195, %get3A_194 : vector<16xf32>
      %add3A_197 = arith.addf %add3A_163, %mul3A_196 : vector<16xf32>
      %mul3A_198 = arith.mulf %get3A_194, %get3A_194 : vector<16xf32>
      %add3A_199 = arith.addf %add3A_165, %mul3A_198 : vector<16xf32>
      %get3A_200 = arith.index_cast %add3A_125 : i32 to index
      %get3A_201 = arith.constant 64 : index
      %get3A_202 = tpu.vector_load %arg12[%get3A_200, %get3A_201] {strides = array<i32>} : memref<128x128xf32, #tpu.memory_space<vmem>>, vector<1x16xf32>,
      %get3A_203 = vector.shape_cast %get3A_202 : vector<1x16xf32> to vector<16xf32>
      %get3A_204 = arith.index_cast %add3A_125 : i32 to index
      %get3A_205 = arith.constant 64 : index
      %get3A_206 = tpu.vector_load %arg13[%get3A_204, %get3A_205] {strides = array<i32>} : memref<128x128xf32, #tpu.memory_space<vmem>>, vector<1x16xf32>,
      %get3A_207 = vector.shape_cast %get3A_206 : vector<1x16xf32> to vector<16xf32>
      %get3A_208 = arith.index_cast %add3A_125 : i32 to index
      %get3A_209 = arith.constant 64 : index
      %get3A_210 = tpu.vector_load %arg15[%get3A_208, %get3A_209] {strides = array<i32>} : memref<128x128xf32, #tpu.memory_space<vmem>>, vector<1x16xf32>,
      %get3A_211 = vector.shape_cast %get3A_210 : vector<1x16xf32> to vector<16xf32>
      %sub3A_212 = arith.subf %get3A_203, %get3A_207 : vector<16xf32>
      %mul3A_213 = arith.mulf %sub3A_212, %get3A_211 : vector<16xf32>
      %add3A_214 = arith.addf %add3A_180, %mul3A_213 : vector<16xf32>
      %mul3A_215 = arith.mulf %get3A_211, %get3A_211 : vector<16xf32>
      %add3A_216 = arith.addf %add3A_182, %mul3A_215 : vector<16xf32>
      %get3A_217 = arith.index_cast %add3A_125 : i32 to index
      %get3A_218 = arith.constant 80 : index
      %get3A_219 = tpu.vector_load %arg12[%get3A_217, %get3A_218] {strides = array<i32>} : memref<128x128xf32, #tpu.memory_space<vmem>>, vector<1x16xf32>,
      %get3A_220 = vector.shape_cast %get3A_219 : vector<1x16xf32> to vector<16xf32>
      %get3A_221 = arith.index_cast %add3A_125 : i32 to index
      %get3A_222 = arith.constant 80 : index
      %get3A_223 = tpu.vector_load %arg13[%get3A_221, %get3A_222] {strides = array<i32>} : memref<128x128xf32, #tpu.memory_space<vmem>>, vector<1x16xf32>,
      %get3A_224 = vector.shape_cast %get3A_223 : vector<1x16xf32> to vector<16xf32>
      %get3A_225 = arith.index_cast %add3A_125 : i32 to index
      %get3A_226 = arith.constant 80 : index
      %get3A_227 = tpu.vector_load %arg15[%get3A_225, %get3A_226] {strides = array<i32>} : memref<128x128xf32, #tpu.memory_space<vmem>>, vector<1x16xf32>,
      %get3A_228 = vector.shape_cast %get3A_227 : vector<1x16xf32> to vector<16xf32>
      %sub3A_229 = arith.subf %get3A_220, %get3A_224 : vector<16xf32>
      %mul3A_230 = arith.mulf %sub3A_229, %get3A_228 : vector<16xf32>
      %add3A_231 = arith.addf %add3A_197, %mul3A_230 : vector<16xf32>
      %mul3A_232 = arith.mulf %get3A_228, %get3A_228 : vector<16xf32>
      %add3A_233 = arith.addf %add3A_199, %mul3A_232 : vector<16xf32>
      %get3A_234 = arith.index_cast %add3A_125 : i32 to index
      %get3A_235 = arith.constant 96 : index
      %get3A_236 = tpu.vector_load %arg12[%get3A_234, %get3A_235] {strides = array<i32>} : memref<128x128xf32, #tpu.memory_space<vmem>>, vector<1x16xf32>,
      %get3A_237 = vector.shape_cast %get3A_236 : vector<1x16xf32> to vector<16xf32>
      %get3A_238 = arith.index_cast %add3A_125 : i32 to index
      %get3A_239 = arith.constant 96 : index
      %get3A_240 = tpu.vector_load %arg13[%get3A_238, %get3A_239] {strides = array<i32>} : memref<128x128xf32, #tpu.memory_space<vmem>>, vector<1x16xf32>,
      %get3A_241 = vector.shape_cast %get3A_240 : vector<1x16xf32> to vector<16xf32>
      %get3A_242 = arith.index_cast %add3A_125 : i32 to index
      %get3A_243 = arith.constant 96 : index
      %get3A_244 = tpu.vector_load %arg15[%get3A_242, %get3A_243] {strides = array<i32>} : memref<128x128xf32, #tpu.memory_space<vmem>>, vector<1x16xf32>,
      %get3A_245 = vector.shape_cast %get3A_244 : vector<1x16xf32> to vector<16xf32>
      %sub3A_246 = arith.subf %get3A_237, %get3A_241 : vector<16xf32>
      %mul3A_247 = arith.mulf %sub3A_246, %get3A_245 : vector<16xf32>
      %add3A_248 = arith.addf %add3A_214, %mul3A_247 : vector<16xf32>
      %mul3A_249 = arith.mulf %get3A_245, %get3A_245 : vector<16xf32>
      %add3A_250 = arith.addf %add3A_216, %mul3A_249 : vector<16xf32>
      %get3A_251 = arith.index_cast %add3A_125 : i32 to index
      %get3A_252 = arith.constant 112 : index
      %get3A_253 = tpu.vector_load %arg12[%get3A_251, %get3A_252] {strides = array<i32>} : memref<128x128xf32, #tpu.memory_space<vmem>>, vector<1x16xf32>,
      %get3A_254 = vector.shape_cast %get3A_253 : vector<1x16xf32> to vector<16xf32>
      %get3A_255 = arith.index_cast %add3A_125 : i32 to index
      %get3A_256 = arith.constant 112 : index
      %get3A_257 = tpu.vector_load %arg13[%get3A_255, %get3A_256] {strides = array<i32>} : memref<128x128xf32, #tpu.memory_space<vmem>>, vector<1x16xf32>,
      %get3A_258 = vector.shape_cast %get3A_257 : vector<1x16xf32> to vector<16xf32>
      %get3A_259 = arith.index_cast %add3A_125 : i32 to index
      %get3A_260 = arith.constant 112 : index
      %get3A_261 = tpu.vector_load %arg15[%get3A_259, %get3A_260] {strides = array<i32>} : memref<128x128xf32, #tpu.memory_space<vmem>>, vector<1x16xf32>,
      %get3A_262 = vector.shape_cast %get3A_261 : vector<1x16xf32> to vector<16xf32>
      %sub3A_263 = arith.subf %get3A_254, %get3A_258 : vector<16xf32>
      %mul3A_264 = arith.mulf %sub3A_263, %get3A_262 : vector<16xf32>
      %add3A_265 = arith.addf %add3A_231, %mul3A_264 : vector<16xf32>
      %mul3A_266 = arith.mulf %get3A_262, %get3A_262 : vector<16xf32>
      %add3A_267 = arith.addf %add3A_233, %mul3A_266 : vector<16xf32>
      %add3A_268 = arith.addf %add3A_248, %add3A_265 : vector<16xf32>
      %xor3A = arith.constant 8 : i32
      %xor3A_269 = vector.broadcast %xor3A : i32 to vector<16xi32>
      %xor3A_270 = arith.xori %iota3A, %xor3A_269 : vector<16xi32>
      %broadcast_in_dim3A_271 = vector.shape_cast %xor3A_270 : vector<16xi32> to vector<16x1xi32>
      %gather3A = vector.shape_cast %broadcast_in_dim3A_271 : vector<16x1xi32> to vector<16xi32>
      %gather3A_272 = tpu.dynamic_gather %add3A_268[%gather3A] in [0] : vector<16xf32>, vector<16xi32> -> vector<16xf32>
      %add3A_273 = arith.addf %add3A_268, %gather3A_272 : vector<16xf32>
      %xor3A_274 = arith.constant 4 : i32
      %xor3A_275 = vector.broadcast %xor3A_274 : i32 to vector<16xi32>
      %xor3A_276 = arith.xori %iota3A, %xor3A_275 : vector<16xi32>
      %broadcast_in_dim3A_277 = vector.shape_cast %xor3A_276 : vector<16xi32> to vector<16x1xi32>
      %gather3A_278 = vector.shape_cast %broadcast_in_dim3A_277 : vector<16x1xi32> to vector<16xi32>
      %gather3A_279 = tpu.dynamic_gather %add3A_273[%gather3A_278] in [0] : vector<16xf32>, vector<16xi32> -> vector<16xf32>
      %add3A_280 = arith.addf %add3A_273, %gather3A_279 : vector<16xf32>
      %xor3A_281 = arith.constant 2 : i32
      %xor3A_282 = vector.broadcast %xor3A_281 : i32 to vector<16xi32>
      %xor3A_283 = arith.xori %iota3A, %xor3A_282 : vector<16xi32>
      %broadcast_in_dim3A_284 = vector.shape_cast %xor3A_283 : vector<16xi32> to vector<16x1xi32>
      %gather3A_285 = vector.shape_cast %broadcast_in_dim3A_284 : vector<16x1xi32> to vector<16xi32>
      %gather3A_286 = tpu.dynamic_gather %add3A_280[%gather3A_285] in [0] : vector<16xf32>, vector<16xi32> -> vector<16xf32>
      %add3A_287 = arith.addf %add3A_280, %gather3A_286 : vector<16xf32>
      %xor3A_288 = arith.constant 1 : i32
      %xor3A_289 = vector.broadcast %xor3A_288 : i32 to vector<16xi32>
      %xor3A_290 = arith.xori %iota3A, %xor3A_289 : vector<16xi32>
      %broadcast_in_dim3A_291 = vector.shape_cast %xor3A_290 : vector<16xi32> to vector<16x1xi32>
      %gather3A_292 = vector.shape_cast %broadcast_in_dim3A_291 : vector<16x1xi32> to vector<16xi32>
      %gather3A_293 = tpu.dynamic_gather %add3A_287[%gather3A_292] in [0] : vector<16xf32>, vector<16xi32> -> vector<16xf32>
      %add3A_294 = arith.addf %add3A_287, %gather3A_293 : vector<16xf32>
      %add3A_295 = arith.addf %add3A_250, %add3A_267 : vector<16xf32>
      %xor3A_296 = arith.constant 8 : i32
      %xor3A_297 = vector.broadcast %xor3A_296 : i32 to vector<16xi32>
      %xor3A_298 = arith.xori %iota3A, %xor3A_297 : vector<16xi32>
      %broadcast_in_dim3A_299 = vector.shape_cast %xor3A_298 : vector<16xi32> to vector<16x1xi32>
      %gather3A_300 = vector.shape_cast %broadcast_in_dim3A_299 : vector<16x1xi32> to vector<16xi32>
      %gather3A_301 = tpu.dynamic_gather %add3A_295[%gather3A_300] in [0] : vector<16xf32>, vector<16xi32> -> vector<16xf32>
      %add3A_302 = arith.addf %add3A_295, %gather3A_301 : vector<16xf32>
      %xor3A_303 = arith.constant 4 : i32
      %xor3A_304 = vector.broadcast %xor3A_303 : i32 to vector<16xi32>
      %xor3A_305 = arith.xori %iota3A, %xor3A_304 : vector<16xi32>
      %broadcast_in_dim3A_306 = vector.shape_cast %xor3A_305 : vector<16xi32> to vector<16x1xi32>
      %gather3A_307 = vector.shape_cast %broadcast_in_dim3A_306 : vector<16x1xi32> to vector<16xi32>
      %gather3A_308 = tpu.dynamic_gather %add3A_302[%gather3A_307] in [0] : vector<16xf32>, vector<16xi32> -> vector<16xf32>
      %add3A_309 = arith.addf %add3A_302, %gather3A_308 : vector<16xf32>
      %xor3A_310 = arith.constant 2 : i32
      %xor3A_311 = vector.broadcast %xor3A_310 : i32 to vector<16xi32>
      %xor3A_312 = arith.xori %iota3A, %xor3A_311 : vector<16xi32>
      %broadcast_in_dim3A_313 = vector.shape_cast %xor3A_312 : vector<16xi32> to vector<16x1xi32>
      %gather3A_314 = vector.shape_cast %broadcast_in_dim3A_313 : vector<16x1xi32> to vector<16xi32>
      %gather3A_315 = tpu.dynamic_gather %add3A_309[%gather3A_314] in [0] : vector<16xf32>, vector<16xi32> -> vector<16xf32>
      %add3A_316 = arith.addf %add3A_309, %gather3A_315 : vector<16xf32>
      %xor3A_317 = arith.constant 1 : i32
      %xor3A_318 = vector.broadcast %xor3A_317 : i32 to vector<16xi32>
      %xor3A_319 = arith.xori %iota3A, %xor3A_318 : vector<16xi32>
      %broadcast_in_dim3A_320 = vector.shape_cast %xor3A_319 : vector<16xi32> to vector<16x1xi32>
      %gather3A_321 = vector.shape_cast %broadcast_in_dim3A_320 : vector<16x1xi32> to vector<16xi32>
      %gather3A_322 = tpu.dynamic_gather %add3A_316[%gather3A_321] in [0] : vector<16xf32>, vector<16xi32> -> vector<16xf32>
      %add3A_323 = arith.addf %add3A_316, %gather3A_322 : vector<16xf32>
      %max3A = arith.constant 1.000000e-24 : f32
      %max3A_324 = vector.broadcast %max3A : f32 to vector<16xf32>
      %max3A_325 = arith.maximumf %add3A_323, %max3A_324 : vector<16xf32>
      %div3A = arith.divf %add3A_294, %max3A_325 : vector<16xf32>
      %broadcast_in_dim3A_326 = arith.constant 0.000000e+00 : f32
      %broadcast_in_dim3A_327 = vector.broadcast %broadcast_in_dim3A_326 : f32 to vector<16xf32>
      %broadcast_in_dim3A_328 = arith.constant 0.000000e+00 : f32
      %broadcast_in_dim3A_329 = vector.broadcast %broadcast_in_dim3A_328 : f32 to vector<16xf32>
      %get3A_330 = arith.index_cast %add3A_125 : i32 to index
      %get3A_331 = arith.constant 0 : index
      %get3A_332 = tpu.vector_load %arg14[%get3A_330, %get3A_331] {strides = array<i32>} : memref<128x128xf32, #tpu.memory_space<vmem>>, vector<1x16xf32>,
      %get3A_333 = vector.shape_cast %get3A_332 : vector<1x16xf32> to vector<16xf32>
      %add3A_334 = arith.addf %sub3A, %get3A_333 : vector<16xf32>
      %mul3A_335 = arith.mulf %div3A, %get3A_144 : vector<16xf32>
      %sub3A_336 = arith.subf %add3A_334, %mul3A_335 : vector<16xf32>
      %abs3A = math.absf %sub3A_336 : vector<16xf32>
      %sub3A_337 = arith.subf %broadcast_in_dim3A_327, %abs3A : vector<16xf32>
      %get3A_338 = arith.index_cast %add3A_125 : i32 to index
      %get3A_339 = arith.constant 16 : index
      %get3A_340 = tpu.vector_load %arg14[%get3A_338, %get3A_339] {strides = array<i32>} : memref<128x128xf32, #tpu.memory_space<vmem>>, vector<1x16xf32>,
      %get3A_341 = vector.shape_cast %get3A_340 : vector<1x16xf32> to vector<16xf32>
      %add3A_342 = arith.addf %sub3A_161, %get3A_341 : vector<16xf32>
      %mul3A_343 = arith.mulf %div3A, %get3A_160 : vector<16xf32>
      %sub3A_344 = arith.subf %add3A_342, %mul3A_343 : vector<16xf32>
      %abs3A_345 = math.absf %sub3A_344 : vector<16xf32>
      %sub3A_346 = arith.subf %broadcast_in_dim3A_329, %abs3A_345 : vector<16xf32>
      %get3A_347 = arith.index_cast %add3A_125 : i32 to index
      %get3A_348 = arith.constant 32 : index
      %get3A_349 = tpu.vector_load %arg14[%get3A_347, %get3A_348] {strides = array<i32>} : memref<128x128xf32, #tpu.memory_space<vmem>>, vector<1x16xf32>,
      %get3A_350 = vector.shape_cast %get3A_349 : vector<1x16xf32> to vector<16xf32>
      %add3A_351 = arith.addf %sub3A_178, %get3A_350 : vector<16xf32>
      %mul3A_352 = arith.mulf %div3A, %get3A_177 : vector<16xf32>
      %sub3A_353 = arith.subf %add3A_351, %mul3A_352 : vector<16xf32>
      %abs3A_354 = math.absf %sub3A_353 : vector<16xf32>
      %sub3A_355 = arith.subf %sub3A_337, %abs3A_354 : vector<16xf32>
      %get3A_356 = arith.index_cast %add3A_125 : i32 to index
      %get3A_357 = arith.constant 48 : index
      %get3A_358 = tpu.vector_load %arg14[%get3A_356, %get3A_357] {strides = array<i32>} : memref<128x128xf32, #tpu.memory_space<vmem>>, vector<1x16xf32>,
      %get3A_359 = vector.shape_cast %get3A_358 : vector<1x16xf32> to vector<16xf32>
      %add3A_360 = arith.addf %sub3A_195, %get3A_359 : vector<16xf32>
      %mul3A_361 = arith.mulf %div3A, %get3A_194 : vector<16xf32>
      %sub3A_362 = arith.subf %add3A_360, %mul3A_361 : vector<16xf32>
      %abs3A_363 = math.absf %sub3A_362 : vector<16xf32>
      %sub3A_364 = arith.subf %sub3A_346, %abs3A_363 : vector<16xf32>
      %get3A_365 = arith.index_cast %add3A_125 : i32 to index
      %get3A_366 = arith.constant 64 : index
      %get3A_367 = tpu.vector_load %arg14[%get3A_365, %get3A_366] {strides = array<i32>} : memref<128x128xf32, #tpu.memory_space<vmem>>, vector<1x16xf32>,
      %get3A_368 = vector.shape_cast %get3A_367 : vector<1x16xf32> to vector<16xf32>
      %add3A_369 = arith.addf %sub3A_212, %get3A_368 : vector<16xf32>
      %mul3A_370 = arith.mulf %div3A, %get3A_211 : vector<16xf32>
      %sub3A_371 = arith.subf %add3A_369, %mul3A_370 : vector<16xf32>
      %abs3A_372 = math.absf %sub3A_371 : vector<16xf32>
      %sub3A_373 = arith.subf %sub3A_355, %abs3A_372 : vector<16xf32>
      %get3A_374 = arith.index_cast %add3A_125 : i32 to index
      %get3A_375 = arith.constant 80 : index
      %get3A_376 = tpu.vector_load %arg14[%get3A_374, %get3A_375] {strides = array<i32>} : memref<128x128xf32, #tpu.memory_space<vmem>>, vector<1x16xf32>,
      %get3A_377 = vector.shape_cast %get3A_376 : vector<1x16xf32> to vector<16xf32>
      %add3A_378 = arith.addf %sub3A_229, %get3A_377 : vector<16xf32>
      %mul3A_379 = arith.mulf %div3A, %get3A_228 : vector<16xf32>
      %sub3A_380 = arith.subf %add3A_378, %mul3A_379 : vector<16xf32>
      %abs3A_381 = math.absf %sub3A_380 : vector<16xf32>
      %sub3A_382 = arith.subf %sub3A_364, %abs3A_381 : vector<16xf32>
      %get3A_383 = arith.index_cast %add3A_125 : i32 to index
      %get3A_384 = arith.constant 96 : index
      %get3A_385 = tpu.vector_load %arg14[%get3A_383, %get3A_384] {strides = array<i32>} : memref<128x128xf32, #tpu.memory_space<vmem>>, vector<1x16xf32>,
      %get3A_386 = vector.shape_cast %get3A_385 : vector<1x16xf32> to vector<16xf32>
      %add3A_387 = arith.addf %sub3A_246, %get3A_386 : vector<16xf32>
      %mul3A_388 = arith.mulf %div3A, %get3A_245 : vector<16xf32>
      %sub3A_389 = arith.subf %add3A_387, %mul3A_388 : vector<16xf32>
      %abs3A_390 = math.absf %sub3A_389 : vector<16xf32>
      %sub3A_391 = arith.subf %sub3A_373, %abs3A_390 : vector<16xf32>
      %get3A_392 = arith.index_cast %add3A_125 : i32 to index
      %get3A_393 = arith.constant 112 : index
      %get3A_394 = tpu.vector_load %arg14[%get3A_392, %get3A_393] {strides = array<i32>} : memref<128x128xf32, #tpu.memory_space<vmem>>, vector<1x16xf32>,
      %get3A_395 = vector.shape_cast %get3A_394 : vector<1x16xf32> to vector<16xf32>
      %add3A_396 = arith.addf %sub3A_263, %get3A_395 : vector<16xf32>
      %mul3A_397 = arith.mulf %div3A, %get3A_262 : vector<16xf32>
      %sub3A_398 = arith.subf %add3A_396, %mul3A_397 : vector<16xf32>
      %abs3A_399 = math.absf %sub3A_398 : vector<16xf32>
      %sub3A_400 = arith.subf %sub3A_382, %abs3A_399 : vector<16xf32>
      %jit3A = arith.constant 4 : i32
      %eq3A_401 = arith.constant 0 : i32
      %eq3A_402 = arith.cmpi eq, %jit3A, %eq3A_401 : i32
      %jit3A_403 = arith.constant 1 : i32
      %select_n3A = arith.select %eq3A_402, %jit3A_403, %jit3A : i32
      %rem3A = arith.remsi %scan3A_83, %select_n3A : i32
      %ne3A = arith.constant 0 : i32
      %ne3A_404 = arith.cmpi ne, %rem3A, %ne3A : i32
      %lt3A = arith.constant 0 : i32
      %lt3A_405 = arith.cmpi slt, %rem3A, %lt3A : i32
      %lt3A_406 = arith.constant 0 : i32
      %lt3A_407 = arith.cmpi slt, %select_n3A, %lt3A_406 : i32
      %ne3A_408 = arith.xori %lt3A_405, %lt3A_407 : i1
      %and3A = arith.andi %ne3A_408, %ne3A_404 : i1
      %add3A_409 = arith.addi %rem3A, %select_n3A : i32
      %select_n3A_410 = arith.select %and3A, %add3A_409, %rem3A : i32
      %mul3A_411 = arith.constant 4 : i32
      %mul3A_412 = arith.muli %select_n3A_410, %mul3A_411 : i32
      %add3A_413 = arith.constant 0 : i32
      %add3A_414 = arith.addi %mul3A_412, %add3A_413 : i32
      %eq3A_415 = vector.broadcast %add3A_414 : i32 to vector<16xi32>
      %eq3A_416 = arith.cmpi eq, %iota3A, %eq3A_415 : vector<16xi32>
      %add3A_417 = arith.addf %sub3A_391, %sub3A_400 : vector<16xf32>
      %xor3A_418 = arith.constant 8 : i32
      %xor3A_419 = vector.broadcast %xor3A_418 : i32 to vector<16xi32>
      %xor3A_420 = arith.xori %iota3A, %xor3A_419 : vector<16xi32>
      %broadcast_in_dim3A_421 = vector.shape_cast %xor3A_420 : vector<16xi32> to vector<16x1xi32>
      %gather3A_422 = vector.shape_cast %broadcast_in_dim3A_421 : vector<16x1xi32> to vector<16xi32>
      %gather3A_423 = tpu.dynamic_gather %add3A_417[%gather3A_422] in [0] : vector<16xf32>, vector<16xi32> -> vector<16xf32>
      %add3A_424 = arith.addf %add3A_417, %gather3A_423 : vector<16xf32>
      %xor3A_425 = arith.constant 4 : i32
      %xor3A_426 = vector.broadcast %xor3A_425 : i32 to vector<16xi32>
      %xor3A_427 = arith.xori %iota3A, %xor3A_426 : vector<16xi32>
      %broadcast_in_dim3A_428 = vector.shape_cast %xor3A_427 : vector<16xi32> to vector<16x1xi32>
      %gather3A_429 = vector.shape_cast %broadcast_in_dim3A_428 : vector<16x1xi32> to vector<16xi32>
      %gather3A_430 = tpu.dynamic_gather %add3A_424[%gather3A_429] in [0] : vector<16xf32>, vector<16xi32> -> vector<16xf32>
      %add3A_431 = arith.addf %add3A_424, %gather3A_430 : vector<16xf32>
      %xor3A_432 = arith.constant 2 : i32
      %xor3A_433 = vector.broadcast %xor3A_432 : i32 to vector<16xi32>
      %xor3A_434 = arith.xori %iota3A, %xor3A_433 : vector<16xi32>
      %broadcast_in_dim3A_435 = vector.shape_cast %xor3A_434 : vector<16xi32> to vector<16x1xi32>
      %gather3A_436 = vector.shape_cast %broadcast_in_dim3A_435 : vector<16x1xi32> to vector<16xi32>
      %gather3A_437 = tpu.dynamic_gather %add3A_431[%gather3A_436] in [0] : vector<16xf32>, vector<16xi32> -> vector<16xf32>
      %add3A_438 = arith.addf %add3A_431, %gather3A_437 : vector<16xf32>
      %xor3A_439 = arith.constant 1 : i32
      %xor3A_440 = vector.broadcast %xor3A_439 : i32 to vector<16xi32>
      %xor3A_441 = arith.xori %iota3A, %xor3A_440 : vector<16xi32>
      %broadcast_in_dim3A_442 = vector.shape_cast %xor3A_441 : vector<16xi32> to vector<16x1xi32>
      %gather3A_443 = vector.shape_cast %broadcast_in_dim3A_442 : vector<16x1xi32> to vector<16xi32>
      %gather3A_444 = tpu.dynamic_gather %add3A_438[%gather3A_443] in [0] : vector<16xf32>, vector<16xi32> -> vector<16xf32>
      %add3A_445 = arith.addf %add3A_438, %gather3A_444 : vector<16xf32>
      %select_n3A_446 = arith.select %eq3A_416, %add3A_445, %scan3A_84 : vector<16xi1>, vector<16xf32>
      %mul3A_447 = arith.constant 4 : i32
      %mul3A_448 = arith.muli %scan3A_83, %mul3A_447 : i32
      %add3A_449 = arith.constant 1 : i32
      %add3A_450 = arith.addi %mul3A_448, %add3A_449 : i32
      %broadcast_in_dim3A_451 = arith.constant 0.000000e+00 : f32
      %broadcast_in_dim3A_452 = vector.broadcast %broadcast_in_dim3A_451 : f32 to vector<16xf32>
      %broadcast_in_dim3A_453 = arith.constant 0.000000e+00 : f32
      %broadcast_in_dim3A_454 = vector.broadcast %broadcast_in_dim3A_453 : f32 to vector<16xf32>
      %broadcast_in_dim3A_455 = arith.constant 0.000000e+00 : f32
      %broadcast_in_dim3A_456 = vector.broadcast %broadcast_in_dim3A_455 : f32 to vector<16xf32>
      %broadcast_in_dim3A_457 = arith.constant 0.000000e+00 : f32
      %broadcast_in_dim3A_458 = vector.broadcast %broadcast_in_dim3A_457 : f32 to vector<16xf32>
      %get3A_459 = arith.index_cast %add3A_450 : i32 to index
      %get3A_460 = arith.constant 0 : index
      %get3A_461 = tpu.vector_load %arg12[%get3A_459, %get3A_460] {strides = array<i32>} : memref<128x128xf32, #tpu.memory_space<vmem>>, vector<1x16xf32>,
      %get3A_462 = vector.shape_cast %get3A_461 : vector<1x16xf32> to vector<16xf32>
      %get3A_463 = arith.index_cast %add3A_450 : i32 to index
      %get3A_464 = arith.constant 0 : index
      %get3A_465 = tpu.vector_load %arg13[%get3A_463, %get3A_464] {strides = array<i32>} : memref<128x128xf32, #tpu.memory_space<vmem>>, vector<1x16xf32>,
      %get3A_466 = vector.shape_cast %get3A_465 : vector<1x16xf32> to vector<16xf32>
      %get3A_467 = arith.index_cast %add3A_450 : i32 to index
      %get3A_468 = arith.constant 0 : index
      %get3A_469 = tpu.vector_load %arg15[%get3A_467, %get3A_468] {strides = array<i32>} : memref<128x128xf32, #tpu.memory_space<vmem>>, vector<1x16xf32>,
      %get3A_470 = vector.shape_cast %get3A_469 : vector<1x16xf32> to vector<16xf32>
      %sub3A_471 = arith.subf %get3A_462, %get3A_466 : vector<16xf32>
      %mul3A_472 = arith.mulf %sub3A_471, %get3A_470 : vector<16xf32>
      %add3A_473 = arith.addf %broadcast_in_dim3A_452, %mul3A_472 : vector<16xf32>
      %mul3A_474 = arith.mulf %get3A_470, %get3A_470 : vector<16xf32>
      %add3A_475 = arith.addf %broadcast_in_dim3A_456, %mul3A_474 : vector<16xf32>
      %get3A_476 = arith.index_cast %add3A_450 : i32 to index
      %get3A_477 = arith.constant 16 : index
      %get3A_478 = tpu.vector_load %arg12[%get3A_476, %get3A_477] {strides = array<i32>} : memref<128x128xf32, #tpu.memory_space<vmem>>, vector<1x16xf32>,
      %get3A_479 = vector.shape_cast %get3A_478 : vector<1x16xf32> to vector<16xf32>
      %get3A_480 = arith.index_cast %add3A_450 : i32 to index
      %get3A_481 = arith.constant 16 : index
      %get3A_482 = tpu.vector_load %arg13[%get3A_480, %get3A_481] {strides = array<i32>} : memref<128x128xf32, #tpu.memory_space<vmem>>, vector<1x16xf32>,
      %get3A_483 = vector.shape_cast %get3A_482 : vector<1x16xf32> to vector<16xf32>
      %get3A_484 = arith.index_cast %add3A_450 : i32 to index
      %get3A_485 = arith.constant 16 : index
      %get3A_486 = tpu.vector_load %arg15[%get3A_484, %get3A_485] {strides = array<i32>} : memref<128x128xf32, #tpu.memory_space<vmem>>, vector<1x16xf32>,
      %get3A_487 = vector.shape_cast %get3A_486 : vector<1x16xf32> to vector<16xf32>
      %sub3A_488 = arith.subf %get3A_479, %get3A_483 : vector<16xf32>
      %mul3A_489 = arith.mulf %sub3A_488, %get3A_487 : vector<16xf32>
      %add3A_490 = arith.addf %broadcast_in_dim3A_454, %mul3A_489 : vector<16xf32>
      %mul3A_491 = arith.mulf %get3A_487, %get3A_487 : vector<16xf32>
      %add3A_492 = arith.addf %broadcast_in_dim3A_458, %mul3A_491 : vector<16xf32>
      %get3A_493 = arith.index_cast %add3A_450 : i32 to index
      %get3A_494 = arith.constant 32 : index
      %get3A_495 = tpu.vector_load %arg12[%get3A_493, %get3A_494] {strides = array<i32>} : memref<128x128xf32, #tpu.memory_space<vmem>>, vector<1x16xf32>,
      %get3A_496 = vector.shape_cast %get3A_495 : vector<1x16xf32> to vector<16xf32>
      %get3A_497 = arith.index_cast %add3A_450 : i32 to index
      %get3A_498 = arith.constant 32 : index
      %get3A_499 = tpu.vector_load %arg13[%get3A_497, %get3A_498] {strides = array<i32>} : memref<128x128xf32, #tpu.memory_space<vmem>>, vector<1x16xf32>,
      %get3A_500 = vector.shape_cast %get3A_499 : vector<1x16xf32> to vector<16xf32>
      %get3A_501 = arith.index_cast %add3A_450 : i32 to index
      %get3A_502 = arith.constant 32 : index
      %get3A_503 = tpu.vector_load %arg15[%get3A_501, %get3A_502] {strides = array<i32>} : memref<128x128xf32, #tpu.memory_space<vmem>>, vector<1x16xf32>,
      %get3A_504 = vector.shape_cast %get3A_503 : vector<1x16xf32> to vector<16xf32>
      %sub3A_505 = arith.subf %get3A_496, %get3A_500 : vector<16xf32>
      %mul3A_506 = arith.mulf %sub3A_505, %get3A_504 : vector<16xf32>
      %add3A_507 = arith.addf %add3A_473, %mul3A_506 : vector<16xf32>
      %mul3A_508 = arith.mulf %get3A_504, %get3A_504 : vector<16xf32>
      %add3A_509 = arith.addf %add3A_475, %mul3A_508 : vector<16xf32>
      %get3A_510 = arith.index_cast %add3A_450 : i32 to index
      %get3A_511 = arith.constant 48 : index
      %get3A_512 = tpu.vector_load %arg12[%get3A_510, %get3A_511] {strides = array<i32>} : memref<128x128xf32, #tpu.memory_space<vmem>>, vector<1x16xf32>,
      %get3A_513 = vector.shape_cast %get3A_512 : vector<1x16xf32> to vector<16xf32>
      %get3A_514 = arith.index_cast %add3A_450 : i32 to index
      %get3A_515 = arith.constant 48 : index
      %get3A_516 = tpu.vector_load %arg13[%get3A_514, %get3A_515] {strides = array<i32>} : memref<128x128xf32, #tpu.memory_space<vmem>>, vector<1x16xf32>,
      %get3A_517 = vector.shape_cast %get3A_516 : vector<1x16xf32> to vector<16xf32>
      %get3A_518 = arith.index_cast %add3A_450 : i32 to index
      %get3A_519 = arith.constant 48 : index
      %get3A_520 = tpu.vector_load %arg15[%get3A_518, %get3A_519] {strides = array<i32>} : memref<128x128xf32, #tpu.memory_space<vmem>>, vector<1x16xf32>,
      %get3A_521 = vector.shape_cast %get3A_520 : vector<1x16xf32> to vector<16xf32>
      %sub3A_522 = arith.subf %get3A_513, %get3A_517 : vector<16xf32>
      %mul3A_523 = arith.mulf %sub3A_522, %get3A_521 : vector<16xf32>
      %add3A_524 = arith.addf %add3A_490, %mul3A_523 : vector<16xf32>
      %mul3A_525 = arith.mulf %get3A_521, %get3A_521 : vector<16xf32>
      %add3A_526 = arith.addf %add3A_492, %mul3A_525 : vector<16xf32>
      %get3A_527 = arith.index_cast %add3A_450 : i32 to index
      %get3A_528 = arith.constant 64 : index
      %get3A_529 = tpu.vector_load %arg12[%get3A_527, %get3A_528] {strides = array<i32>} : memref<128x128xf32, #tpu.memory_space<vmem>>, vector<1x16xf32>,
      %get3A_530 = vector.shape_cast %get3A_529 : vector<1x16xf32> to vector<16xf32>
      %get3A_531 = arith.index_cast %add3A_450 : i32 to index
      %get3A_532 = arith.constant 64 : index
      %get3A_533 = tpu.vector_load %arg13[%get3A_531, %get3A_532] {strides = array<i32>} : memref<128x128xf32, #tpu.memory_space<vmem>>, vector<1x16xf32>,
      %get3A_534 = vector.shape_cast %get3A_533 : vector<1x16xf32> to vector<16xf32>
      %get3A_535 = arith.index_cast %add3A_450 : i32 to index
      %get3A_536 = arith.constant 64 : index
      %get3A_537 = tpu.vector_load %arg15[%get3A_535, %get3A_536] {strides = array<i32>} : memref<128x128xf32, #tpu.memory_space<vmem>>, vector<1x16xf32>,
      %get3A_538 = vector.shape_cast %get3A_537 : vector<1x16xf32> to vector<16xf32>
      %sub3A_539 = arith.subf %get3A_530, %get3A_534 : vector<16xf32>
      %mul3A_540 = arith.mulf %sub3A_539, %get3A_538 : vector<16xf32>
      %add3A_541 = arith.addf %add3A_507, %mul3A_540 : vector<16xf32>
      %mul3A_542 = arith.mulf %get3A_538, %get3A_538 : vector<16xf32>
      %add3A_543 = arith.addf %add3A_509, %mul3A_542 : vector<16xf32>
      %get3A_544 = arith.index_cast %add3A_450 : i32 to index
      %get3A_545 = arith.constant 80 : index
      %get3A_546 = tpu.vector_load %arg12[%get3A_544, %get3A_545] {strides = array<i32>} : memref<128x128xf32, #tpu.memory_space<vmem>>, vector<1x16xf32>,
      %get3A_547 = vector.shape_cast %get3A_546 : vector<1x16xf32> to vector<16xf32>
      %get3A_548 = arith.index_cast %add3A_450 : i32 to index
      %get3A_549 = arith.constant 80 : index
      %get3A_550 = tpu.vector_load %arg13[%get3A_548, %get3A_549] {strides = array<i32>} : memref<128x128xf32, #tpu.memory_space<vmem>>, vector<1x16xf32>,
      %get3A_551 = vector.shape_cast %get3A_550 : vector<1x16xf32> to vector<16xf32>
      %get3A_552 = arith.index_cast %add3A_450 : i32 to index
      %get3A_553 = arith.constant 80 : index
      %get3A_554 = tpu.vector_load %arg15[%get3A_552, %get3A_553] {strides = array<i32>} : memref<128x128xf32, #tpu.memory_space<vmem>>, vector<1x16xf32>,
      %get3A_555 = vector.shape_cast %get3A_554 : vector<1x16xf32> to vector<16xf32>
      %sub3A_556 = arith.subf %get3A_547, %get3A_551 : vector<16xf32>
      %mul3A_557 = arith.mulf %sub3A_556, %get3A_555 : vector<16xf32>
      %add3A_558 = arith.addf %add3A_524, %mul3A_557 : vector<16xf32>
      %mul3A_559 = arith.mulf %get3A_555, %get3A_555 : vector<16xf32>
      %add3A_560 = arith.addf %add3A_526, %mul3A_559 : vector<16xf32>
      %get3A_561 = arith.index_cast %add3A_450 : i32 to index
      %get3A_562 = arith.constant 96 : index
      %get3A_563 = tpu.vector_load %arg12[%get3A_561, %get3A_562] {strides = array<i32>} : memref<128x128xf32, #tpu.memory_space<vmem>>, vector<1x16xf32>,
      %get3A_564 = vector.shape_cast %get3A_563 : vector<1x16xf32> to vector<16xf32>
      %get3A_565 = arith.index_cast %add3A_450 : i32 to index
      %get3A_566 = arith.constant 96 : index
      %get3A_567 = tpu.vector_load %arg13[%get3A_565, %get3A_566] {strides = array<i32>} : memref<128x128xf32, #tpu.memory_space<vmem>>, vector<1x16xf32>,
      %get3A_568 = vector.shape_cast %get3A_567 : vector<1x16xf32> to vector<16xf32>
      %get3A_569 = arith.index_cast %add3A_450 : i32 to index
      %get3A_570 = arith.constant 96 : index
      %get3A_571 = tpu.vector_load %arg15[%get3A_569, %get3A_570] {strides = array<i32>} : memref<128x128xf32, #tpu.memory_space<vmem>>, vector<1x16xf32>,
      %get3A_572 = vector.shape_cast %get3A_571 : vector<1x16xf32> to vector<16xf32>
      %sub3A_573 = arith.subf %get3A_564, %get3A_568 : vector<16xf32>
      %mul3A_574 = arith.mulf %sub3A_573, %get3A_572 : vector<16xf32>
      %add3A_575 = arith.addf %add3A_541, %mul3A_574 : vector<16xf32>
      %mul3A_576 = arith.mulf %get3A_572, %get3A_572 : vector<16xf32>
      %add3A_577 = arith.addf %add3A_543, %mul3A_576 : vector<16xf32>
      %get3A_578 = arith.index_cast %add3A_450 : i32 to index
      %get3A_579 = arith.constant 112 : index
      %get3A_580 = tpu.vector_load %arg12[%get3A_578, %get3A_579] {strides = array<i32>} : memref<128x128xf32, #tpu.memory_space<vmem>>, vector<1x16xf32>,
      %get3A_581 = vector.shape_cast %get3A_580 : vector<1x16xf32> to vector<16xf32>
      %get3A_582 = arith.index_cast %add3A_450 : i32 to index
      %get3A_583 = arith.constant 112 : index
      %get3A_584 = tpu.vector_load %arg13[%get3A_582, %get3A_583] {strides = array<i32>} : memref<128x128xf32, #tpu.memory_space<vmem>>, vector<1x16xf32>,
      %get3A_585 = vector.shape_cast %get3A_584 : vector<1x16xf32> to vector<16xf32>
      %get3A_586 = arith.index_cast %add3A_450 : i32 to index
      %get3A_587 = arith.constant 112 : index
      %get3A_588 = tpu.vector_load %arg15[%get3A_586, %get3A_587] {strides = array<i32>} : memref<128x128xf32, #tpu.memory_space<vmem>>, vector<1x16xf32>,
      %get3A_589 = vector.shape_cast %get3A_588 : vector<1x16xf32> to vector<16xf32>
      %sub3A_590 = arith.subf %get3A_581, %get3A_585 : vector<16xf32>
      %mul3A_591 = arith.mulf %sub3A_590, %get3A_589 : vector<16xf32>
      %add3A_592 = arith.addf %add3A_558, %mul3A_591 : vector<16xf32>
      %mul3A_593 = arith.mulf %get3A_589, %get3A_589 : vector<16xf32>
      %add3A_594 = arith.addf %add3A_560, %mul3A_593 : vector<16xf32>
      %add3A_595 = arith.addf %add3A_575, %add3A_592 : vector<16xf32>
      %xor3A_596 = arith.constant 8 : i32
      %xor3A_597 = vector.broadcast %xor3A_596 : i32 to vector<16xi32>
      %xor3A_598 = arith.xori %iota3A, %xor3A_597 : vector<16xi32>
      %broadcast_in_dim3A_599 = vector.shape_cast %xor3A_598 : vector<16xi32> to vector<16x1xi32>
      %gather3A_600 = vector.shape_cast %broadcast_in_dim3A_599 : vector<16x1xi32> to vector<16xi32>
      %gather3A_601 = tpu.dynamic_gather %add3A_595[%gather3A_600] in [0] : vector<16xf32>, vector<16xi32> -> vector<16xf32>
      %add3A_602 = arith.addf %add3A_595, %gather3A_601 : vector<16xf32>
      %xor3A_603 = arith.constant 4 : i32
      %xor3A_604 = vector.broadcast %xor3A_603 : i32 to vector<16xi32>
      %xor3A_605 = arith.xori %iota3A, %xor3A_604 : vector<16xi32>
      %broadcast_in_dim3A_606 = vector.shape_cast %xor3A_605 : vector<16xi32> to vector<16x1xi32>
      %gather3A_607 = vector.shape_cast %broadcast_in_dim3A_606 : vector<16x1xi32> to vector<16xi32>
      %gather3A_608 = tpu.dynamic_gather %add3A_602[%gather3A_607] in [0] : vector<16xf32>, vector<16xi32> -> vector<16xf32>
      %add3A_609 = arith.addf %add3A_602, %gather3A_608 : vector<16xf32>
      %xor3A_610 = arith.constant 2 : i32
      %xor3A_611 = vector.broadcast %xor3A_610 : i32 to vector<16xi32>
      %xor3A_612 = arith.xori %iota3A, %xor3A_611 : vector<16xi32>
      %broadcast_in_dim3A_613 = vector.shape_cast %xor3A_612 : vector<16xi32> to vector<16x1xi32>
      %gather3A_614 = vector.shape_cast %broadcast_in_dim3A_613 : vector<16x1xi32> to vector<16xi32>
      %gather3A_615 = tpu.dynamic_gather %add3A_609[%gather3A_614] in [0] : vector<16xf32>, vector<16xi32> -> vector<16xf32>
      %add3A_616 = arith.addf %add3A_609, %gather3A_615 : vector<16xf32>
      %xor3A_617 = arith.constant 1 : i32
      %xor3A_618 = vector.broadcast %xor3A_617 : i32 to vector<16xi32>
      %xor3A_619 = arith.xori %iota3A, %xor3A_618 : vector<16xi32>
      %broadcast_in_dim3A_620 = vector.shape_cast %xor3A_619 : vector<16xi32> to vector<16x1xi32>
      %gather3A_621 = vector.shape_cast %broadcast_in_dim3A_620 : vector<16x1xi32> to vector<16xi32>
      %gather3A_622 = tpu.dynamic_gather %add3A_616[%gather3A_621] in [0] : vector<16xf32>, vector<16xi32> -> vector<16xf32>
      %add3A_623 = arith.addf %add3A_616, %gather3A_622 : vector<16xf32>
      %add3A_624 = arith.addf %add3A_577, %add3A_594 : vector<16xf32>
      %xor3A_625 = arith.constant 8 : i32
      %xor3A_626 = vector.broadcast %xor3A_625 : i32 to vector<16xi32>
      %xor3A_627 = arith.xori %iota3A, %xor3A_626 : vector<16xi32>
      %broadcast_in_dim3A_628 = vector.shape_cast %xor3A_627 : vector<16xi32> to vector<16x1xi32>
      %gather3A_629 = vector.shape_cast %broadcast_in_dim3A_628 : vector<16x1xi32> to vector<16xi32>
      %gather3A_630 = tpu.dynamic_gather %add3A_624[%gather3A_629] in [0] : vector<16xf32>, vector<16xi32> -> vector<16xf32>
      %add3A_631 = arith.addf %add3A_624, %gather3A_630 : vector<16xf32>
      %xor3A_632 = arith.constant 4 : i32
      %xor3A_633 = vector.broadcast %xor3A_632 : i32 to vector<16xi32>
      %xor3A_634 = arith.xori %iota3A, %xor3A_633 : vector<16xi32>
      %broadcast_in_dim3A_635 = vector.shape_cast %xor3A_634 : vector<16xi32> to vector<16x1xi32>
      %gather3A_636 = vector.shape_cast %broadcast_in_dim3A_635 : vector<16x1xi32> to vector<16xi32>
      %gather3A_637 = tpu.dynamic_gather %add3A_631[%gather3A_636] in [0] : vector<16xf32>, vector<16xi32> -> vector<16xf32>
      %add3A_638 = arith.addf %add3A_631, %gather3A_637 : vector<16xf32>
      %xor3A_639 = arith.constant 2 : i32
      %xor3A_640 = vector.broadcast %xor3A_639 : i32 to vector<16xi32>
      %xor3A_641 = arith.xori %iota3A, %xor3A_640 : vector<16xi32>
      %broadcast_in_dim3A_642 = vector.shape_cast %xor3A_641 : vector<16xi32> to vector<16x1xi32>
      %gather3A_643 = vector.shape_cast %broadcast_in_dim3A_642 : vector<16x1xi32> to vector<16xi32>
      %gather3A_644 = tpu.dynamic_gather %add3A_638[%gather3A_643] in [0] : vector<16xf32>, vector<16xi32> -> vector<16xf32>
      %add3A_645 = arith.addf %add3A_638, %gather3A_644 : vector<16xf32>
      %xor3A_646 = arith.constant 1 : i32
      %xor3A_647 = vector.broadcast %xor3A_646 : i32 to vector<16xi32>
      %xor3A_648 = arith.xori %iota3A, %xor3A_647 : vector<16xi32>
      %broadcast_in_dim3A_649 = vector.shape_cast %xor3A_648 : vector<16xi32> to vector<16x1xi32>
      %gather3A_650 = vector.shape_cast %broadcast_in_dim3A_649 : vector<16x1xi32> to vector<16xi32>
      %gather3A_651 = tpu.dynamic_gather %add3A_645[%gather3A_650] in [0] : vector<16xf32>, vector<16xi32> -> vector<16xf32>
      %add3A_652 = arith.addf %add3A_645, %gather3A_651 : vector<16xf32>
      %max3A_653 = arith.constant 1.000000e-24 : f32
      %max3A_654 = vector.broadcast %max3A_653 : f32 to vector<16xf32>
      %max3A_655 = arith.maximumf %add3A_652, %max3A_654 : vector<16xf32>
      %div3A_656 = arith.divf %add3A_623, %max3A_655 : vector<16xf32>
      %broadcast_in_dim3A_657 = arith.constant 0.000000e+00 : f32
      %broadcast_in_dim3A_658 = vector.broadcast %broadcast_in_dim3A_657 : f32 to vector<16xf32>
      %broadcast_in_dim3A_659 = arith.constant 0.000000e+00 : f32
      %broadcast_in_dim3A_660 = vector.broadcast %broadcast_in_dim3A_659 : f32 to vector<16xf32>
      %get3A_661 = arith.index_cast %add3A_450 : i32 to index
      %get3A_662 = arith.constant 0 : index
      %get3A_663 = tpu.vector_load %arg14[%get3A_661, %get3A_662] {strides = array<i32>} : memref<128x128xf32, #tpu.memory_space<vmem>>, vector<1x16xf32>,
      %get3A_664 = vector.shape_cast %get3A_663 : vector<1x16xf32> to vector<16xf32>
      %add3A_665 = arith.addf %sub3A_471, %get3A_664 : vector<16xf32>
      %mul3A_666 = arith.mulf %div3A_656, %get3A_470 : vector<16xf32>
      %sub3A_667 = arith.subf %add3A_665, %mul3A_666 : vector<16xf32>
      %abs3A_668 = math.absf %sub3A_667 : vector<16xf32>
      %sub3A_669 = arith.subf %broadcast_in_dim3A_658, %abs3A_668 : vector<16xf32>
      %get3A_670 = arith.index_cast %add3A_450 : i32 to index
      %get3A_671 = arith.constant 16 : index
      %get3A_672 = tpu.vector_load %arg14[%get3A_670, %get3A_671] {strides = array<i32>} : memref<128x128xf32, #tpu.memory_space<vmem>>, vector<1x16xf32>,
      %get3A_673 = vector.shape_cast %get3A_672 : vector<1x16xf32> to vector<16xf32>
      %add3A_674 = arith.addf %sub3A_488, %get3A_673 : vector<16xf32>
      %mul3A_675 = arith.mulf %div3A_656, %get3A_487 : vector<16xf32>
      %sub3A_676 = arith.subf %add3A_674, %mul3A_675 : vector<16xf32>
      %abs3A_677 = math.absf %sub3A_676 : vector<16xf32>
      %sub3A_678 = arith.subf %broadcast_in_dim3A_660, %abs3A_677 : vector<16xf32>
      %get3A_679 = arith.index_cast %add3A_450 : i32 to index
      %get3A_680 = arith.constant 32 : index
      %get3A_681 = tpu.vector_load %arg14[%get3A_679, %get3A_680] {strides = array<i32>} : memref<128x128xf32, #tpu.memory_space<vmem>>, vector<1x16xf32>,
      %get3A_682 = vector.shape_cast %get3A_681 : vector<1x16xf32> to vector<16xf32>
      %add3A_683 = arith.addf %sub3A_505, %get3A_682 : vector<16xf32>
      %mul3A_684 = arith.mulf %div3A_656, %get3A_504 : vector<16xf32>
      %sub3A_685 = arith.subf %add3A_683, %mul3A_684 : vector<16xf32>
      %abs3A_686 = math.absf %sub3A_685 : vector<16xf32>
      %sub3A_687 = arith.subf %sub3A_669, %abs3A_686 : vector<16xf32>
      %get3A_688 = arith.index_cast %add3A_450 : i32 to index
      %get3A_689 = arith.constant 48 : index
      %get3A_690 = tpu.vector_load %arg14[%get3A_688, %get3A_689] {strides = array<i32>} : memref<128x128xf32, #tpu.memory_space<vmem>>, vector<1x16xf32>,
      %get3A_691 = vector.shape_cast %get3A_690 : vector<1x16xf32> to vector<16xf32>
      %add3A_692 = arith.addf %sub3A_522, %get3A_691 : vector<16xf32>
      %mul3A_693 = arith.mulf %div3A_656, %get3A_521 : vector<16xf32>
      %sub3A_694 = arith.subf %add3A_692, %mul3A_693 : vector<16xf32>
      %abs3A_695 = math.absf %sub3A_694 : vector<16xf32>
      %sub3A_696 = arith.subf %sub3A_678, %abs3A_695 : vector<16xf32>
      %get3A_697 = arith.index_cast %add3A_450 : i32 to index
      %get3A_698 = arith.constant 64 : index
      %get3A_699 = tpu.vector_load %arg14[%get3A_697, %get3A_698] {strides = array<i32>} : memref<128x128xf32, #tpu.memory_space<vmem>>, vector<1x16xf32>,
      %get3A_700 = vector.shape_cast %get3A_699 : vector<1x16xf32> to vector<16xf32>
      %add3A_701 = arith.addf %sub3A_539, %get3A_700 : vector<16xf32>
      %mul3A_702 = arith.mulf %div3A_656, %get3A_538 : vector<16xf32>
      %sub3A_703 = arith.subf %add3A_701, %mul3A_702 : vector<16xf32>
      %abs3A_704 = math.absf %sub3A_703 : vector<16xf32>
      %sub3A_705 = arith.subf %sub3A_687, %abs3A_704 : vector<16xf32>
      %get3A_706 = arith.index_cast %add3A_450 : i32 to index
      %get3A_707 = arith.constant 80 : index
      %get3A_708 = tpu.vector_load %arg14[%get3A_706, %get3A_707] {strides = array<i32>} : memref<128x128xf32, #tpu.memory_space<vmem>>, vector<1x16xf32>,
      %get3A_709 = vector.shape_cast %get3A_708 : vector<1x16xf32> to vector<16xf32>
      %add3A_710 = arith.addf %sub3A_556, %get3A_709 : vector<16xf32>
      %mul3A_711 = arith.mulf %div3A_656, %get3A_555 : vector<16xf32>
      %sub3A_712 = arith.subf %add3A_710, %mul3A_711 : vector<16xf32>
      %abs3A_713 = math.absf %sub3A_712 : vector<16xf32>
      %sub3A_714 = arith.subf %sub3A_696, %abs3A_713 : vector<16xf32>
      %get3A_715 = arith.index_cast %add3A_450 : i32 to index
      %get3A_716 = arith.constant 96 : index
      %get3A_717 = tpu.vector_load %arg14[%get3A_715, %get3A_716] {strides = array<i32>} : memref<128x128xf32, #tpu.memory_space<vmem>>, vector<1x16xf32>,
      %get3A_718 = vector.shape_cast %get3A_717 : vector<1x16xf32> to vector<16xf32>
      %add3A_719 = arith.addf %sub3A_573, %get3A_718 : vector<16xf32>
      %mul3A_720 = arith.mulf %div3A_656, %get3A_572 : vector<16xf32>
      %sub3A_721 = arith.subf %add3A_719, %mul3A_720 : vector<16xf32>
      %abs3A_722 = math.absf %sub3A_721 : vector<16xf32>
      %sub3A_723 = arith.subf %sub3A_705, %abs3A_722 : vector<16xf32>
      %get3A_724 = arith.index_cast %add3A_450 : i32 to index
      %get3A_725 = arith.constant 112 : index
      %get3A_726 = tpu.vector_load %arg14[%get3A_724, %get3A_725] {strides = array<i32>} : memref<128x128xf32, #tpu.memory_space<vmem>>, vector<1x16xf32>,
      %get3A_727 = vector.shape_cast %get3A_726 : vector<1x16xf32> to vector<16xf32>
      %add3A_728 = arith.addf %sub3A_590, %get3A_727 : vector<16xf32>
      %mul3A_729 = arith.mulf %div3A_656, %get3A_589 : vector<16xf32>
      %sub3A_730 = arith.subf %add3A_728, %mul3A_729 : vector<16xf32>
      %abs3A_731 = math.absf %sub3A_730 : vector<16xf32>
      %sub3A_732 = arith.subf %sub3A_714, %abs3A_731 : vector<16xf32>
      %jit3A_733 = arith.constant 4 : i32
      %eq3A_734 = arith.constant 0 : i32
      %eq3A_735 = arith.cmpi eq, %jit3A_733, %eq3A_734 : i32
      %jit3A_736 = arith.constant 1 : i32
      %select_n3A_737 = arith.select %eq3A_735, %jit3A_736, %jit3A_733 : i32
      %rem3A_738 = arith.remsi %scan3A_83, %select_n3A_737 : i32
      %ne3A_739 = arith.constant 0 : i32
      %ne3A_740 = arith.cmpi ne, %rem3A_738, %ne3A_739 : i32
      %lt3A_741 = arith.constant 0 : i32
      %lt3A_742 = arith.cmpi slt, %rem3A_738, %lt3A_741 : i32
      %lt3A_743 = arith.constant 0 : i32
      %lt3A_744 = arith.cmpi slt, %select_n3A_737, %lt3A_743 : i32
      %ne3A_745 = arith.xori %lt3A_742, %lt3A_744 : i1
      %and3A_746 = arith.andi %ne3A_745, %ne3A_740 : i1
      %add3A_747 = arith.addi %rem3A_738, %select_n3A_737 : i32
      %select_n3A_748 = arith.select %and3A_746, %add3A_747, %rem3A_738 : i32
      %mul3A_749 = arith.constant 4 : i32
      %mul3A_750 = arith.muli %select_n3A_748, %mul3A_749 : i32
      %add3A_751 = arith.constant 1 : i32
      %add3A_752 = arith.addi %mul3A_750, %add3A_751 : i32
      %eq3A_753 = vector.broadcast %add3A_752 : i32 to vector<16xi32>
      %eq3A_754 = arith.cmpi eq, %iota3A, %eq3A_753 : vector<16xi32>
      %add3A_755 = arith.addf %sub3A_723, %sub3A_732 : vector<16xf32>
      %xor3A_756 = arith.constant 8 : i32
      %xor3A_757 = vector.broadcast %xor3A_756 : i32 to vector<16xi32>
      %xor3A_758 = arith.xori %iota3A, %xor3A_757 : vector<16xi32>
      %broadcast_in_dim3A_759 = vector.shape_cast %xor3A_758 : vector<16xi32> to vector<16x1xi32>
      %gather3A_760 = vector.shape_cast %broadcast_in_dim3A_759 : vector<16x1xi32> to vector<16xi32>
      %gather3A_761 = tpu.dynamic_gather %add3A_755[%gather3A_760] in [0] : vector<16xf32>, vector<16xi32> -> vector<16xf32>
      %add3A_762 = arith.addf %add3A_755, %gather3A_761 : vector<16xf32>
      %xor3A_763 = arith.constant 4 : i32
      %xor3A_764 = vector.broadcast %xor3A_763 : i32 to vector<16xi32>
      %xor3A_765 = arith.xori %iota3A, %xor3A_764 : vector<16xi32>
      %broadcast_in_dim3A_766 = vector.shape_cast %xor3A_765 : vector<16xi32> to vector<16x1xi32>
      %gather3A_767 = vector.shape_cast %broadcast_in_dim3A_766 : vector<16x1xi32> to vector<16xi32>
      %gather3A_768 = tpu.dynamic_gather %add3A_762[%gather3A_767] in [0] : vector<16xf32>, vector<16xi32> -> vector<16xf32>
      %add3A_769 = arith.addf %add3A_762, %gather3A_768 : vector<16xf32>
      %xor3A_770 = arith.constant 2 : i32
      %xor3A_771 = vector.broadcast %xor3A_770 : i32 to vector<16xi32>
      %xor3A_772 = arith.xori %iota3A, %xor3A_771 : vector<16xi32>
      %broadcast_in_dim3A_773 = vector.shape_cast %xor3A_772 : vector<16xi32> to vector<16x1xi32>
      %gather3A_774 = vector.shape_cast %broadcast_in_dim3A_773 : vector<16x1xi32> to vector<16xi32>
      %gather3A_775 = tpu.dynamic_gather %add3A_769[%gather3A_774] in [0] : vector<16xf32>, vector<16xi32> -> vector<16xf32>
      %add3A_776 = arith.addf %add3A_769, %gather3A_775 : vector<16xf32>
      %xor3A_777 = arith.constant 1 : i32
      %xor3A_778 = vector.broadcast %xor3A_777 : i32 to vector<16xi32>
      %xor3A_779 = arith.xori %iota3A, %xor3A_778 : vector<16xi32>
      %broadcast_in_dim3A_780 = vector.shape_cast %xor3A_779 : vector<16xi32> to vector<16x1xi32>
      %gather3A_781 = vector.shape_cast %broadcast_in_dim3A_780 : vector<16x1xi32> to vector<16xi32>
      %gather3A_782 = tpu.dynamic_gather %add3A_776[%gather3A_781] in [0] : vector<16xf32>, vector<16xi32> -> vector<16xf32>
      %add3A_783 = arith.addf %add3A_776, %gather3A_782 : vector<16xf32>
      %select_n3A_784 = arith.select %eq3A_754, %add3A_783, %select_n3A_446 : vector<16xi1>, vector<16xf32>
      %mul3A_785 = arith.constant 4 : i32
      %mul3A_786 = arith.muli %scan3A_83, %mul3A_785 : i32
      %add3A_787 = arith.constant 2 : i32
      %add3A_788 = arith.addi %mul3A_786, %add3A_787 : i32
      %broadcast_in_dim3A_789 = arith.constant 0.000000e+00 : f32
      %broadcast_in_dim3A_790 = vector.broadcast %broadcast_in_dim3A_789 : f32 to vector<16xf32>
      %broadcast_in_dim3A_791 = arith.constant 0.000000e+00 : f32
      %broadcast_in_dim3A_792 = vector.broadcast %broadcast_in_dim3A_791 : f32 to vector<16xf32>
      %broadcast_in_dim3A_793 = arith.constant 0.000000e+00 : f32
      %broadcast_in_dim3A_794 = vector.broadcast %broadcast_in_dim3A_793 : f32 to vector<16xf32>
      %broadcast_in_dim3A_795 = arith.constant 0.000000e+00 : f32
      %broadcast_in_dim3A_796 = vector.broadcast %broadcast_in_dim3A_795 : f32 to vector<16xf32>
      %get3A_797 = arith.index_cast %add3A_788 : i32 to index
      %get3A_798 = arith.constant 0 : index
      %get3A_799 = tpu.vector_load %arg12[%get3A_797, %get3A_798] {strides = array<i32>} : memref<128x128xf32, #tpu.memory_space<vmem>>, vector<1x16xf32>,
      %get3A_800 = vector.shape_cast %get3A_799 : vector<1x16xf32> to vector<16xf32>
      %get3A_801 = arith.index_cast %add3A_788 : i32 to index
      %get3A_802 = arith.constant 0 : index
      %get3A_803 = tpu.vector_load %arg13[%get3A_801, %get3A_802] {strides = array<i32>} : memref<128x128xf32, #tpu.memory_space<vmem>>, vector<1x16xf32>,
      %get3A_804 = vector.shape_cast %get3A_803 : vector<1x16xf32> to vector<16xf32>
      %get3A_805 = arith.index_cast %add3A_788 : i32 to index
      %get3A_806 = arith.constant 0 : index
      %get3A_807 = tpu.vector_load %arg15[%get3A_805, %get3A_806] {strides = array<i32>} : memref<128x128xf32, #tpu.memory_space<vmem>>, vector<1x16xf32>,
      %get3A_808 = vector.shape_cast %get3A_807 : vector<1x16xf32> to vector<16xf32>
      %sub3A_809 = arith.subf %get3A_800, %get3A_804 : vector<16xf32>
      %mul3A_810 = arith.mulf %sub3A_809, %get3A_808 : vector<16xf32>
      %add3A_811 = arith.addf %broadcast_in_dim3A_790, %mul3A_810 : vector<16xf32>
      %mul3A_812 = arith.mulf %get3A_808, %get3A_808 : vector<16xf32>
      %add3A_813 = arith.addf %broadcast_in_dim3A_794, %mul3A_812 : vector<16xf32>
      %get3A_814 = arith.index_cast %add3A_788 : i32 to index
      %get3A_815 = arith.constant 16 : index
      %get3A_816 = tpu.vector_load %arg12[%get3A_814, %get3A_815] {strides = array<i32>} : memref<128x128xf32, #tpu.memory_space<vmem>>, vector<1x16xf32>,
      %get3A_817 = vector.shape_cast %get3A_816 : vector<1x16xf32> to vector<16xf32>
      %get3A_818 = arith.index_cast %add3A_788 : i32 to index
      %get3A_819 = arith.constant 16 : index
      %get3A_820 = tpu.vector_load %arg13[%get3A_818, %get3A_819] {strides = array<i32>} : memref<128x128xf32, #tpu.memory_space<vmem>>, vector<1x16xf32>,
      %get3A_821 = vector.shape_cast %get3A_820 : vector<1x16xf32> to vector<16xf32>
      %get3A_822 = arith.index_cast %add3A_788 : i32 to index
      %get3A_823 = arith.constant 16 : index
      %get3A_824 = tpu.vector_load %arg15[%get3A_822, %get3A_823] {strides = array<i32>} : memref<128x128xf32, #tpu.memory_space<vmem>>, vector<1x16xf32>,
      %get3A_825 = vector.shape_cast %get3A_824 : vector<1x16xf32> to vector<16xf32>
      %sub3A_826 = arith.subf %get3A_817, %get3A_821 : vector<16xf32>
      %mul3A_827 = arith.mulf %sub3A_826, %get3A_825 : vector<16xf32>
      %add3A_828 = arith.addf %broadcast_in_dim3A_792, %mul3A_827 : vector<16xf32>
      %mul3A_829 = arith.mulf %get3A_825, %get3A_825 : vector<16xf32>
      %add3A_830 = arith.addf %broadcast_in_dim3A_796, %mul3A_829 : vector<16xf32>
      %get3A_831 = arith.index_cast %add3A_788 : i32 to index
      %get3A_832 = arith.constant 32 : index
      %get3A_833 = tpu.vector_load %arg12[%get3A_831, %get3A_832] {strides = array<i32>} : memref<128x128xf32, #tpu.memory_space<vmem>>, vector<1x16xf32>,
      %get3A_834 = vector.shape_cast %get3A_833 : vector<1x16xf32> to vector<16xf32>
      %get3A_835 = arith.index_cast %add3A_788 : i32 to index
      %get3A_836 = arith.constant 32 : index
      %get3A_837 = tpu.vector_load %arg13[%get3A_835, %get3A_836] {strides = array<i32>} : memref<128x128xf32, #tpu.memory_space<vmem>>, vector<1x16xf32>,
      %get3A_838 = vector.shape_cast %get3A_837 : vector<1x16xf32> to vector<16xf32>
      %get3A_839 = arith.index_cast %add3A_788 : i32 to index
      %get3A_840 = arith.constant 32 : index
      %get3A_841 = tpu.vector_load %arg15[%get3A_839, %get3A_840] {strides = array<i32>} : memref<128x128xf32, #tpu.memory_space<vmem>>, vector<1x16xf32>,
      %get3A_842 = vector.shape_cast %get3A_841 : vector<1x16xf32> to vector<16xf32>
      %sub3A_843 = arith.subf %get3A_834, %get3A_838 : vector<16xf32>
      %mul3A_844 = arith.mulf %sub3A_843, %get3A_842 : vector<16xf32>
      %add3A_845 = arith.addf %add3A_811, %mul3A_844 : vector<16xf32>
      %mul3A_846 = arith.mulf %get3A_842, %get3A_842 : vector<16xf32>
      %add3A_847 = arith.addf %add3A_813, %mul3A_846 : vector<16xf32>
      %get3A_848 = arith.index_cast %add3A_788 : i32 to index
      %get3A_849 = arith.constant 48 : index
      %get3A_850 = tpu.vector_load %arg12[%get3A_848, %get3A_849] {strides = array<i32>} : memref<128x128xf32, #tpu.memory_space<vmem>>, vector<1x16xf32>,
      %get3A_851 = vector.shape_cast %get3A_850 : vector<1x16xf32> to vector<16xf32>
      %get3A_852 = arith.index_cast %add3A_788 : i32 to index
      %get3A_853 = arith.constant 48 : index
      %get3A_854 = tpu.vector_load %arg13[%get3A_852, %get3A_853] {strides = array<i32>} : memref<128x128xf32, #tpu.memory_space<vmem>>, vector<1x16xf32>,
      %get3A_855 = vector.shape_cast %get3A_854 : vector<1x16xf32> to vector<16xf32>
      %get3A_856 = arith.index_cast %add3A_788 : i32 to index
      %get3A_857 = arith.constant 48 : index
      %get3A_858 = tpu.vector_load %arg15[%get3A_856, %get3A_857] {strides = array<i32>} : memref<128x128xf32, #tpu.memory_space<vmem>>, vector<1x16xf32>,
      %get3A_859 = vector.shape_cast %get3A_858 : vector<1x16xf32> to vector<16xf32>
      %sub3A_860 = arith.subf %get3A_851, %get3A_855 : vector<16xf32>
      %mul3A_861 = arith.mulf %sub3A_860, %get3A_859 : vector<16xf32>
      %add3A_862 = arith.addf %add3A_828, %mul3A_861 : vector<16xf32>
      %mul3A_863 = arith.mulf %get3A_859, %get3A_859 : vector<16xf32>
      %add3A_864 = arith.addf %add3A_830, %mul3A_863 : vector<16xf32>
      %get3A_865 = arith.index_cast %add3A_788 : i32 to index
      %get3A_866 = arith.constant 64 : index
      %get3A_867 = tpu.vector_load %arg12[%get3A_865, %get3A_866] {strides = array<i32>} : memref<128x128xf32, #tpu.memory_space<vmem>>, vector<1x16xf32>,
      %get3A_868 = vector.shape_cast %get3A_867 : vector<1x16xf32> to vector<16xf32>
      %get3A_869 = arith.index_cast %add3A_788 : i32 to index
      %get3A_870 = arith.constant 64 : index
      %get3A_871 = tpu.vector_load %arg13[%get3A_869, %get3A_870] {strides = array<i32>} : memref<128x128xf32, #tpu.memory_space<vmem>>, vector<1x16xf32>,
      %get3A_872 = vector.shape_cast %get3A_871 : vector<1x16xf32> to vector<16xf32>
      %get3A_873 = arith.index_cast %add3A_788 : i32 to index
      %get3A_874 = arith.constant 64 : index
      %get3A_875 = tpu.vector_load %arg15[%get3A_873, %get3A_874] {strides = array<i32>} : memref<128x128xf32, #tpu.memory_space<vmem>>, vector<1x16xf32>,
      %get3A_876 = vector.shape_cast %get3A_875 : vector<1x16xf32> to vector<16xf32>
      %sub3A_877 = arith.subf %get3A_868, %get3A_872 : vector<16xf32>
      %mul3A_878 = arith.mulf %sub3A_877, %get3A_876 : vector<16xf32>
      %add3A_879 = arith.addf %add3A_845, %mul3A_878 : vector<16xf32>
      %mul3A_880 = arith.mulf %get3A_876, %get3A_876 : vector<16xf32>
      %add3A_881 = arith.addf %add3A_847, %mul3A_880 : vector<16xf32>
      %get3A_882 = arith.index_cast %add3A_788 : i32 to index
      %get3A_883 = arith.constant 80 : index
      %get3A_884 = tpu.vector_load %arg12[%get3A_882, %get3A_883] {strides = array<i32>} : memref<128x128xf32, #tpu.memory_space<vmem>>, vector<1x16xf32>,
      %get3A_885 = vector.shape_cast %get3A_884 : vector<1x16xf32> to vector<16xf32>
      %get3A_886 = arith.index_cast %add3A_788 : i32 to index
      %get3A_887 = arith.constant 80 : index
      %get3A_888 = tpu.vector_load %arg13[%get3A_886, %get3A_887] {strides = array<i32>} : memref<128x128xf32, #tpu.memory_space<vmem>>, vector<1x16xf32>,
      %get3A_889 = vector.shape_cast %get3A_888 : vector<1x16xf32> to vector<16xf32>
      %get3A_890 = arith.index_cast %add3A_788 : i32 to index
      %get3A_891 = arith.constant 80 : index
      %get3A_892 = tpu.vector_load %arg15[%get3A_890, %get3A_891] {strides = array<i32>} : memref<128x128xf32, #tpu.memory_space<vmem>>, vector<1x16xf32>,
      %get3A_893 = vector.shape_cast %get3A_892 : vector<1x16xf32> to vector<16xf32>
      %sub3A_894 = arith.subf %get3A_885, %get3A_889 : vector<16xf32>
      %mul3A_895 = arith.mulf %sub3A_894, %get3A_893 : vector<16xf32>
      %add3A_896 = arith.addf %add3A_862, %mul3A_895 : vector<16xf32>
      %mul3A_897 = arith.mulf %get3A_893, %get3A_893 : vector<16xf32>
      %add3A_898 = arith.addf %add3A_864, %mul3A_897 : vector<16xf32>
      %get3A_899 = arith.index_cast %add3A_788 : i32 to index
      %get3A_900 = arith.constant 96 : index
      %get3A_901 = tpu.vector_load %arg12[%get3A_899, %get3A_900] {strides = array<i32>} : memref<128x128xf32, #tpu.memory_space<vmem>>, vector<1x16xf32>,
      %get3A_902 = vector.shape_cast %get3A_901 : vector<1x16xf32> to vector<16xf32>
      %get3A_903 = arith.index_cast %add3A_788 : i32 to index
      %get3A_904 = arith.constant 96 : index
      %get3A_905 = tpu.vector_load %arg13[%get3A_903, %get3A_904] {strides = array<i32>} : memref<128x128xf32, #tpu.memory_space<vmem>>, vector<1x16xf32>,
      %get3A_906 = vector.shape_cast %get3A_905 : vector<1x16xf32> to vector<16xf32>
      %get3A_907 = arith.index_cast %add3A_788 : i32 to index
      %get3A_908 = arith.constant 96 : index
      %get3A_909 = tpu.vector_load %arg15[%get3A_907, %get3A_908] {strides = array<i32>} : memref<128x128xf32, #tpu.memory_space<vmem>>, vector<1x16xf32>,
      %get3A_910 = vector.shape_cast %get3A_909 : vector<1x16xf32> to vector<16xf32>
      %sub3A_911 = arith.subf %get3A_902, %get3A_906 : vector<16xf32>
      %mul3A_912 = arith.mulf %sub3A_911, %get3A_910 : vector<16xf32>
      %add3A_913 = arith.addf %add3A_879, %mul3A_912 : vector<16xf32>
      %mul3A_914 = arith.mulf %get3A_910, %get3A_910 : vector<16xf32>
      %add3A_915 = arith.addf %add3A_881, %mul3A_914 : vector<16xf32>
      %get3A_916 = arith.index_cast %add3A_788 : i32 to index
      %get3A_917 = arith.constant 112 : index
      %get3A_918 = tpu.vector_load %arg12[%get3A_916, %get3A_917] {strides = array<i32>} : memref<128x128xf32, #tpu.memory_space<vmem>>, vector<1x16xf32>,
      %get3A_919 = vector.shape_cast %get3A_918 : vector<1x16xf32> to vector<16xf32>
      %get3A_920 = arith.index_cast %add3A_788 : i32 to index
      %get3A_921 = arith.constant 112 : index
      %get3A_922 = tpu.vector_load %arg13[%get3A_920, %get3A_921] {strides = array<i32>} : memref<128x128xf32, #tpu.memory_space<vmem>>, vector<1x16xf32>,
      %get3A_923 = vector.shape_cast %get3A_922 : vector<1x16xf32> to vector<16xf32>
      %get3A_924 = arith.index_cast %add3A_788 : i32 to index
      %get3A_925 = arith.constant 112 : index
      %get3A_926 = tpu.vector_load %arg15[%get3A_924, %get3A_925] {strides = array<i32>} : memref<128x128xf32, #tpu.memory_space<vmem>>, vector<1x16xf32>,
      %get3A_927 = vector.shape_cast %get3A_926 : vector<1x16xf32> to vector<16xf32>
      %sub3A_928 = arith.subf %get3A_919, %get3A_923 : vector<16xf32>
      %mul3A_929 = arith.mulf %sub3A_928, %get3A_927 : vector<16xf32>
      %add3A_930 = arith.addf %add3A_896, %mul3A_929 : vector<16xf32>
      %mul3A_931 = arith.mulf %get3A_927, %get3A_927 : vector<16xf32>
      %add3A_932 = arith.addf %add3A_898, %mul3A_931 : vector<16xf32>
      %add3A_933 = arith.addf %add3A_913, %add3A_930 : vector<16xf32>
      %xor3A_934 = arith.constant 8 : i32
      %xor3A_935 = vector.broadcast %xor3A_934 : i32 to vector<16xi32>
      %xor3A_936 = arith.xori %iota3A, %xor3A_935 : vector<16xi32>
      %broadcast_in_dim3A_937 = vector.shape_cast %xor3A_936 : vector<16xi32> to vector<16x1xi32>
      %gather3A_938 = vector.shape_cast %broadcast_in_dim3A_937 : vector<16x1xi32> to vector<16xi32>
      %gather3A_939 = tpu.dynamic_gather %add3A_933[%gather3A_938] in [0] : vector<16xf32>, vector<16xi32> -> vector<16xf32>
      %add3A_940 = arith.addf %add3A_933, %gather3A_939 : vector<16xf32>
      %xor3A_941 = arith.constant 4 : i32
      %xor3A_942 = vector.broadcast %xor3A_941 : i32 to vector<16xi32>
      %xor3A_943 = arith.xori %iota3A, %xor3A_942 : vector<16xi32>
      %broadcast_in_dim3A_944 = vector.shape_cast %xor3A_943 : vector<16xi32> to vector<16x1xi32>
      %gather3A_945 = vector.shape_cast %broadcast_in_dim3A_944 : vector<16x1xi32> to vector<16xi32>
      %gather3A_946 = tpu.dynamic_gather %add3A_940[%gather3A_945] in [0] : vector<16xf32>, vector<16xi32> -> vector<16xf32>
      %add3A_947 = arith.addf %add3A_940, %gather3A_946 : vector<16xf32>
      %xor3A_948 = arith.constant 2 : i32
      %xor3A_949 = vector.broadcast %xor3A_948 : i32 to vector<16xi32>
      %xor3A_950 = arith.xori %iota3A, %xor3A_949 : vector<16xi32>
      %broadcast_in_dim3A_951 = vector.shape_cast %xor3A_950 : vector<16xi32> to vector<16x1xi32>
      %gather3A_952 = vector.shape_cast %broadcast_in_dim3A_951 : vector<16x1xi32> to vector<16xi32>
      %gather3A_953 = tpu.dynamic_gather %add3A_947[%gather3A_952] in [0] : vector<16xf32>, vector<16xi32> -> vector<16xf32>
      %add3A_954 = arith.addf %add3A_947, %gather3A_953 : vector<16xf32>
      %xor3A_955 = arith.constant 1 : i32
      %xor3A_956 = vector.broadcast %xor3A_955 : i32 to vector<16xi32>
      %xor3A_957 = arith.xori %iota3A, %xor3A_956 : vector<16xi32>
      %broadcast_in_dim3A_958 = vector.shape_cast %xor3A_957 : vector<16xi32> to vector<16x1xi32>
      %gather3A_959 = vector.shape_cast %broadcast_in_dim3A_958 : vector<16x1xi32> to vector<16xi32>
      %gather3A_960 = tpu.dynamic_gather %add3A_954[%gather3A_959] in [0] : vector<16xf32>, vector<16xi32> -> vector<16xf32>
      %add3A_961 = arith.addf %add3A_954, %gather3A_960 : vector<16xf32>
      %add3A_962 = arith.addf %add3A_915, %add3A_932 : vector<16xf32>
      %xor3A_963 = arith.constant 8 : i32
      %xor3A_964 = vector.broadcast %xor3A_963 : i32 to vector<16xi32>
      %xor3A_965 = arith.xori %iota3A, %xor3A_964 : vector<16xi32>
      %broadcast_in_dim3A_966 = vector.shape_cast %xor3A_965 : vector<16xi32> to vector<16x1xi32>
      %gather3A_967 = vector.shape_cast %broadcast_in_dim3A_966 : vector<16x1xi32> to vector<16xi32>
      %gather3A_968 = tpu.dynamic_gather %add3A_962[%gather3A_967] in [0] : vector<16xf32>, vector<16xi32> -> vector<16xf32>
      %add3A_969 = arith.addf %add3A_962, %gather3A_968 : vector<16xf32>
      %xor3A_970 = arith.constant 4 : i32
      %xor3A_971 = vector.broadcast %xor3A_970 : i32 to vector<16xi32>
      %xor3A_972 = arith.xori %iota3A, %xor3A_971 : vector<16xi32>
      %broadcast_in_dim3A_973 = vector.shape_cast %xor3A_972 : vector<16xi32> to vector<16x1xi32>
      %gather3A_974 = vector.shape_cast %broadcast_in_dim3A_973 : vector<16x1xi32> to vector<16xi32>
      %gather3A_975 = tpu.dynamic_gather %add3A_969[%gather3A_974] in [0] : vector<16xf32>, vector<16xi32> -> vector<16xf32>
      %add3A_976 = arith.addf %add3A_969, %gather3A_975 : vector<16xf32>
      %xor3A_977 = arith.constant 2 : i32
      %xor3A_978 = vector.broadcast %xor3A_977 : i32 to vector<16xi32>
      %xor3A_979 = arith.xori %iota3A, %xor3A_978 : vector<16xi32>
      %broadcast_in_dim3A_980 = vector.shape_cast %xor3A_979 : vector<16xi32> to vector<16x1xi32>
      %gather3A_981 = vector.shape_cast %broadcast_in_dim3A_980 : vector<16x1xi32> to vector<16xi32>
      %gather3A_982 = tpu.dynamic_gather %add3A_976[%gather3A_981] in [0] : vector<16xf32>, vector<16xi32> -> vector<16xf32>
      %add3A_983 = arith.addf %add3A_976, %gather3A_982 : vector<16xf32>
      %xor3A_984 = arith.constant 1 : i32
      %xor3A_985 = vector.broadcast %xor3A_984 : i32 to vector<16xi32>
      %xor3A_986 = arith.xori %iota3A, %xor3A_985 : vector<16xi32>
      %broadcast_in_dim3A_987 = vector.shape_cast %xor3A_986 : vector<16xi32> to vector<16x1xi32>
      %gather3A_988 = vector.shape_cast %broadcast_in_dim3A_987 : vector<16x1xi32> to vector<16xi32>
      %gather3A_989 = tpu.dynamic_gather %add3A_983[%gather3A_988] in [0] : vector<16xf32>, vector<16xi32> -> vector<16xf32>
      %add3A_990 = arith.addf %add3A_983, %gather3A_989 : vector<16xf32>
      %max3A_991 = arith.constant 1.000000e-24 : f32
      %max3A_992 = vector.broadcast %max3A_991 : f32 to vector<16xf32>
      %max3A_993 = arith.maximumf %add3A_990, %max3A_992 : vector<16xf32>
      %div3A_994 = arith.divf %add3A_961, %max3A_993 : vector<16xf32>
      %broadcast_in_dim3A_995 = arith.constant 0.000000e+00 : f32
      %broadcast_in_dim3A_996 = vector.broadcast %broadcast_in_dim3A_995 : f32 to vector<16xf32>
      %broadcast_in_dim3A_997 = arith.constant 0.000000e+00 : f32
      %broadcast_in_dim3A_998 = vector.broadcast %broadcast_in_dim3A_997 : f32 to vector<16xf32>
      %get3A_999 = arith.index_cast %add3A_788 : i32 to index
      %get3A_1000 = arith.constant 0 : index
      %get3A_1001 = tpu.vector_load %arg14[%get3A_999, %get3A_1000] {strides = array<i32>} : memref<128x128xf32, #tpu.memory_space<vmem>>, vector<1x16xf32>,
      %get3A_1002 = vector.shape_cast %get3A_1001 : vector<1x16xf32> to vector<16xf32>
      %add3A_1003 = arith.addf %sub3A_809, %get3A_1002 : vector<16xf32>
      %mul3A_1004 = arith.mulf %div3A_994, %get3A_808 : vector<16xf32>
      %sub3A_1005 = arith.subf %add3A_1003, %mul3A_1004 : vector<16xf32>
      %abs3A_1006 = math.absf %sub3A_1005 : vector<16xf32>
      %sub3A_1007 = arith.subf %broadcast_in_dim3A_996, %abs3A_1006 : vector<16xf32>
      %get3A_1008 = arith.index_cast %add3A_788 : i32 to index
      %get3A_1009 = arith.constant 16 : index
      %get3A_1010 = tpu.vector_load %arg14[%get3A_1008, %get3A_1009] {strides = array<i32>} : memref<128x128xf32, #tpu.memory_space<vmem>>, vector<1x16xf32>,
      %get3A_1011 = vector.shape_cast %get3A_1010 : vector<1x16xf32> to vector<16xf32>
      %add3A_1012 = arith.addf %sub3A_826, %get3A_1011 : vector<16xf32>
      %mul3A_1013 = arith.mulf %div3A_994, %get3A_825 : vector<16xf32>
      %sub3A_1014 = arith.subf %add3A_1012, %mul3A_1013 : vector<16xf32>
      %abs3A_1015 = math.absf %sub3A_1014 : vector<16xf32>
      %sub3A_1016 = arith.subf %broadcast_in_dim3A_998, %abs3A_1015 : vector<16xf32>
      %get3A_1017 = arith.index_cast %add3A_788 : i32 to index
      %get3A_1018 = arith.constant 32 : index
      %get3A_1019 = tpu.vector_load %arg14[%get3A_1017, %get3A_1018] {strides = array<i32>} : memref<128x128xf32, #tpu.memory_space<vmem>>, vector<1x16xf32>,
      %get3A_1020 = vector.shape_cast %get3A_1019 : vector<1x16xf32> to vector<16xf32>
      %add3A_1021 = arith.addf %sub3A_843, %get3A_1020 : vector<16xf32>
      %mul3A_1022 = arith.mulf %div3A_994, %get3A_842 : vector<16xf32>
      %sub3A_1023 = arith.subf %add3A_1021, %mul3A_1022 : vector<16xf32>
      %abs3A_1024 = math.absf %sub3A_1023 : vector<16xf32>
      %sub3A_1025 = arith.subf %sub3A_1007, %abs3A_1024 : vector<16xf32>
      %get3A_1026 = arith.index_cast %add3A_788 : i32 to index
      %get3A_1027 = arith.constant 48 : index
      %get3A_1028 = tpu.vector_load %arg14[%get3A_1026, %get3A_1027] {strides = array<i32>} : memref<128x128xf32, #tpu.memory_space<vmem>>, vector<1x16xf32>,
      %get3A_1029 = vector.shape_cast %get3A_1028 : vector<1x16xf32> to vector<16xf32>
      %add3A_1030 = arith.addf %sub3A_860, %get3A_1029 : vector<16xf32>
      %mul3A_1031 = arith.mulf %div3A_994, %get3A_859 : vector<16xf32>
      %sub3A_1032 = arith.subf %add3A_1030, %mul3A_1031 : vector<16xf32>
      %abs3A_1033 = math.absf %sub3A_1032 : vector<16xf32>
      %sub3A_1034 = arith.subf %sub3A_1016, %abs3A_1033 : vector<16xf32>
      %get3A_1035 = arith.index_cast %add3A_788 : i32 to index
      %get3A_1036 = arith.constant 64 : index
      %get3A_1037 = tpu.vector_load %arg14[%get3A_1035, %get3A_1036] {strides = array<i32>} : memref<128x128xf32, #tpu.memory_space<vmem>>, vector<1x16xf32>,
      %get3A_1038 = vector.shape_cast %get3A_1037 : vector<1x16xf32> to vector<16xf32>
      %add3A_1039 = arith.addf %sub3A_877, %get3A_1038 : vector<16xf32>
      %mul3A_1040 = arith.mulf %div3A_994, %get3A_876 : vector<16xf32>
      %sub3A_1041 = arith.subf %add3A_1039, %mul3A_1040 : vector<16xf32>
      %abs3A_1042 = math.absf %sub3A_1041 : vector<16xf32>
      %sub3A_1043 = arith.subf %sub3A_1025, %abs3A_1042 : vector<16xf32>
      %get3A_1044 = arith.index_cast %add3A_788 : i32 to index
      %get3A_1045 = arith.constant 80 : index
      %get3A_1046 = tpu.vector_load %arg14[%get3A_1044, %get3A_1045] {strides = array<i32>} : memref<128x128xf32, #tpu.memory_space<vmem>>, vector<1x16xf32>,
      %get3A_1047 = vector.shape_cast %get3A_1046 : vector<1x16xf32> to vector<16xf32>
      %add3A_1048 = arith.addf %sub3A_894, %get3A_1047 : vector<16xf32>
      %mul3A_1049 = arith.mulf %div3A_994, %get3A_893 : vector<16xf32>
      %sub3A_1050 = arith.subf %add3A_1048, %mul3A_1049 : vector<16xf32>
      %abs3A_1051 = math.absf %sub3A_1050 : vector<16xf32>
      %sub3A_1052 = arith.subf %sub3A_1034, %abs3A_1051 : vector<16xf32>
      %get3A_1053 = arith.index_cast %add3A_788 : i32 to index
      %get3A_1054 = arith.constant 96 : index
      %get3A_1055 = tpu.vector_load %arg14[%get3A_1053, %get3A_1054] {strides = array<i32>} : memref<128x128xf32, #tpu.memory_space<vmem>>, vector<1x16xf32>,
      %get3A_1056 = vector.shape_cast %get3A_1055 : vector<1x16xf32> to vector<16xf32>
      %add3A_1057 = arith.addf %sub3A_911, %get3A_1056 : vector<16xf32>
      %mul3A_1058 = arith.mulf %div3A_994, %get3A_910 : vector<16xf32>
      %sub3A_1059 = arith.subf %add3A_1057, %mul3A_1058 : vector<16xf32>
      %abs3A_1060 = math.absf %sub3A_1059 : vector<16xf32>
      %sub3A_1061 = arith.subf %sub3A_1043, %abs3A_1060 : vector<16xf32>
      %get3A_1062 = arith.index_cast %add3A_788 : i32 to index
      %get3A_1063 = arith.constant 112 : index
      %get3A_1064 = tpu.vector_load %arg14[%get3A_1062, %get3A_1063] {strides = array<i32>} : memref<128x128xf32, #tpu.memory_space<vmem>>, vector<1x16xf32>,
      %get3A_1065 = vector.shape_cast %get3A_1064 : vector<1x16xf32> to vector<16xf32>
      %add3A_1066 = arith.addf %sub3A_928, %get3A_1065 : vector<16xf32>
      %mul3A_1067 = arith.mulf %div3A_994, %get3A_927 : vector<16xf32>
      %sub3A_1068 = arith.subf %add3A_1066, %mul3A_1067 : vector<16xf32>
      %abs3A_1069 = math.absf %sub3A_1068 : vector<16xf32>
      %sub3A_1070 = arith.subf %sub3A_1052, %abs3A_1069 : vector<16xf32>
      %jit3A_1071 = arith.constant 4 : i32
      %eq3A_1072 = arith.constant 0 : i32
      %eq3A_1073 = arith.cmpi eq, %jit3A_1071, %eq3A_1072 : i32
      %jit3A_1074 = arith.constant 1 : i32
      %select_n3A_1075 = arith.select %eq3A_1073, %jit3A_1074, %jit3A_1071 : i32
      %rem3A_1076 = arith.remsi %scan3A_83, %select_n3A_1075 : i32
      %ne3A_1077 = arith.constant 0 : i32
      %ne3A_1078 = arith.cmpi ne, %rem3A_1076, %ne3A_1077 : i32
      %lt3A_1079 = arith.constant 0 : i32
      %lt3A_1080 = arith.cmpi slt, %rem3A_1076, %lt3A_1079 : i32
      %lt3A_1081 = arith.constant 0 : i32
      %lt3A_1082 = arith.cmpi slt, %select_n3A_1075, %lt3A_1081 : i32
      %ne3A_1083 = arith.xori %lt3A_1080, %lt3A_1082 : i1
      %and3A_1084 = arith.andi %ne3A_1083, %ne3A_1078 : i1
      %add3A_1085 = arith.addi %rem3A_1076, %select_n3A_1075 : i32
      %select_n3A_1086 = arith.select %and3A_1084, %add3A_1085, %rem3A_1076 : i32
      %mul3A_1087 = arith.constant 4 : i32
      %mul3A_1088 = arith.muli %select_n3A_1086, %mul3A_1087 : i32
      %add3A_1089 = arith.constant 2 : i32
      %add3A_1090 = arith.addi %mul3A_1088, %add3A_1089 : i32
      %eq3A_1091 = vector.broadcast %add3A_1090 : i32 to vector<16xi32>
      %eq3A_1092 = arith.cmpi eq, %iota3A, %eq3A_1091 : vector<16xi32>
      %add3A_1093 = arith.addf %sub3A_1061, %sub3A_1070 : vector<16xf32>
      %xor3A_1094 = arith.constant 8 : i32
      %xor3A_1095 = vector.broadcast %xor3A_1094 : i32 to vector<16xi32>
      %xor3A_1096 = arith.xori %iota3A, %xor3A_1095 : vector<16xi32>
      %broadcast_in_dim3A_1097 = vector.shape_cast %xor3A_1096 : vector<16xi32> to vector<16x1xi32>
      %gather3A_1098 = vector.shape_cast %broadcast_in_dim3A_1097 : vector<16x1xi32> to vector<16xi32>
      %gather3A_1099 = tpu.dynamic_gather %add3A_1093[%gather3A_1098] in [0] : vector<16xf32>, vector<16xi32> -> vector<16xf32>
      %add3A_1100 = arith.addf %add3A_1093, %gather3A_1099 : vector<16xf32>
      %xor3A_1101 = arith.constant 4 : i32
      %xor3A_1102 = vector.broadcast %xor3A_1101 : i32 to vector<16xi32>
      %xor3A_1103 = arith.xori %iota3A, %xor3A_1102 : vector<16xi32>
      %broadcast_in_dim3A_1104 = vector.shape_cast %xor3A_1103 : vector<16xi32> to vector<16x1xi32>
      %gather3A_1105 = vector.shape_cast %broadcast_in_dim3A_1104 : vector<16x1xi32> to vector<16xi32>
      %gather3A_1106 = tpu.dynamic_gather %add3A_1100[%gather3A_1105] in [0] : vector<16xf32>, vector<16xi32> -> vector<16xf32>
      %add3A_1107 = arith.addf %add3A_1100, %gather3A_1106 : vector<16xf32>
      %xor3A_1108 = arith.constant 2 : i32
      %xor3A_1109 = vector.broadcast %xor3A_1108 : i32 to vector<16xi32>
      %xor3A_1110 = arith.xori %iota3A, %xor3A_1109 : vector<16xi32>
      %broadcast_in_dim3A_1111 = vector.shape_cast %xor3A_1110 : vector<16xi32> to vector<16x1xi32>
      %gather3A_1112 = vector.shape_cast %broadcast_in_dim3A_1111 : vector<16x1xi32> to vector<16xi32>
      %gather3A_1113 = tpu.dynamic_gather %add3A_1107[%gather3A_1112] in [0] : vector<16xf32>, vector<16xi32> -> vector<16xf32>
      %add3A_1114 = arith.addf %add3A_1107, %gather3A_1113 : vector<16xf32>
      %xor3A_1115 = arith.constant 1 : i32
      %xor3A_1116 = vector.broadcast %xor3A_1115 : i32 to vector<16xi32>
      %xor3A_1117 = arith.xori %iota3A, %xor3A_1116 : vector<16xi32>
      %broadcast_in_dim3A_1118 = vector.shape_cast %xor3A_1117 : vector<16xi32> to vector<16x1xi32>
      %gather3A_1119 = vector.shape_cast %broadcast_in_dim3A_1118 : vector<16x1xi32> to vector<16xi32>
      %gather3A_1120 = tpu.dynamic_gather %add3A_1114[%gather3A_1119] in [0] : vector<16xf32>, vector<16xi32> -> vector<16xf32>
      %add3A_1121 = arith.addf %add3A_1114, %gather3A_1120 : vector<16xf32>
      %select_n3A_1122 = arith.select %eq3A_1092, %add3A_1121, %select_n3A_784 : vector<16xi1>, vector<16xf32>
      %mul3A_1123 = arith.constant 4 : i32
      %mul3A_1124 = arith.muli %scan3A_83, %mul3A_1123 : i32
      %add3A_1125 = arith.constant 3 : i32
      %add3A_1126 = arith.addi %mul3A_1124, %add3A_1125 : i32
      %broadcast_in_dim3A_1127 = arith.constant 0.000000e+00 : f32
      %broadcast_in_dim3A_1128 = vector.broadcast %broadcast_in_dim3A_1127 : f32 to vector<16xf32>
      %broadcast_in_dim3A_1129 = arith.constant 0.000000e+00 : f32
      %broadcast_in_dim3A_1130 = vector.broadcast %broadcast_in_dim3A_1129 : f32 to vector<16xf32>
      %broadcast_in_dim3A_1131 = arith.constant 0.000000e+00 : f32
      %broadcast_in_dim3A_1132 = vector.broadcast %broadcast_in_dim3A_1131 : f32 to vector<16xf32>
      %broadcast_in_dim3A_1133 = arith.constant 0.000000e+00 : f32
      %broadcast_in_dim3A_1134 = vector.broadcast %broadcast_in_dim3A_1133 : f32 to vector<16xf32>
      %get3A_1135 = arith.index_cast %add3A_1126 : i32 to index
      %get3A_1136 = arith.constant 0 : index
      %get3A_1137 = tpu.vector_load %arg12[%get3A_1135, %get3A_1136] {strides = array<i32>} : memref<128x128xf32, #tpu.memory_space<vmem>>, vector<1x16xf32>,
      %get3A_1138 = vector.shape_cast %get3A_1137 : vector<1x16xf32> to vector<16xf32>
      %get3A_1139 = arith.index_cast %add3A_1126 : i32 to index
      %get3A_1140 = arith.constant 0 : index
      %get3A_1141 = tpu.vector_load %arg13[%get3A_1139, %get3A_1140] {strides = array<i32>} : memref<128x128xf32, #tpu.memory_space<vmem>>, vector<1x16xf32>,
      %get3A_1142 = vector.shape_cast %get3A_1141 : vector<1x16xf32> to vector<16xf32>
      %get3A_1143 = arith.index_cast %add3A_1126 : i32 to index
      %get3A_1144 = arith.constant 0 : index
      %get3A_1145 = tpu.vector_load %arg15[%get3A_1143, %get3A_1144] {strides = array<i32>} : memref<128x128xf32, #tpu.memory_space<vmem>>, vector<1x16xf32>,
      %get3A_1146 = vector.shape_cast %get3A_1145 : vector<1x16xf32> to vector<16xf32>
      %sub3A_1147 = arith.subf %get3A_1138, %get3A_1142 : vector<16xf32>
      %mul3A_1148 = arith.mulf %sub3A_1147, %get3A_1146 : vector<16xf32>
      %add3A_1149 = arith.addf %broadcast_in_dim3A_1128, %mul3A_1148 : vector<16xf32>
      %mul3A_1150 = arith.mulf %get3A_1146, %get3A_1146 : vector<16xf32>
      %add3A_1151 = arith.addf %broadcast_in_dim3A_1132, %mul3A_1150 : vector<16xf32>
      %get3A_1152 = arith.index_cast %add3A_1126 : i32 to index
      %get3A_1153 = arith.constant 16 : index
      %get3A_1154 = tpu.vector_load %arg12[%get3A_1152, %get3A_1153] {strides = array<i32>} : memref<128x128xf32, #tpu.memory_space<vmem>>, vector<1x16xf32>,
      %get3A_1155 = vector.shape_cast %get3A_1154 : vector<1x16xf32> to vector<16xf32>
      %get3A_1156 = arith.index_cast %add3A_1126 : i32 to index
      %get3A_1157 = arith.constant 16 : index
      %get3A_1158 = tpu.vector_load %arg13[%get3A_1156, %get3A_1157] {strides = array<i32>} : memref<128x128xf32, #tpu.memory_space<vmem>>, vector<1x16xf32>,
      %get3A_1159 = vector.shape_cast %get3A_1158 : vector<1x16xf32> to vector<16xf32>
      %get3A_1160 = arith.index_cast %add3A_1126 : i32 to index
      %get3A_1161 = arith.constant 16 : index
      %get3A_1162 = tpu.vector_load %arg15[%get3A_1160, %get3A_1161] {strides = array<i32>} : memref<128x128xf32, #tpu.memory_space<vmem>>, vector<1x16xf32>,
      %get3A_1163 = vector.shape_cast %get3A_1162 : vector<1x16xf32> to vector<16xf32>
      %sub3A_1164 = arith.subf %get3A_1155, %get3A_1159 : vector<16xf32>
      %mul3A_1165 = arith.mulf %sub3A_1164, %get3A_1163 : vector<16xf32>
      %add3A_1166 = arith.addf %broadcast_in_dim3A_1130, %mul3A_1165 : vector<16xf32>
      %mul3A_1167 = arith.mulf %get3A_1163, %get3A_1163 : vector<16xf32>
      %add3A_1168 = arith.addf %broadcast_in_dim3A_1134, %mul3A_1167 : vector<16xf32>
      %get3A_1169 = arith.index_cast %add3A_1126 : i32 to index
      %get3A_1170 = arith.constant 32 : index
      %get3A_1171 = tpu.vector_load %arg12[%get3A_1169, %get3A_1170] {strides = array<i32>} : memref<128x128xf32, #tpu.memory_space<vmem>>, vector<1x16xf32>,
      %get3A_1172 = vector.shape_cast %get3A_1171 : vector<1x16xf32> to vector<16xf32>
      %get3A_1173 = arith.index_cast %add3A_1126 : i32 to index
      %get3A_1174 = arith.constant 32 : index
      %get3A_1175 = tpu.vector_load %arg13[%get3A_1173, %get3A_1174] {strides = array<i32>} : memref<128x128xf32, #tpu.memory_space<vmem>>, vector<1x16xf32>,
      %get3A_1176 = vector.shape_cast %get3A_1175 : vector<1x16xf32> to vector<16xf32>
      %get3A_1177 = arith.index_cast %add3A_1126 : i32 to index
      %get3A_1178 = arith.constant 32 : index
      %get3A_1179 = tpu.vector_load %arg15[%get3A_1177, %get3A_1178] {strides = array<i32>} : memref<128x128xf32, #tpu.memory_space<vmem>>, vector<1x16xf32>,
      %get3A_1180 = vector.shape_cast %get3A_1179 : vector<1x16xf32> to vector<16xf32>
      %sub3A_1181 = arith.subf %get3A_1172, %get3A_1176 : vector<16xf32>
      %mul3A_1182 = arith.mulf %sub3A_1181, %get3A_1180 : vector<16xf32>
      %add3A_1183 = arith.addf %add3A_1149, %mul3A_1182 : vector<16xf32>
      %mul3A_1184 = arith.mulf %get3A_1180, %get3A_1180 : vector<16xf32>
      %add3A_1185 = arith.addf %add3A_1151, %mul3A_1184 : vector<16xf32>
      %get3A_1186 = arith.index_cast %add3A_1126 : i32 to index
      %get3A_1187 = arith.constant 48 : index
      %get3A_1188 = tpu.vector_load %arg12[%get3A_1186, %get3A_1187] {strides = array<i32>} : memref<128x128xf32, #tpu.memory_space<vmem>>, vector<1x16xf32>,
      %get3A_1189 = vector.shape_cast %get3A_1188 : vector<1x16xf32> to vector<16xf32>
      %get3A_1190 = arith.index_cast %add3A_1126 : i32 to index
      %get3A_1191 = arith.constant 48 : index
      %get3A_1192 = tpu.vector_load %arg13[%get3A_1190, %get3A_1191] {strides = array<i32>} : memref<128x128xf32, #tpu.memory_space<vmem>>, vector<1x16xf32>,
      %get3A_1193 = vector.shape_cast %get3A_1192 : vector<1x16xf32> to vector<16xf32>
      %get3A_1194 = arith.index_cast %add3A_1126 : i32 to index
      %get3A_1195 = arith.constant 48 : index
      %get3A_1196 = tpu.vector_load %arg15[%get3A_1194, %get3A_1195] {strides = array<i32>} : memref<128x128xf32, #tpu.memory_space<vmem>>, vector<1x16xf32>,
      %get3A_1197 = vector.shape_cast %get3A_1196 : vector<1x16xf32> to vector<16xf32>
      %sub3A_1198 = arith.subf %get3A_1189, %get3A_1193 : vector<16xf32>
      %mul3A_1199 = arith.mulf %sub3A_1198, %get3A_1197 : vector<16xf32>
      %add3A_1200 = arith.addf %add3A_1166, %mul3A_1199 : vector<16xf32>
      %mul3A_1201 = arith.mulf %get3A_1197, %get3A_1197 : vector<16xf32>
      %add3A_1202 = arith.addf %add3A_1168, %mul3A_1201 : vector<16xf32>
      %get3A_1203 = arith.index_cast %add3A_1126 : i32 to index
      %get3A_1204 = arith.constant 64 : index
      %get3A_1205 = tpu.vector_load %arg12[%get3A_1203, %get3A_1204] {strides = array<i32>} : memref<128x128xf32, #tpu.memory_space<vmem>>, vector<1x16xf32>,
      %get3A_1206 = vector.shape_cast %get3A_1205 : vector<1x16xf32> to vector<16xf32>
      %get3A_1207 = arith.index_cast %add3A_1126 : i32 to index
      %get3A_1208 = arith.constant 64 : index
      %get3A_1209 = tpu.vector_load %arg13[%get3A_1207, %get3A_1208] {strides = array<i32>} : memref<128x128xf32, #tpu.memory_space<vmem>>, vector<1x16xf32>,
      %get3A_1210 = vector.shape_cast %get3A_1209 : vector<1x16xf32> to vector<16xf32>
      %get3A_1211 = arith.index_cast %add3A_1126 : i32 to index
      %get3A_1212 = arith.constant 64 : index
      %get3A_1213 = tpu.vector_load %arg15[%get3A_1211, %get3A_1212] {strides = array<i32>} : memref<128x128xf32, #tpu.memory_space<vmem>>, vector<1x16xf32>,
      %get3A_1214 = vector.shape_cast %get3A_1213 : vector<1x16xf32> to vector<16xf32>
      %sub3A_1215 = arith.subf %get3A_1206, %get3A_1210 : vector<16xf32>
      %mul3A_1216 = arith.mulf %sub3A_1215, %get3A_1214 : vector<16xf32>
      %add3A_1217 = arith.addf %add3A_1183, %mul3A_1216 : vector<16xf32>
      %mul3A_1218 = arith.mulf %get3A_1214, %get3A_1214 : vector<16xf32>
      %add3A_1219 = arith.addf %add3A_1185, %mul3A_1218 : vector<16xf32>
      %get3A_1220 = arith.index_cast %add3A_1126 : i32 to index
      %get3A_1221 = arith.constant 80 : index
      %get3A_1222 = tpu.vector_load %arg12[%get3A_1220, %get3A_1221] {strides = array<i32>} : memref<128x128xf32, #tpu.memory_space<vmem>>, vector<1x16xf32>,
      %get3A_1223 = vector.shape_cast %get3A_1222 : vector<1x16xf32> to vector<16xf32>
      %get3A_1224 = arith.index_cast %add3A_1126 : i32 to index
      %get3A_1225 = arith.constant 80 : index
      %get3A_1226 = tpu.vector_load %arg13[%get3A_1224, %get3A_1225] {strides = array<i32>} : memref<128x128xf32, #tpu.memory_space<vmem>>, vector<1x16xf32>,
      %get3A_1227 = vector.shape_cast %get3A_1226 : vector<1x16xf32> to vector<16xf32>
      %get3A_1228 = arith.index_cast %add3A_1126 : i32 to index
      %get3A_1229 = arith.constant 80 : index
      %get3A_1230 = tpu.vector_load %arg15[%get3A_1228, %get3A_1229] {strides = array<i32>} : memref<128x128xf32, #tpu.memory_space<vmem>>, vector<1x16xf32>,
      %get3A_1231 = vector.shape_cast %get3A_1230 : vector<1x16xf32> to vector<16xf32>
      %sub3A_1232 = arith.subf %get3A_1223, %get3A_1227 : vector<16xf32>
      %mul3A_1233 = arith.mulf %sub3A_1232, %get3A_1231 : vector<16xf32>
      %add3A_1234 = arith.addf %add3A_1200, %mul3A_1233 : vector<16xf32>
      %mul3A_1235 = arith.mulf %get3A_1231, %get3A_1231 : vector<16xf32>
      %add3A_1236 = arith.addf %add3A_1202, %mul3A_1235 : vector<16xf32>
      %get3A_1237 = arith.index_cast %add3A_1126 : i32 to index
      %get3A_1238 = arith.constant 96 : index
      %get3A_1239 = tpu.vector_load %arg12[%get3A_1237, %get3A_1238] {strides = array<i32>} : memref<128x128xf32, #tpu.memory_space<vmem>>, vector<1x16xf32>,
      %get3A_1240 = vector.shape_cast %get3A_1239 : vector<1x16xf32> to vector<16xf32>
      %get3A_1241 = arith.index_cast %add3A_1126 : i32 to index
      %get3A_1242 = arith.constant 96 : index
      %get3A_1243 = tpu.vector_load %arg13[%get3A_1241, %get3A_1242] {strides = array<i32>} : memref<128x128xf32, #tpu.memory_space<vmem>>, vector<1x16xf32>,
      %get3A_1244 = vector.shape_cast %get3A_1243 : vector<1x16xf32> to vector<16xf32>
      %get3A_1245 = arith.index_cast %add3A_1126 : i32 to index
      %get3A_1246 = arith.constant 96 : index
      %get3A_1247 = tpu.vector_load %arg15[%get3A_1245, %get3A_1246] {strides = array<i32>} : memref<128x128xf32, #tpu.memory_space<vmem>>, vector<1x16xf32>,
      %get3A_1248 = vector.shape_cast %get3A_1247 : vector<1x16xf32> to vector<16xf32>
      %sub3A_1249 = arith.subf %get3A_1240, %get3A_1244 : vector<16xf32>
      %mul3A_1250 = arith.mulf %sub3A_1249, %get3A_1248 : vector<16xf32>
      %add3A_1251 = arith.addf %add3A_1217, %mul3A_1250 : vector<16xf32>
      %mul3A_1252 = arith.mulf %get3A_1248, %get3A_1248 : vector<16xf32>
      %add3A_1253 = arith.addf %add3A_1219, %mul3A_1252 : vector<16xf32>
      %get3A_1254 = arith.index_cast %add3A_1126 : i32 to index
      %get3A_1255 = arith.constant 112 : index
      %get3A_1256 = tpu.vector_load %arg12[%get3A_1254, %get3A_1255] {strides = array<i32>} : memref<128x128xf32, #tpu.memory_space<vmem>>, vector<1x16xf32>,
      %get3A_1257 = vector.shape_cast %get3A_1256 : vector<1x16xf32> to vector<16xf32>
      %get3A_1258 = arith.index_cast %add3A_1126 : i32 to index
      %get3A_1259 = arith.constant 112 : index
      %get3A_1260 = tpu.vector_load %arg13[%get3A_1258, %get3A_1259] {strides = array<i32>} : memref<128x128xf32, #tpu.memory_space<vmem>>, vector<1x16xf32>,
      %get3A_1261 = vector.shape_cast %get3A_1260 : vector<1x16xf32> to vector<16xf32>
      %get3A_1262 = arith.index_cast %add3A_1126 : i32 to index
      %get3A_1263 = arith.constant 112 : index
      %get3A_1264 = tpu.vector_load %arg15[%get3A_1262, %get3A_1263] {strides = array<i32>} : memref<128x128xf32, #tpu.memory_space<vmem>>, vector<1x16xf32>,
      %get3A_1265 = vector.shape_cast %get3A_1264 : vector<1x16xf32> to vector<16xf32>
      %sub3A_1266 = arith.subf %get3A_1257, %get3A_1261 : vector<16xf32>
      %mul3A_1267 = arith.mulf %sub3A_1266, %get3A_1265 : vector<16xf32>
      %add3A_1268 = arith.addf %add3A_1234, %mul3A_1267 : vector<16xf32>
      %mul3A_1269 = arith.mulf %get3A_1265, %get3A_1265 : vector<16xf32>
      %add3A_1270 = arith.addf %add3A_1236, %mul3A_1269 : vector<16xf32>
      %add3A_1271 = arith.addf %add3A_1251, %add3A_1268 : vector<16xf32>
      %xor3A_1272 = arith.constant 8 : i32
      %xor3A_1273 = vector.broadcast %xor3A_1272 : i32 to vector<16xi32>
      %xor3A_1274 = arith.xori %iota3A, %xor3A_1273 : vector<16xi32>
      %broadcast_in_dim3A_1275 = vector.shape_cast %xor3A_1274 : vector<16xi32> to vector<16x1xi32>
      %gather3A_1276 = vector.shape_cast %broadcast_in_dim3A_1275 : vector<16x1xi32> to vector<16xi32>
      %gather3A_1277 = tpu.dynamic_gather %add3A_1271[%gather3A_1276] in [0] : vector<16xf32>, vector<16xi32> -> vector<16xf32>
      %add3A_1278 = arith.addf %add3A_1271, %gather3A_1277 : vector<16xf32>
      %xor3A_1279 = arith.constant 4 : i32
      %xor3A_1280 = vector.broadcast %xor3A_1279 : i32 to vector<16xi32>
      %xor3A_1281 = arith.xori %iota3A, %xor3A_1280 : vector<16xi32>
      %broadcast_in_dim3A_1282 = vector.shape_cast %xor3A_1281 : vector<16xi32> to vector<16x1xi32>
      %gather3A_1283 = vector.shape_cast %broadcast_in_dim3A_1282 : vector<16x1xi32> to vector<16xi32>
      %gather3A_1284 = tpu.dynamic_gather %add3A_1278[%gather3A_1283] in [0] : vector<16xf32>, vector<16xi32> -> vector<16xf32>
      %add3A_1285 = arith.addf %add3A_1278, %gather3A_1284 : vector<16xf32>
      %xor3A_1286 = arith.constant 2 : i32
      %xor3A_1287 = vector.broadcast %xor3A_1286 : i32 to vector<16xi32>
      %xor3A_1288 = arith.xori %iota3A, %xor3A_1287 : vector<16xi32>
      %broadcast_in_dim3A_1289 = vector.shape_cast %xor3A_1288 : vector<16xi32> to vector<16x1xi32>
      %gather3A_1290 = vector.shape_cast %broadcast_in_dim3A_1289 : vector<16x1xi32> to vector<16xi32>
      %gather3A_1291 = tpu.dynamic_gather %add3A_1285[%gather3A_1290] in [0] : vector<16xf32>, vector<16xi32> -> vector<16xf32>
      %add3A_1292 = arith.addf %add3A_1285, %gather3A_1291 : vector<16xf32>
      %xor3A_1293 = arith.constant 1 : i32
      %xor3A_1294 = vector.broadcast %xor3A_1293 : i32 to vector<16xi32>
      %xor3A_1295 = arith.xori %iota3A, %xor3A_1294 : vector<16xi32>
      %broadcast_in_dim3A_1296 = vector.shape_cast %xor3A_1295 : vector<16xi32> to vector<16x1xi32>
      %gather3A_1297 = vector.shape_cast %broadcast_in_dim3A_1296 : vector<16x1xi32> to vector<16xi32>
      %gather3A_1298 = tpu.dynamic_gather %add3A_1292[%gather3A_1297] in [0] : vector<16xf32>, vector<16xi32> -> vector<16xf32>
      %add3A_1299 = arith.addf %add3A_1292, %gather3A_1298 : vector<16xf32>
      %add3A_1300 = arith.addf %add3A_1253, %add3A_1270 : vector<16xf32>
      %xor3A_1301 = arith.constant 8 : i32
      %xor3A_1302 = vector.broadcast %xor3A_1301 : i32 to vector<16xi32>
      %xor3A_1303 = arith.xori %iota3A, %xor3A_1302 : vector<16xi32>
      %broadcast_in_dim3A_1304 = vector.shape_cast %xor3A_1303 : vector<16xi32> to vector<16x1xi32>
      %gather3A_1305 = vector.shape_cast %broadcast_in_dim3A_1304 : vector<16x1xi32> to vector<16xi32>
      %gather3A_1306 = tpu.dynamic_gather %add3A_1300[%gather3A_1305] in [0] : vector<16xf32>, vector<16xi32> -> vector<16xf32>
      %add3A_1307 = arith.addf %add3A_1300, %gather3A_1306 : vector<16xf32>
      %xor3A_1308 = arith.constant 4 : i32
      %xor3A_1309 = vector.broadcast %xor3A_1308 : i32 to vector<16xi32>
      %xor3A_1310 = arith.xori %iota3A, %xor3A_1309 : vector<16xi32>
      %broadcast_in_dim3A_1311 = vector.shape_cast %xor3A_1310 : vector<16xi32> to vector<16x1xi32>
      %gather3A_1312 = vector.shape_cast %broadcast_in_dim3A_1311 : vector<16x1xi32> to vector<16xi32>
      %gather3A_1313 = tpu.dynamic_gather %add3A_1307[%gather3A_1312] in [0] : vector<16xf32>, vector<16xi32> -> vector<16xf32>
      %add3A_1314 = arith.addf %add3A_1307, %gather3A_1313 : vector<16xf32>
      %xor3A_1315 = arith.constant 2 : i32
      %xor3A_1316 = vector.broadcast %xor3A_1315 : i32 to vector<16xi32>
      %xor3A_1317 = arith.xori %iota3A, %xor3A_1316 : vector<16xi32>
      %broadcast_in_dim3A_1318 = vector.shape_cast %xor3A_1317 : vector<16xi32> to vector<16x1xi32>
      %gather3A_1319 = vector.shape_cast %broadcast_in_dim3A_1318 : vector<16x1xi32> to vector<16xi32>
      %gather3A_1320 = tpu.dynamic_gather %add3A_1314[%gather3A_1319] in [0] : vector<16xf32>, vector<16xi32> -> vector<16xf32>
      %add3A_1321 = arith.addf %add3A_1314, %gather3A_1320 : vector<16xf32>
      %xor3A_1322 = arith.constant 1 : i32
      %xor3A_1323 = vector.broadcast %xor3A_1322 : i32 to vector<16xi32>
      %xor3A_1324 = arith.xori %iota3A, %xor3A_1323 : vector<16xi32>
      %broadcast_in_dim3A_1325 = vector.shape_cast %xor3A_1324 : vector<16xi32> to vector<16x1xi32>
      %gather3A_1326 = vector.shape_cast %broadcast_in_dim3A_1325 : vector<16x1xi32> to vector<16xi32>
      %gather3A_1327 = tpu.dynamic_gather %add3A_1321[%gather3A_1326] in [0] : vector<16xf32>, vector<16xi32> -> vector<16xf32>
      %add3A_1328 = arith.addf %add3A_1321, %gather3A_1327 : vector<16xf32>
      %max3A_1329 = arith.constant 1.000000e-24 : f32
      %max3A_1330 = vector.broadcast %max3A_1329 : f32 to vector<16xf32>
      %max3A_1331 = arith.maximumf %add3A_1328, %max3A_1330 : vector<16xf32>
      %div3A_1332 = arith.divf %add3A_1299, %max3A_1331 : vector<16xf32>
      %broadcast_in_dim3A_1333 = arith.constant 0.000000e+00 : f32
      %broadcast_in_dim3A_1334 = vector.broadcast %broadcast_in_dim3A_1333 : f32 to vector<16xf32>
      %broadcast_in_dim3A_1335 = arith.constant 0.000000e+00 : f32
      %broadcast_in_dim3A_1336 = vector.broadcast %broadcast_in_dim3A_1335 : f32 to vector<16xf32>
      %get3A_1337 = arith.index_cast %add3A_1126 : i32 to index
      %get3A_1338 = arith.constant 0 : index
      %get3A_1339 = tpu.vector_load %arg14[%get3A_1337, %get3A_1338] {strides = array<i32>} : memref<128x128xf32, #tpu.memory_space<vmem>>, vector<1x16xf32>,
      %get3A_1340 = vector.shape_cast %get3A_1339 : vector<1x16xf32> to vector<16xf32>
      %add3A_1341 = arith.addf %sub3A_1147, %get3A_1340 : vector<16xf32>
      %mul3A_1342 = arith.mulf %div3A_1332, %get3A_1146 : vector<16xf32>
      %sub3A_1343 = arith.subf %add3A_1341, %mul3A_1342 : vector<16xf32>
      %abs3A_1344 = math.absf %sub3A_1343 : vector<16xf32>
      %sub3A_1345 = arith.subf %broadcast_in_dim3A_1334, %abs3A_1344 : vector<16xf32>
      %get3A_1346 = arith.index_cast %add3A_1126 : i32 to index
      %get3A_1347 = arith.constant 16 : index
      %get3A_1348 = tpu.vector_load %arg14[%get3A_1346, %get3A_1347] {strides = array<i32>} : memref<128x128xf32, #tpu.memory_space<vmem>>, vector<1x16xf32>,
      %get3A_1349 = vector.shape_cast %get3A_1348 : vector<1x16xf32> to vector<16xf32>
      %add3A_1350 = arith.addf %sub3A_1164, %get3A_1349 : vector<16xf32>
      %mul3A_1351 = arith.mulf %div3A_1332, %get3A_1163 : vector<16xf32>
      %sub3A_1352 = arith.subf %add3A_1350, %mul3A_1351 : vector<16xf32>
      %abs3A_1353 = math.absf %sub3A_1352 : vector<16xf32>
      %sub3A_1354 = arith.subf %broadcast_in_dim3A_1336, %abs3A_1353 : vector<16xf32>
      %get3A_1355 = arith.index_cast %add3A_1126 : i32 to index
      %get3A_1356 = arith.constant 32 : index
      %get3A_1357 = tpu.vector_load %arg14[%get3A_1355, %get3A_1356] {strides = array<i32>} : memref<128x128xf32, #tpu.memory_space<vmem>>, vector<1x16xf32>,
      %get3A_1358 = vector.shape_cast %get3A_1357 : vector<1x16xf32> to vector<16xf32>
      %add3A_1359 = arith.addf %sub3A_1181, %get3A_1358 : vector<16xf32>
      %mul3A_1360 = arith.mulf %div3A_1332, %get3A_1180 : vector<16xf32>
      %sub3A_1361 = arith.subf %add3A_1359, %mul3A_1360 : vector<16xf32>
      %abs3A_1362 = math.absf %sub3A_1361 : vector<16xf32>
      %sub3A_1363 = arith.subf %sub3A_1345, %abs3A_1362 : vector<16xf32>
      %get3A_1364 = arith.index_cast %add3A_1126 : i32 to index
      %get3A_1365 = arith.constant 48 : index
      %get3A_1366 = tpu.vector_load %arg14[%get3A_1364, %get3A_1365] {strides = array<i32>} : memref<128x128xf32, #tpu.memory_space<vmem>>, vector<1x16xf32>,
      %get3A_1367 = vector.shape_cast %get3A_1366 : vector<1x16xf32> to vector<16xf32>
      %add3A_1368 = arith.addf %sub3A_1198, %get3A_1367 : vector<16xf32>
      %mul3A_1369 = arith.mulf %div3A_1332, %get3A_1197 : vector<16xf32>
      %sub3A_1370 = arith.subf %add3A_1368, %mul3A_1369 : vector<16xf32>
      %abs3A_1371 = math.absf %sub3A_1370 : vector<16xf32>
      %sub3A_1372 = arith.subf %sub3A_1354, %abs3A_1371 : vector<16xf32>
      %get3A_1373 = arith.index_cast %add3A_1126 : i32 to index
      %get3A_1374 = arith.constant 64 : index
      %get3A_1375 = tpu.vector_load %arg14[%get3A_1373, %get3A_1374] {strides = array<i32>} : memref<128x128xf32, #tpu.memory_space<vmem>>, vector<1x16xf32>,
      %get3A_1376 = vector.shape_cast %get3A_1375 : vector<1x16xf32> to vector<16xf32>
      %add3A_1377 = arith.addf %sub3A_1215, %get3A_1376 : vector<16xf32>
      %mul3A_1378 = arith.mulf %div3A_1332, %get3A_1214 : vector<16xf32>
      %sub3A_1379 = arith.subf %add3A_1377, %mul3A_1378 : vector<16xf32>
      %abs3A_1380 = math.absf %sub3A_1379 : vector<16xf32>
      %sub3A_1381 = arith.subf %sub3A_1363, %abs3A_1380 : vector<16xf32>
      %get3A_1382 = arith.index_cast %add3A_1126 : i32 to index
      %get3A_1383 = arith.constant 80 : index
      %get3A_1384 = tpu.vector_load %arg14[%get3A_1382, %get3A_1383] {strides = array<i32>} : memref<128x128xf32, #tpu.memory_space<vmem>>, vector<1x16xf32>,
      %get3A_1385 = vector.shape_cast %get3A_1384 : vector<1x16xf32> to vector<16xf32>
      %add3A_1386 = arith.addf %sub3A_1232, %get3A_1385 : vector<16xf32>
      %mul3A_1387 = arith.mulf %div3A_1332, %get3A_1231 : vector<16xf32>
      %sub3A_1388 = arith.subf %add3A_1386, %mul3A_1387 : vector<16xf32>
      %abs3A_1389 = math.absf %sub3A_1388 : vector<16xf32>
      %sub3A_1390 = arith.subf %sub3A_1372, %abs3A_1389 : vector<16xf32>
      %get3A_1391 = arith.index_cast %add3A_1126 : i32 to index
      %get3A_1392 = arith.constant 96 : index
      %get3A_1393 = tpu.vector_load %arg14[%get3A_1391, %get3A_1392] {strides = array<i32>} : memref<128x128xf32, #tpu.memory_space<vmem>>, vector<1x16xf32>,
      %get3A_1394 = vector.shape_cast %get3A_1393 : vector<1x16xf32> to vector<16xf32>
      %add3A_1395 = arith.addf %sub3A_1249, %get3A_1394 : vector<16xf32>
      %mul3A_1396 = arith.mulf %div3A_1332, %get3A_1248 : vector<16xf32>
      %sub3A_1397 = arith.subf %add3A_1395, %mul3A_1396 : vector<16xf32>
      %abs3A_1398 = math.absf %sub3A_1397 : vector<16xf32>
      %sub3A_1399 = arith.subf %sub3A_1381, %abs3A_1398 : vector<16xf32>
      %get3A_1400 = arith.index_cast %add3A_1126 : i32 to index
      %get3A_1401 = arith.constant 112 : index
      %get3A_1402 = tpu.vector_load %arg14[%get3A_1400, %get3A_1401] {strides = array<i32>} : memref<128x128xf32, #tpu.memory_space<vmem>>, vector<1x16xf32>,
      %get3A_1403 = vector.shape_cast %get3A_1402 : vector<1x16xf32> to vector<16xf32>
      %add3A_1404 = arith.addf %sub3A_1266, %get3A_1403 : vector<16xf32>
      %mul3A_1405 = arith.mulf %div3A_1332, %get3A_1265 : vector<16xf32>
      %sub3A_1406 = arith.subf %add3A_1404, %mul3A_1405 : vector<16xf32>
      %abs3A_1407 = math.absf %sub3A_1406 : vector<16xf32>
      %sub3A_1408 = arith.subf %sub3A_1390, %abs3A_1407 : vector<16xf32>
      %jit3A_1409 = arith.constant 4 : i32
      %eq3A_1410 = arith.constant 0 : i32
      %eq3A_1411 = arith.cmpi eq, %jit3A_1409, %eq3A_1410 : i32
      %jit3A_1412 = arith.constant 1 : i32
      %select_n3A_1413 = arith.select %eq3A_1411, %jit3A_1412, %jit3A_1409 : i32
      %rem3A_1414 = arith.remsi %scan3A_83, %select_n3A_1413 : i32
      %ne3A_1415 = arith.constant 0 : i32
      %ne3A_1416 = arith.cmpi ne, %rem3A_1414, %ne3A_1415 : i32
      %lt3A_1417 = arith.constant 0 : i32
      %lt3A_1418 = arith.cmpi slt, %rem3A_1414, %lt3A_1417 : i32
      %lt3A_1419 = arith.constant 0 : i32
      %lt3A_1420 = arith.cmpi slt, %select_n3A_1413, %lt3A_1419 : i32
      %ne3A_1421 = arith.xori %lt3A_1418, %lt3A_1420 : i1
      %and3A_1422 = arith.andi %ne3A_1421, %ne3A_1416 : i1
      %add3A_1423 = arith.addi %rem3A_1414, %select_n3A_1413 : i32
      %select_n3A_1424 = arith.select %and3A_1422, %add3A_1423, %rem3A_1414 : i32
      %mul3A_1425 = arith.constant 4 : i32
      %mul3A_1426 = arith.muli %select_n3A_1424, %mul3A_1425 : i32
      %add3A_1427 = arith.constant 3 : i32
      %add3A_1428 = arith.addi %mul3A_1426, %add3A_1427 : i32
      %eq3A_1429 = vector.broadcast %add3A_1428 : i32 to vector<16xi32>
      %eq3A_1430 = arith.cmpi eq, %iota3A, %eq3A_1429 : vector<16xi32>
      %add3A_1431 = arith.addf %sub3A_1399, %sub3A_1408 : vector<16xf32>
      %xor3A_1432 = arith.constant 8 : i32
      %xor3A_1433 = vector.broadcast %xor3A_1432 : i32 to vector<16xi32>
      %xor3A_1434 = arith.xori %iota3A, %xor3A_1433 : vector<16xi32>
      %broadcast_in_dim3A_1435 = vector.shape_cast %xor3A_1434 : vector<16xi32> to vector<16x1xi32>
      %gather3A_1436 = vector.shape_cast %broadcast_in_dim3A_1435 : vector<16x1xi32> to vector<16xi32>
      %gather3A_1437 = tpu.dynamic_gather %add3A_1431[%gather3A_1436] in [0] : vector<16xf32>, vector<16xi32> -> vector<16xf32>
      %add3A_1438 = arith.addf %add3A_1431, %gather3A_1437 : vector<16xf32>
      %xor3A_1439 = arith.constant 4 : i32
      %xor3A_1440 = vector.broadcast %xor3A_1439 : i32 to vector<16xi32>
      %xor3A_1441 = arith.xori %iota3A, %xor3A_1440 : vector<16xi32>
      %broadcast_in_dim3A_1442 = vector.shape_cast %xor3A_1441 : vector<16xi32> to vector<16x1xi32>
      %gather3A_1443 = vector.shape_cast %broadcast_in_dim3A_1442 : vector<16x1xi32> to vector<16xi32>
      %gather3A_1444 = tpu.dynamic_gather %add3A_1438[%gather3A_1443] in [0] : vector<16xf32>, vector<16xi32> -> vector<16xf32>
      %add3A_1445 = arith.addf %add3A_1438, %gather3A_1444 : vector<16xf32>
      %xor3A_1446 = arith.constant 2 : i32
      %xor3A_1447 = vector.broadcast %xor3A_1446 : i32 to vector<16xi32>
      %xor3A_1448 = arith.xori %iota3A, %xor3A_1447 : vector<16xi32>
      %broadcast_in_dim3A_1449 = vector.shape_cast %xor3A_1448 : vector<16xi32> to vector<16x1xi32>
      %gather3A_1450 = vector.shape_cast %broadcast_in_dim3A_1449 : vector<16x1xi32> to vector<16xi32>
      %gather3A_1451 = tpu.dynamic_gather %add3A_1445[%gather3A_1450] in [0] : vector<16xf32>, vector<16xi32> -> vector<16xf32>
      %add3A_1452 = arith.addf %add3A_1445, %gather3A_1451 : vector<16xf32>
      %xor3A_1453 = arith.constant 1 : i32
      %xor3A_1454 = vector.broadcast %xor3A_1453 : i32 to vector<16xi32>
      %xor3A_1455 = arith.xori %iota3A, %xor3A_1454 : vector<16xi32>
      %broadcast_in_dim3A_1456 = vector.shape_cast %xor3A_1455 : vector<16xi32> to vector<16x1xi32>
      %gather3A_1457 = vector.shape_cast %broadcast_in_dim3A_1456 : vector<16x1xi32> to vector<16xi32>
      %gather3A_1458 = tpu.dynamic_gather %add3A_1452[%gather3A_1457] in [0] : vector<16xf32>, vector<16xi32> -> vector<16xf32>
      %add3A_1459 = arith.addf %add3A_1452, %gather3A_1458 : vector<16xf32>
      %select_n3A_1460 = arith.select %eq3A_1430, %add3A_1459, %select_n3A_1122 : vector<16xi1>, vector<16xf32>
      %jit3A_1461 = arith.constant 4 : i32
      %div3A_1462 = arith.divsi %scan3A_83, %jit3A_1461 : i32
      %sign3A = arith.constant 0 : i32
      %sign3A_1463 = arith.cmpi sgt, %scan3A_83, %sign3A : i32
      %sign3A_1464 = arith.extui %sign3A_1463 : i1 to i32
      %sign3A_1465 = arith.constant 0 : i32
      %sign3A_1466 = arith.cmpi slt, %scan3A_83, %sign3A_1465 : i32
      %sign3A_1467 = arith.extui %sign3A_1466 : i1 to i32
      %sign3A_1468 = arith.subi %sign3A_1464, %sign3A_1467 : i32
      %sign3A_1469 = arith.constant 0 : i32
      %sign3A_1470 = arith.cmpi sgt, %jit3A_1461, %sign3A_1469 : i32
      %sign3A_1471 = arith.extui %sign3A_1470 : i1 to i32
      %sign3A_1472 = arith.constant 0 : i32
      %sign3A_1473 = arith.cmpi slt, %jit3A_1461, %sign3A_1472 : i32
      %sign3A_1474 = arith.extui %sign3A_1473 : i1 to i32
      %sign3A_1475 = arith.subi %sign3A_1471, %sign3A_1474 : i32
      %ne3A_1476 = arith.cmpi ne, %sign3A_1468, %sign3A_1475 : i32
      %rem3A_1477 = arith.remsi %scan3A_83, %jit3A_1461 : i32
      %ne3A_1478 = arith.constant 0 : i32
      %ne3A_1479 = arith.cmpi ne, %rem3A_1477, %ne3A_1478 : i32
      %and3A_1480 = arith.andi %ne3A_1476, %ne3A_1479 : i1
      %sub3A_1481 = arith.constant 1 : i32
      %sub3A_1482 = arith.subi %div3A_1462, %sub3A_1481 : i32
      %select_n3A_1483 = arith.select %and3A_1480, %sub3A_1482, %div3A_1462 : i32
      %mul3A_1484 = arith.constant 16 : i32
      %mul3A_1485 = arith.muli %select_n3A_1483, %mul3A_1484 : i32
      %swap3A = arith.index_cast %mul3A_1485 : i32 to index
      %swap3A_1486 = tpu.vector_load %arg16[%swap3A] {strides = array<i32>} : memref<128xf32, #tpu.memory_space<vmem>>, vector<16xf32>,
      %swap3A_1487 = vector.shape_cast %swap3A_1486 : vector<16xf32> to vector<16xf32>
      %swap3A_1488 = vector.shape_cast %select_n3A_1460 : vector<16xf32> to vector<16xf32>
      tpu.vector_store %arg16[%swap3A], %swap3A_1488 {strides = array<i32>} : memref<128xf32, #tpu.memory_space<vmem>>, vector<16xf32>,
      scf.yield %select_n3A_1460 : vector<16xf32>
    }
    %scan3A_82 = arith.constant 32 : i32
    "tpu.region"() ({
      %run_scoped3A = tpu.sem_alloc : memref<!tpu.dma_semaphore, #tpu.memory_space<semaphore_mem>>
      %dma_start3A_83 = tpu.memref_slice %arg8[%mul3A_2] : memref<4096xf32, #tpu.memory_space<hbm>> -> memref<128xf32, #tpu.memory_space<hbm>>
      %dma_start3A_84 = tpu.memref_slice %arg8[%mul3A_2] : memref<4096xf32, #tpu.memory_space<hbm>> -> memref<128xf32, #tpu.memory_space<hbm>>
      tpu.enqueue_dma source(%arg16 : memref<128xf32, #tpu.memory_space<vmem>>) target(%dma_start3A_84 : memref<128xf32, #tpu.memory_space<hbm>>) target_semaphore(%run_scoped3A : memref<!tpu.dma_semaphore, #tpu.memory_space<semaphore_mem>>)
      %dma_wait3A_85 = tpu.memref_slice %arg8[%mul3A_2] : memref<4096xf32, #tpu.memory_space<hbm>> -> memref<128xf32, #tpu.memory_space<hbm>>
      %dma_wait3A_86 = tpu.memref_slice %arg8[%mul3A_2] : memref<4096xf32, #tpu.memory_space<hbm>> -> memref<128xf32, #tpu.memory_space<hbm>>
      tpu.wait_dma2 semaphore(%run_scoped3A : memref<!tpu.dma_semaphore, #tpu.memory_space<semaphore_mem>>) src(%arg16 : memref<128xf32, #tpu.memory_space<vmem>>) dst(%dma_wait3A_86 : memref<128xf32, #tpu.memory_space<hbm>>)
      tpu.yield
    }) : () -> ()
    return
  }
}

</mosaic_0001>

<sc_bundles>
// kernel: _transh_sc.3.cloned.1.call-start
scs
__scs_entry_jumppad:
0x0: {  	(pc) =	sbr.rel $0x88, $3  }
0x1: {  	(tag) =	ssettag $0x0;
	lr =	simm.s32 $0x1  }
0x2: {  	[smem:$0x3F9B] =	sst lr;
	_ =	strace $0xD0000000  }
0x3: {  	_ = 	snop  }
0x4: {  	_ = 	snop  }
0x5: {  	_ = 	snop  }
0x6: {  	_ = 	snop  }
0x7: {  	_ = 	snop  }
__scs_overlays_trampoline_lowered:
0x8: {  	[smem:$0x3FAA] =	sst s0  }
0x9: {  	[smem:$0x3FAB] =	sst s1  }
0xa: {  	[smem:$0x3FAC] =	sst s2  }
0xb: {  	[smem:$0x3FAD] =	sst s3  }
0xc: {  	[smem:$0x3FAE] =	sst s4  }
0xd: {  	[smem:$0x3FAF] =	sst s5  }
0xe: {  	[smem:$0x3FB0] =	sst s6  }
0xf: {  	[smem:$0x3FB1] =	sst s7  }
0x10: {  	[smem:$0x3FB2] =	sst s8  }
0x11: {  	[smem:$0x3FB3] =	sst s9;
	s0 =	simm.s32 @!p0 $0x0  }
0x12: {  	s1 =	sld [smem:$0x3F99];
	s0 =	simm.s32 @p0 $0x1  }
0x13: {  	[smem:$0x3FB4] =	sst s0;
	s0 =	simm.s32 @!p1 $0x0  }
0x14: {  	s2 =	sld [smem:$0x3F98];
	s0 =	simm.s32 @p1 $0x1  }
0x15: {  	[smem:$0x3FB5] =	sst s0;
	s0 =	simm.s32 @!p2 $0x0  }
0x16: {  	s3 =	sld [smem:$0x3FDB];
	s0 =	simm.s32 @p2 $0x1  }
0x17: {  	s4 =	simm.s32 $0x1BF5;
	[smem:$0x3FB7] =	sst s0  }
0x18: {  	s0 =	sld [smem:$0x3F9A];
	_ =	swait.ge [sflag:s4], $0x0  }
0x19: {  	s7 =	sld [smem:$0x3F9B]  }
0x1a: {  	s8 =	sadd.s32 $0xFFFFE003, lr  }
0x1b: {  	s9 =	sadd.s32 $0xFFFFFEF7, lr;
	s5 =	simm.s32 $0xFFFFFFFF;
	p2 =	slt.u32 s8, $0xFFFFF086  }
0x1c: {  	p1 =	slt.u32 s9, $0xF7A;
	s5 =	simm.s32 @!p2 $0x0  }
0x1d: {  	s5 =	simm.s32 @p1 $0x1;
	p0 =	seq.s32 s7, s2  }
0x1e: {  	s7 =	smul.u32 @!p0 $0xF7A, s2;
	p2 =	seq.s32 @!p0 s5, $0x0  }
0x1f: {  	s9 =	smul.u32 $0xF7A, s1;
	s8 =	simm.s32 @!p0 $0x1BF5;
	p2 =	por !p2, p0  }
0x20: {  	[sflag:s8] =	ssyncset.s32 @!p0 $0xFFFFF086;
	s6 =	sadd.s32 @!p0 s3, s7;
	s7 =	simm.s32 @!p0 $0x108  }
0x21: {  	s3 =	sadd.s32 s3, s9;
	s6 =	sadd.s32 @!p0 $0x88, s6;
	s7 =	simm.s32 @p2 $0x1082  }
0x22: {  	[simem:s7], [sflag:s8] =	dma.local @!p0 [hbm:s6], $0xF7A  }
0x23: {  	s9 =	sor.u32 $0xD0000000, s2;
	s6 =	simm.s32 $0x108;
	_ =	swait.ge @!p0 [sflag:s8], $0x0  }
0x24: {  	s3 =	sadd.s32 $0x88, s3;
	s6 =	simm.s32 @!p1 $0x1082;
	[sflag:s4] =	ssyncset.s32 $0xFFFFF086  }
0x25: {  	[simem:s6], [sflag:s4] =	dma.local [hbm:s3], $0xF7A  }
0x26: {  	[smem:$0x3F9B] =	sst s1;
	(tag) =	ssettag s2;
	_ =	strace s9  }
0x27: {  	s1 =	sld [smem:$0x3FAB]  }
0x28: {  	s2 =	sld [smem:$0x3FAC]  }
0x29: {  	s4 =	sld [smem:$0x3FAE]  }
0x2a: {  	p0 =	seq.s32 s5, $0x0;
	s5 =	sld [smem:$0x3FAF]  }
0x2b: {  	s6 =	sld [smem:$0x3FB0]  }
0x2c: {  	s7 =	sld [smem:$0x3FB1]  }
0x2d: {  	s3 =	simm.s32 $0x108;
	s8 =	sld [smem:$0x3FB2]  }
0x2e: {  	s3 =	simm.s32 @!p0 $0x1082;
	s9 =	sld [smem:$0x3FB3]  }
0x2f: {  	lr =	sadd.s32 s0, s3;
	s0 =	sld [smem:$0x3FAA]  }
0x30: {  	s3 =	sld [smem:$0x3FAD]  }
0x31: {  	[smem:$0x3FB6] =	sst s10  }
0x32: {  	s10 =	sld [smem:$0x3FB4];
	_ =	sdelay $0x3  }
0x33: {  	p0 =	seq.s32 s10, $0x1;
	s10 =	sld [smem:$0x3FB6];
	_ =	sdelay $0x3  }
0x34: {  	[smem:$0x3FB6] =	sst s10  }
0x35: {  	s10 =	sld [smem:$0x3FB5];
	_ =	sdelay $0x3  }
0x36: {  	p1 =	seq.s32 s10, $0x1;
	s10 =	sld [smem:$0x3FB6];
	_ =	sdelay $0x3  }
0x37: {  	[smem:$0x3FB6] =	sst s10  }
0x38: {  	s10 =	sld [smem:$0x3FB7]  }
0x39: {  	_ = 	snop;
	(pc) =	sbr.ind lr, $3  }
0x3a: {  	_ = 	snop  }
0x3b: {  	_ = 	snop  }
0x3c: {  	p2 =	seq.s32 s10, $0x1;
	s10 =	sld [smem:$0x3FB6]  }
0x3d: {  	_ =	shalt  }
0x3e: {  	_ =	shalt  }
0x3f: {  	_ =	shalt  }
0x40: {  	_ =	shalt  }
0x41: {  	_ =	shalt  }
0x42: {  	_ =	shalt  }
0x43: {  	_ =	shalt  }
0x44: {  	_ =	shalt  }
0x45: {  	_ =	shalt  }
0x46: {  	_ =	shalt  }
0x47: {  	_ =	shalt  }
0x48: {  	_ =	shalt  }
0x49: {  	_ =	shalt  }
0x4a: {  	_ =	shalt  }
0x4b: {  	_ =	shalt  }
0x4c: {  	_ =	shalt  }
0x4d: {  	_ =	shalt  }
0x4e: {  	_ =	shalt  }
0x4f: {  	_ =	shalt  }
0x50: {  	_ =	shalt  }
0x51: {  	_ =	shalt  }
0x52: {  	_ =	shalt  }
0x53: {  	_ =	shalt  }
0x54: {  	_ =	shalt  }
0x55: {  	_ =	shalt  }
0x56: {  	_ =	shalt  }
0x57: {  	_ =	shalt  }
0x58: {  	_ =	shalt  }
0x59: {  	_ =	shalt  }
0x5a: {  	_ =	shalt  }
0x5b: {  	_ =	shalt  }
0x5c: {  	_ =	shalt  }
0x5d: {  	_ =	shalt  }
0x5e: {  	_ =	shalt  }
0x5f: {  	_ =	shalt  }
0x60: {  	_ =	shalt  }
0x61: {  	_ =	shalt  }
0x62: {  	_ =	shalt  }
0x63: {  	_ =	shalt  }
0x64: {  	_ =	shalt  }
0x65: {  	_ =	shalt  }
0x66: {  	_ =	shalt  }
0x67: {  	_ =	shalt  }
0x68: {  	_ =	shalt  }
0x69: {  	_ =	shalt  }
0x6a: {  	_ =	shalt  }
0x6b: {  	_ =	shalt  }
0x6c: {  	_ =	shalt  }
0x6d: {  	_ =	shalt  }
0x6e: {  	_ =	shalt  }
0x6f: {  	_ =	shalt  }
0x70: {  	_ =	shalt  }
0x71: {  	_ =	shalt  }
0x72: {  	_ =	shalt  }
0x73: {  	_ =	shalt  }
0x74: {  	_ =	shalt  }
0x75: {  	_ =	shalt  }
0x76: {  	_ =	shalt  }
0x77: {  	_ =	shalt  }
0x78: {  	_ =	shalt  }
0x79: {  	_ =	shalt  }
0x7a: {  	_ =	shalt  }
0x7b: {  	_ =	shalt  }
0x7c: {  	_ =	shalt  }
0x7d: {  	_ =	shalt  }
0x7e: {  	_ =	shalt  }
0x7f: {  	_ =	shalt  }
0x80: {  	_ =	shalt  }
0x81: {  	_ =	shalt  }
0x82: {  	_ =	shalt  }
0x83: {  	_ =	shalt  }
0x84: {  	_ =	shalt  }
0x85: {  	_ =	shalt  }
0x86: {  	_ =	shalt  }
0x87: {  	_ =	shalt  }
.Lfunc_end0:
.L_simem_size_0:
called_computation_lowered:
.L_overlay_start_0:
0x88: {  	s2 =	sld [smem:$0x3FD9]  }
0x89: {  	s3 =	sld [smem:$0x3FFE];
	_ =	sdelay $0x1  }
0x8a: {  	s1 =	srdreg.scid  }
0x8b: {  	s0 =	sand.u32 $0x1, s1  }
0x8c: {  	s18 =	sshll.u32 s0, $0xA;
	s2 =	sadd.s32 s3, s2  }
0x8d: {  	s2 =	sadd.s32 s2, s18  }
0x8e: {  	[smem:$0x3FC2] =	sst s2  }
0x8f: {  	_ = 	snop  }
0x90: {  	s2 =	sld [smem:$0x3FC9]  }
0x91: {  	s19 =	sld [smem:$0x3FC8]  }
0x92: {  	s4 =	sld [smem:$0x3FC7]  }
0x93: {  	s5 =	sld [smem:$0x3FC6]  }
0x94: {  	s6 =	sld [smem:$0x3FC5]  }
0x95: {  	s7 =	sld [smem:$0x3FC4]  }
0x96: {  	s8 =	sld [smem:$0x3FD0];
	(tm) =	ssettm $0x1  }
0x97: {  	s9 =	sld [smem:$0x3FFB];
	_ =	sdelay $0x3  }
0x98: {  	_ =	strace s9  }
0x99: {  	s9 =	sld [smem:$0x3FFC];
	_ =	sdelay $0x3  }
0x9a: {  	_ =	strace s9  }
0x9b: {  	s9 =	sld [smem:$0x3FFD];
	_ =	sdelay $0x3  }
0x9c: {  	_ =	strace s9  }
0x9d: {  	_ =	strace $0x8FFFFFFF  }
0x9e: {  	s20 =	sld [smem:$0x3FDB];
	_ =	sdelay $0x1  }
0x9f: {  	s10 =	simm.s32 $_scs_section_size  }
0xa0: {  	s11 =	simm.s32 $_size__tile_overlayer_lowered;
	s12 =	simm.s32 $_tile_overlayer_lowered  }
0xa1: {  	s23 =	simm.s32 $0x1BFF;
	s22 =	sshll.u32 s12, $0x1;
	s9 =	sadd.s32 s10, s20  }
0xa2: {  	s13 =	simm.s32 $0x0;
	s21 =	sshll.u32 s11, $0x1;
	s11 =	sadd.s32 s22, s9  }
0xa3: {  	[timem:s13], [sflag:s23] =	dma.local [hbm:s11], s21  }
0xa4: {  	_ =	swait.ge [sflag:s23], s21  }
0xa5: {  	s10 =	ssub.s32 $0x0, s21;
	[sflag:s23] =	ssyncset.done $0x0  }
0xa6: {  	[sflag:s23] =	ssyncadd.s32 s10;
	_ =	sdelay $0x1  }
0xa7: {  	s24 =	simm.s32 $0x1B8B  }
0xa8: {  	_ =	swait.ge [sflag:s24], $0x1  }
0xa9: {  	[sflag:s24] =	ssyncset.done $0x0  }
0xaa: {  	s25 =	simm.s32 $0x1B8E;
	[sflag:s24] =	ssyncadd.s32 $0xFFFFFFFF  }
0xab: {  	s26 =	simm.s32 $execute0_lowered;
	[smem:$0x3FD2] =	sst s25  }
0xac: {  	s10 =	sshll.u32 s26, $0x1;
	_ =	strace $0x80000046;
	[dreg:$0x1] =	wrdreg $0xFFFFFFFF  }
0xad: {  	s28 =	simm.s32 $_size_execute0_lowered;
	s9 =	sadd.s32 s9, s10;
	[dreg:$0x0] =	wrdreg $0x0  }
0xae: {  	s10 =	sshll.u32 s28, $0x1;
	[dreg:$0x2] =	wrdreg s9  }
0xaf: {  	[dreg:$0x3] =	wrdreg s10  }
0xb0: {  	[dreg:$0x4] =	wrdreg $0xC0  }
0xb1: {  	_ =	task [dreg:s13], $0x5FFFF  }
0xb2: {  	[dreg:$0x1] =	wrdreg $0xFFFFFFFF  }
0xb3: {  	[dreg:$0x0] =	wrdreg $0x60  }
0xb4: {  	[dreg:$0x2] =	wrdreg s2  }
0xb5: {  	[dreg:$0x3] =	wrdreg s19  }
0xb6: {  	[dreg:$0x4] =	wrdreg s4  }
0xb7: {  	[dreg:$0x5] =	wrdreg s5  }
0xb8: {  	[dreg:$0x6] =	wrdreg s6  }
0xb9: {  	[dreg:$0x7] =	wrdreg s7  }
0xba: {  	[dreg:$0x8] =	wrdreg s8  }
0xbb: {  	[dreg:$0x9] =	wrdreg $0x9  }
0xbc: {  	_ =	task.clear_ibuf [dreg:s13], $0xAFFFF;
	_ =	strace $0x90000046  }
0xbd: {  	s29 =	simm.s32 $0x9;
	_ =	strace $0x80000048  }
0xbe: {  	_ =	swait.ge [sflag:s29], $0x1  }
0xbf: {  	[sflag:s29] =	ssyncadd.s32 $0xFFFFFFFF  }
0xc0: {  	_ =	strace $0x90000048  }
0xc1: {  	_ =	sfence  }
0xc2: {  	s30 =	sld [smem:$0x0];
	_ =	sdelay $0x2  }
0xc3: {  	s31 =	sshll.u32 s1, $0xD;
	s1 =	sshrl.u32 s1, $0x2  }
0xc4: {  	s3 =	sand.u32 $0x4000, s31;
	s1 =	sadd.s32 s1, s30  }
0xc5: {  	s0 =	sor.u32 s3, s0;
	s1 =	sshll.u32 s1, $0x11  }
0xc6: {  	s0 =	sor.u32 s1, s0  }
0xc7: {  	s0 =	sadd.s32 $0x8F2B, s0  }
0xc8: {  	[sflag:s0] =	ssyncadd.remote.s32 $0x1  }
0xc9: {  	_ =	sfence.sel $0xFFFF  }
0xca: {  	[dreg:$0x0] =	wrdreg $0xFFFFFFFF;
	(pc) =	sbr.abs _section_cstart, $3  }
0xcb: {  	[dreg:$0x1] =	wrdreg $0xFFFFFFFF  }
0xcc: {  	_ =	task.clear_ibuf [dreg:s13], $0x2FFFF;
	_ =	strace $0x9FFFFFFF  }
0xcd: {  	(tm) =	ssettm $0x7FFFFFFF  }
tec
execute0_lowered:
.L_overlay_start_1:
0x0: {  	(tag) =	ssettag $0x1  }
0x1: {  	s0 =	rddreg [dreg:$0x0]  }
0x2: {  	s4 =	rddreg [dreg:$0x1]  }
0x3: {  	s7 =	rddreg [dreg:$0x2]  }
0x4: {  	s1 =	rddreg [dreg:$0x3]  }
0x5: {  	s2 =	rddreg [dreg:$0x4]  }
0x6: {  	s3 =	rddreg [dreg:$0x5];
	v0 =	vimm.s32 $0xFEDCBA98;
	v1 =	vimm.s32 $0x76543210  }
0x7: {  	s9 =	rddreg [dreg:$0x6];
	v2 =	vimm.s32 $0xBA98FEDC;
	v3 =	vimm.s32 $0x32107654;
	v4 =	vimm.s32 $0xDCFE98BA  }
0x8: {  	s5 =	simm.s32 $0x0;
	s6 =	srdreg.scid;
	s10 =	stileid.u32;
	v5 =	vimm.s32 $0x54761032;
	v6 =	vimm.s32 $0xEFCDAB89;
	v7 =	vimm.s32 $0x67452301  }
0x9: {  	s12 =	simm.s32 $0x80;
	s13 =	simm.s32 $0x1;
	s14 =	simm.s32 $0x10;
	v0 =	vunpack.c.l.s4.s8 v0;
	v1 =	vunpack.c.l.s4.s8 v1;
	v2 =	vunpack.c.l.s4.s8 v2  }
0xa: {  	s20 =	simm.s32 $0x110;
	s21 =	simm.s32 $0x4980;
	s22 =	simm.s32 $0x90;
	v3 =	vunpack.c.l.s4.s8 v3;
	v4 =	vunpack.c.l.s4.s8 v4;
	v5 =	vunpack.c.l.s4.s8 v5  }
0xb: {  	s23 =	simm.s32 $0x8980;
	s24 =	simm.s32 $0xC980;
	s25 =	simm.s32 $0x10180;
	v6 =	vunpack.c.l.s4.s8 v6;
	v7 =	vunpack.c.l.s4.s8 v7;
	v0 =	vunpack.c.0.s8.s32 v0  }
0xc: {  	s26 =	simm.s32 $0xA;
	s28 =	simm.s32 $0x0;
	s6 =	sand.u32 $0x1, s6;
	v2 =	vunpack.c.0.s8.s32 v2;
	v3 =	vunpack.c.0.s8.s32 v3;
	v4 =	vunpack.c.0.s8.s32 v4  }
.Ltmp0:
0xd: {  	[smem:$0x7FF] =	sst s5;
	s8 =	ssub.s32 $0x2, s6;
	v5 =	vunpack.c.0.s8.s32 v5;
	v6 =	vunpack.c.0.s8.s32 v6;
	v7 =	vunpack.c.0.s8.s32 v7;
	(pc) =	sbr.rel .LBB2_1-.Ltmp0, $4  }
0xe: {  	s10 =	sshll.u32 s10, $0x5;
	s6 =	sshll.u32 s6, $0x4;
	s11 =	sshrl.u32 s8, $0x1;
	v1 =	vunpack.c.0.s8.s32 v1;
	v2 =	vcombine.low v3, v2  }
0xf: {  	_ =	strace $0x80000047;
	s10 =	sor.u32 s6, s10;
	s11 =	ssub.s32 s8, s11;
	v3 =	vcombine.low v5, v4;
	v4 =	vcombine.low v7, v6;
	v0 =	vand.u32 $0xF, v0  }
0x10: {  	s6 =	sadd.s32 s0, s10;
	s7 =	sadd.s32 s7, s10;
	s8 =	sadd.s32 s4, s10;
	v0 =	vcombine.low v0, v1;
	v1 =	vand.u32 $0xF, v2  }
0x11: {  	s9 =	sadd.s32 s9, s10;
	s10 =	smax.u32 s11, $0x1;
	s11 =	simm.s32 $0x100;
	v2 =	vand.u32 $0xF, v3;
	v3 =	vand.u32 $0xF, v4;
	v4 =	vlaneseq.u32  }
.LBB2_10:
0x12: {  	s28 =	sadd.s32 $0x1, s28  }
0x13: {  	p0 =	sne.s32 s28, s10  }
.Ltmp1:
0x14: {  	_ = 	snop;
	(pc) =	sbr.rel @!p0 .LBB2_11-.Ltmp1, $4  }
0x15: {  	[hbm4b:s9+s5] =	stream.linear.scatter [tilespmem:s25], [sflag:$0xA], $0x80, $0x38;
	[tilespmem:$0x10200] =	vst v63  }
0x16: {  	_ =	swait.ge [sflag:s26], $0x80  }
0x17: {  	[sflag:s26] =	ssyncset.done $0x0  }
0x18: {  	[sflag:s26] =	ssyncadd.s32 $0xFFFFFF80  }
.LBB2_1:
0x19: {  	[tilespmem:s5], [sflag:$0x1] =	stream.linear.gather [hbm4b:s6+s5], $0x80, $0x38;
	[tilespmem:$0x10200] =	vst v63  }
0x1a: {  	_ = 	snop  }
0x1b: {  	[tilespmem:s11], [sflag:$0x1] =	stream.linear.gather [hbm4b:s7+s5], $0x80, $0x38;
	[tilespmem:$0x10200] =	vst v63  }
0x1c: {  	_ = 	snop  }
0x1d: {  	[tilespmem:s12], [sflag:$0x1] =	stream.linear.gather [hbm4b:s8+s5], $0x80, $0x38;
	[tilespmem:$0x10200] =	vst v63  }
0x1e: {  	_ =	swait.ge [sflag:s13], $0x80  }
0x1f: {  	[sflag:s13] =	ssyncset.done $0x0  }
0x20: {  	[sflag:s13] =	ssyncadd.s32 $0xFFFFFF80  }
0x21: {  	_ =	swait.ge [sflag:s13], $0x80  }
0x22: {  	[sflag:s13] =	ssyncset.done $0x0  }
0x23: {  	[sflag:s13] =	ssyncadd.s32 $0xFFFFFF80  }
0x24: {  	_ =	swait.ge [sflag:s13], $0x80  }
0x25: {  	[sflag:s13] =	ssyncset.done $0x0  }
0x26: {  	s0 =	simm.s32 $0x180;
	[sflag:s13] =	ssyncadd.s32 $0xFFFFFF80  }
0x27: {  	[tilespmem:s0], [sflag:$0x2] =	stream.indirect.gather [hbm4b:s1+s14], $0x80, s5, s14, $0xb8;
	[tilespmem:$0x10200] =	vst v63  }
0x28: {  	s16 =	simm.s32 $0x4180  }
0x29: {  	[tilespmem:s16], [sflag:$0x2] =	stream.indirect.gather [hbm4b:s1+s14], $0x80, s11, s14, $0xb8;
	[tilespmem:$0x10200] =	vst v63  }
0x2a: {  	s17 =	simm.s32 $0x8180  }
0x2b: {  	[tilespmem:s17], [sflag:$0x2] =	stream.indirect.gather [hbm4b:s2+s14], $0x80, s12, s14, $0xb8;
	[tilespmem:$0x10200] =	vst v63  }
0x2c: {  	s18 =	simm.s32 $0xC180  }
0x2d: {  	[tilespmem:s18], [sflag:$0x2] =	stream.indirect.gather [hbm4b:s3+s14], $0x80, s12, s14, $0xb8;
	[tilespmem:$0x10200] =	vst v63  }
0x2e: {  	s19 =	simm.s32 $0x980  }
0x2f: {  	[tilespmem:s19], [sflag:$0x3] =	stream.indirect.gather [hbm4b:s1+s14], $0x80, s14, s14, $0xb8;
	[tilespmem:$0x10200] =	vst v63  }
0x30: {  	_ = 	snop  }
0x31: {  	[tilespmem:s21], [sflag:$0x3] =	stream.indirect.gather [hbm4b:s1+s14], $0x80, s20, s14, $0xb8;
	[tilespmem:$0x10200] =	vst v63  }
.Ltmp2:
0x32: {  	s29 =	simm.s32 $0x8280;
	(pc) =	sbr.rel .LBB2_2-.Ltmp2, $4  }
0x33: {  	s30 =	simm.s32 $0xC280;
	s31 =	simm.s32 $0x4280;
	s4 =	simm.s32 $0x0  }
0x34: {  	[tilespmem:s23], [sflag:$0x3] =	stream.indirect.gather [hbm4b:s2+s14], $0x80, s22, s14, $0xb8;
	[tilespmem:$0x10200] =	vst v63  }
0x35: {  	s15 =	simm.s32 $0x0;
	s0 =	simm.s32 $0x280;
	s16 =	simm.s32 $0x0  }
0x36: {  	v5 =	vimm.f32 $0.0e+00;
	[tilespmem:s24], [sflag:$0x3] =	stream.indirect.gather [hbm4b:s3+s14], $0x80, s22, s14, $0xb8;
	[tilespmem:$0x10200] =	vst v63  }
.LBB2_8:
0x37: {  	p0 =	seq.s32 s16, $0x18  }
0x38: {  	s17 =	simm.s32 @p0 $0x8  }
0x39: {  	_ =	swait.ge @p0 [sflag:s17], $0x800  }
0x3a: {  	[sflag:s17] =	ssyncset.done @p0 $0x0  }
0x3b: {  	[sflag:s17] =	ssyncadd.s32 @p0 $0xFFFFF800  }
0x3c: {  	_ =	swait.ge @p0 [sflag:s17], $0x800  }
0x3d: {  	[sflag:s17] =	ssyncset.done @p0 $0x0  }
0x3e: {  	[sflag:s17] =	ssyncadd.s32 @p0 $0xFFFFF800  }
0x3f: {  	_ =	swait.ge @p0 [sflag:s17], $0x800  }
0x40: {  	[sflag:s17] =	ssyncset.done @p0 $0x0  }
0x41: {  	[sflag:s17] =	ssyncadd.s32 @p0 $0xFFFFF800  }
0x42: {  	p1 =	seq.s32 @!p0 s16, $0x1C;
	_ =	swait.ge @p0 [sflag:s17], $0x800  }
0x43: {  	p1 =	por !p1, p0;
	[sflag:s17] =	ssyncset.done @p0 $0x0  }
0x44: {  	[sflag:s17] =	ssyncadd.s32 @p0 $0xFFFFF800;
	s17 =	simm.s32 @!p1 $0x9  }
0x45: {  	_ =	swait.ge @!p1 [sflag:s17], $0x800  }
0x46: {  	[sflag:s17] =	ssyncset.done @!p1 $0x0  }
0x47: {  	[sflag:s17] =	ssyncadd.s32 @!p1 $0xFFFFF800  }
0x48: {  	_ =	swait.ge @!p1 [sflag:s17], $0x800  }
0x49: {  	[sflag:s17] =	ssyncset.done @!p1 $0x0  }
0x4a: {  	[sflag:s17] =	ssyncadd.s32 @!p1 $0xFFFFF800  }
0x4b: {  	_ =	swait.ge @!p1 [sflag:s17], $0x800  }
0x4c: {  	[sflag:s17] =	ssyncset.done @!p1 $0x0  }
0x4d: {  	[sflag:s17] =	ssyncadd.s32 @!p1 $0xFFFFF800  }
0x4e: {  	_ =	swait.ge @!p1 [sflag:s17], $0x800  }
0x4f: {  	[sflag:s17] =	ssyncset.done @!p1 $0x0  }
0x50: {  	[sflag:s17] =	ssyncadd.s32 @!p1 $0xFFFFF800  }
.LBB2_9:
0x51: {  	v6 =	vld [tilespmem:s0+$0xFFFFFF00]  }
0x52: {  	v7 =	vld [tilespmem:s31+$0xFFFFFF00]  }
0x53: {  	v25 =	vld [tilespmem:s30+$0xFFFFFF00]  }
0x54: {  	v8 =	vld [tilespmem:s0+$0xFFFFFF10]  }
0x55: {  	v9 =	vld [tilespmem:s31+$0xFFFFFF10]  }
0x56: {  	v21 =	vld [tilespmem:s30+$0xFFFFFF10]  }
0x57: {  	v10 =	vld [tilespmem:s0+$0xFFFFFF20]  }
0x58: {  	v11 =	vld [tilespmem:s31+$0xFFFFFF20]  }
0x59: {  	v17 =	vld [tilespmem:s30+$0xFFFFFF20]  }
0x5a: {  	v15 =	vld [tilespmem:s0+$0xFFFFFF30]  }
0x5b: {  	v18 =	vld [tilespmem:s31+$0xFFFFFF30]  }
0x5c: {  	v12 =	vld [tilespmem:s30+$0xFFFFFF30]  }
0x5d: {  	v19 =	vld [tilespmem:s0+$0xFFFFFF40]  }
0x5e: {  	v20 =	vld [tilespmem:s31+$0xFFFFFF40]  }
0x5f: {  	v14 =	vld [tilespmem:s30+$0xFFFFFF40]  }
0x60: {  	v16 =	vld [tilespmem:s30+$0xFFFFFF50]  }
0x61: {  	v47 =	vld [tilespmem:s0+$0xFFFFFF60]  }
0x62: {  	v28 =	vld [tilespmem:s31+$0xFFFFFF60]  }
0x63: {  	v13 =	vld [tilespmem:s30+$0xFFFFFF70];
	v33 =	vsub.f32 v6, v7;
	v32 =	vsub.f32 v8, v9  }
0x64: {  	v22 =	vld [tilespmem:s0+$0xFFFFFF50];
	v23 =	vmul.f32 v25, v25;
	v29 =	vsub.f32 v10, v11;
	v48 =	vmul.f32 v21, v21  }
0x65: {  	v8 =	vld [tilespmem:s30+$0xFFFFFF60];
	v49 =	vmul.f32 v17, v17;
	v27 =	vmul.f32 v12, v12;
	v31 =	vsub.f32 v15, v18  }
0x66: {  	v6 =	vld [tilespmem:s31+$0xFFFFFF50];
	v50 =	vmul.f32 v14, v14;
	v52 =	vmul.f32 v16, v16;
	v34 =	vsub.f32 v19, v20  }
0x67: {  	v51 =	vld [tilespmem:s0+$0xFFFFFF70];
	v28 =	vsub.f32 v47, v28;
	v7 =	vmul.f32 v25, v33;
	v24 =	vmul.f32 v21, v32  }
0x68: {  	v53 =	vld [tilespmem:s31+$0xFFFFFF70];
	v56 =	vmul.f32 v13, v13;
	v11 =	vadd.f32 v49, v23;
	v10 =	vadd.f32 v27, v48  }
0x69: {  	v26 =	vmul.f32 v17, v29;
	v7 =	vadd.f32 $0.0e+00, v7;
	v24 =	vadd.f32 $0.0e+00, v24  }
0x6a: {  	v59 =	vld [tilespmem:s31+$0xFFFFFF80];
	v11 =	vadd.f32 v50, v11;
	v10 =	vadd.f32 v52, v10;
	v55 =	vmul.f32 v8, v8  }
0x6b: {  	v63 =	vld [tilespmem:s0+$0xFFFFFF90];
	v54 =	vmul.f32 v12, v31;
	v30 =	vsub.f32 v22, v6;
	v7 =	vadd.f32 v26, v7  }
0x6c: {  	v20 =	vld [tilespmem:s30+$0xFFFFFF80];
	v6 =	vmul.f32 v14, v34;
	v10 =	vadd.f32 v56, v10;
	v11 =	vadd.f32 v55, v11  }
0x6d: {  	v18 =	vld [tilespmem:s30+$0xFFFFFF90];
	v57 =	vadd.f32 v54, v24;
	v26 =	vsub.f32 v51, v53  }
0x6e: {  	v19 =	vld [tilespmem:s30+$0xFFFFFFA0];
	v58 =	vmul.f32 v16, v30;
	v6 =	vadd.f32 v6, v7;
	v7 =	vadd.f32 v10, v11  }
0x6f: {  	v15 =	vld [tilespmem:s30+$0xFFFFFFB0];
	v61 =	vmul.f32 v8, v28  }
0x70: {  	v35 =	vld [tilespmem:s31+$0xFFFFFFA0];
	v62 =	vmul.f32 v13, v26;
	v60 =	vadd.f32 v58, v57;
	v51 =	vperm.xlane v7, v0  }
0x71: {  	v37 =	vld [tilespmem:s0+$0xFFFFFFB0];
	v6 =	vadd.f32 v61, v6  }
0x72: {  	v43 =	vld [tilespmem:s31+$0xFFFFFFB0];
	v40 =	vmul.f32 v20, v20;
	v10 =	vadd.f32 v62, v60;
	v7 =	vadd.f32 v51, v7  }
0x73: {  	v22 =	vld [tilespmem:s0+$0xFFFFFF80];
	v41 =	vmul.f32 v19, v19;
	v42 =	vmul.f32 v18, v18  }
0x74: {  	v44 =	vmul.f32 v15, v15;
	v53 =	vld [tilespmem:s0+$0xFFFFFFA0];
	v6 =	vadd.f32 v10, v6;
	v54 =	vperm.xlane v7, v1  }
0x75: {  	v40 =	vadd.f32 v41, v40;
	v41 =	vld [tilespmem:s0+$0xFFFFFFC0]  }
0x76: {  	v56 =	vadd.f32 v44, v42;
	v42 =	vld [tilespmem:s31+$0xFFFFFFC0];
	v55 =	vperm.xlane v6, v0;
	v36 =	vadd.f32 v54, v7  }
0x77: {  	v11 =	vld [tilespmem:s30+$0xFFFFFFC0]  }
0x78: {  	v10 =	vld [tilespmem:s30+$0xFFFFFFD0];
	v38 =	vadd.f32 v6, v55;
	v6 =	vperm.xlane v36, v2  }
0x79: {  	v7 =	vld [tilespmem:s30+$0xFFFFFFE0]  }
0x7a: {  	v36 =	vadd.f32 v6, v36;
	v6 =	vld [tilespmem:s30+$0xFFFFFFF0]  }
0x7b: {  	v27 =	vsub.f32 v37, v43;
	v52 =	vld [tilespmem:s31+$0xFFFFFF90]  }
0x7c: {  	v9 =	vld [tilespmem:s0+$0xFFFFFFE0];
	v49 =	vsub.f32 v22, v59;
	v46 =	vmul.f32 v11, v11;
	v39 =	vperm.xlane v38, v1  }
0x7d: {  	v22 =	vld [tilespmem:s31+$0xFFFFFFE0];
	v35 =	vsub.f32 v53, v35;
	v24 =	vsub.f32 v41, v42;
	v57 =	vmul.f32 v10, v10  }
0x7e: {  	v47 =	vld [tilespmem:s31+$0xFFFFFFD0];
	v40 =	vadd.f32 v46, v40;
	v38 =	vadd.f32 v38, v39;
	v45 =	vperm.xlane v36, v3  }
0x7f: {  	v46 =	vld [tilespmem:s0+$0xFFFFFFD0];
	v39 =	vadd.f32 v57, v56;
	v58 =	vmul.f32 v7, v7;
	v48 =	vmul.f32 v6, v6  }
0x80: {  	v45 =	vadd.f32 v45, v36;
	v36 =	vsub.f32 v63, v52;
	v63 =	vld [tilespmem:s0+$0xFFFFFFF0]  }
0x81: {  	v61 =	vmul.f32 v20, v49;
	v59 =	vadd.f32 v58, v40;
	v52 =	vld [tilespmem:s31+$0xFFFFFFF0];
	v60 =	vadd.f32 v48, v39  }
0x82: {  	v42 =	vmul.f32 v11, v24;
	v22 =	vsub.f32 v9, v22;
	v56 =	vmul.f32 v19, v35  }
0x83: {  	v62 =	vmul.f32 v18, v36;
	v45 =	vmax.f32 v45, $1.000000020e-24;
	v53 =	vadd.f32 v60, v59  }
0x84: {  	v54 =	vadd.f32 $0.0e+00, v61;
	v57 =	vmul.f32 v15, v27;
	(erf) = vrcp.f32 v45  }
0x85: {  	v43 =	vld [tilespmem:s29+$0xFFFFFF60];
	v23 =	vsub.f32 v46, v47;
	v55 =	vadd.f32 $0.0e+00, v62;
	v58 =	vperm.xlane v53, v0  }
0x86: {  	v40 =	vadd.f32 v56, v54;
	v54 =	vld [tilespmem:s29+$0xFFFFFF20];
	v9 =	vsub.f32 v63, v52;
	v60 =	vperm.xlane v38, v2  }
0x87: {  	v45 =	vld [tilespmem:s29+$0xFFFFFF50];
	v59 =	vmul.f32 v10, v23;
	v39 =	vadd.f32 v57, v55;
	v41 =	vadd.f32 v58, v53  }
0x88: {  	v40 =	vadd.f32 v42, v40;
	v62 =	vmul.f32 v7, v22;
	v63 =	vld [tilespmem:s29+$0xFFFFFF00];
	v37 =	vadd.f32 v38, v60  }
0x89: {  	v52 =	vld [tilespmem:s29+$0xFFFFFF10];
	v44 =	vmul.f32 v6, v9;
	v39 =	vadd.f32 v59, v39;
	v61 =	vperm.xlane v41, v1  }
0x8a: {  	v28 =	vadd.f32 v43, v28;
	v56 =	vld [tilespmem:s29+$0xFFFFFF30];
	v40 =	vadd.f32 v62, v40;
	v53 =	vperm.xlane v37, v3  }
0x8b: {  	v57 =	vld [tilespmem:s29+$0xFFFFFF40];
	v39 =	vadd.f32 v44, v39;
	v41 =	vadd.f32 v61, v41  }
0x8c: {  	v29 =	vadd.f32 v54, v29;
	v38 =	vld [tilespmem:s29+$0xFFFFFFA0];
	v37 =	vadd.f32 v37, v53  }
0x8d: {  	v50 =	vld [tilespmem:s29+$0xFFFFFF70];
	v30 =	vadd.f32 v45, v30;
	v39 =	vadd.f32 v39, v40;
	v58 =	vpop (erf);
	v55 =	vperm.xlane v41, v2  }
0x8e: {  	v51 =	vld [tilespmem:s0+$0x0];
	v33 =	vadd.f32 v63, v33;
	v32 =	vadd.f32 v52, v32;
	v37 =	vmul.f32 v58, v37  }
0x8f: {  	v47 =	vld [tilespmem:s29+$0xFFFFFF90];
	v53 =	vadd.f32 v56, v31;
	v59 =	vperm.xlane v39, v0;
	v41 =	vadd.f32 v55, v41  }
0x90: {  	v45 =	vld [tilespmem:s31+$0x80];
	v34 =	vadd.f32 v57, v34;
	v25 =	vmul.f32 v37, v25;
	v21 =	vmul.f32 v37, v21  }
0x91: {  	v52 =	vld [tilespmem:s31+$0x0];
	v35 =	vadd.f32 v38, v35;
	v17 =	vmul.f32 v37, v17;
	v60 =	vperm.xlane v41, v3  }
0x92: {  	v44 =	vld [tilespmem:s31+$0x50];
	v54 =	vmul.f32 v37, v12;
	v14 =	vmul.f32 v37, v14;
	v39 =	vadd.f32 v39, v59  }
0x93: {  	v56 =	vld [tilespmem:s31+$0x10];
	v16 =	vmul.f32 v37, v16;
	v8 =	vmul.f32 v37, v8;
	v61 =	vadd.f32 v60, v41  }
0x94: {  	v12 =	vld [tilespmem:s30+$0x0];
	v13 =	vmul.f32 v37, v13;
	v25 =	vsub.f32 v33, v25;
	v62 =	vperm.xlane v39, v1  }
0x95: {  	v37 =	vld [tilespmem:s0+$0x40];
	v21 =	vsub.f32 v32, v21;
	v17 =	vsub.f32 v29, v17;
	v63 =	vmax.f32 v61, $1.000000020e-24  }
0x96: {  	v55 =	vld [tilespmem:s0+$0x10];
	v29 =	vsub.f32 v53, v54;
	v48 =	vadd.f32 v39, v62;
	(erf) = vrcp.f32 v63  }
0x97: {  	v57 =	vsub.f32 v34, v14;
	v14 =	vld [tilespmem:s30+$0x10];
	v30 =	vsub.f32 v30, v16  }
0x98: {  	v16 =	vld [tilespmem:s30+$0x20];
	v8 =	vsub.f32 v28, v8;
	v28 =	vsub.f32 v51, v52;
	v42 =	vperm.xlane v48, v2  }
0x99: {  	v25 =	vand.u32 $0x7FFFFFFF, v25;
	v21 =	vand.u32 $0x7FFFFFFF, v21;
	v17 =	vand.u32 $0x7FFFFFFF, v17;
	v39 =	vld [tilespmem:s29+$0xFFFFFFB0]  }
0x9a: {  	v29 =	vand.u32 $0x7FFFFFFF, v29;
	v21 =	vsub.f32 $0.0e+00, v21;
	v41 =	vld [tilespmem:s29+$0xFFFFFF80];
	v32 =	vadd.f32 v48, v42  }
0x9b: {  	v30 =	vand.u32 $0x7FFFFFFF, v30;
	v25 =	vsub.f32 $0.0e+00, v25;
	v62 =	vadd.f32 v50, v26;
	v60 =	vld [tilespmem:s31+$0x20]  }
0x9c: {  	v8 =	vand.u32 $0x7FFFFFFF, v8;
	v21 =	vsub.f32 v21, v29;
	v29 =	vld [tilespmem:s0+$0x30];
	v58 =	vperm.xlane v32, v3  }
0x9d: {  	v51 =	vmul.f32 v12, v12;
	v17 =	vsub.f32 v25, v17;
	v13 =	vsub.f32 v62, v13;
	v42 =	vld [tilespmem:s0+$0x20]  }
0x9e: {  	v25 =	vand.u32 $0x7FFFFFFF, v57;
	v52 =	vmul.f32 v16, v16;
	v63 =	vld [tilespmem:s31+$0x30];
	v59 =	vadd.f32 v32, v58  }
0x9f: {  	v25 =	vsub.f32 v17, v25;
	v17 =	vld [tilespmem:s30+$0x30];
	v21 =	vsub.f32 v21, v30;
	v13 =	vand.u32 $0x7FFFFFFF, v13;
	v61 =	vpop (erf)  }
0xa0: {  	v30 =	vsub.f32 v55, v56;
	v55 =	vadd.f32 v52, v51;
	v51 =	vld [tilespmem:s29+$0xFFFFFFC0];
	v26 =	vmul.f32 v61, v59  }
0xa1: {  	v8 =	vsub.f32 v25, v8;
	v25 =	vld [tilespmem:s31+$0x40];
	v13 =	vsub.f32 v21, v13  }
0xa2: {  	v48 =	vadd.f32 v47, v36;
	v46 =	vadd.f32 v41, v49;
	v21 =	vld [tilespmem:s30+$0x40];
	v20 =	vmul.f32 v26, v20  }
0xa3: {  	v50 =	vmul.f32 v12, v28;
	v27 =	vadd.f32 v39, v27;
	v8 =	vadd.f32 v13, v8;
	v13 =	vld [tilespmem:s30+$0x70]  }
0xa4: {  	v53 =	vmul.f32 v14, v14;
	v33 =	vsub.f32 v42, v60;
	v42 =	vld [tilespmem:s29+$0xFFFFFFD0];
	v20 =	vsub.f32 v46, v20  }
0xa5: {  	v41 =	vadd.f32 $0.0e+00, v50;
	v54 =	vmul.f32 v17, v17;
	v49 =	vmul.f32 v26, v18;
	v18 =	vld [tilespmem:s30+$0x50]  }
0xa6: {  	v31 =	vsub.f32 v29, v63;
	v63 =	vld [tilespmem:s31+$0x70];
	v52 =	vmul.f32 v16, v33;
	v20 =	vand.u32 $0x7FFFFFFF, v20  }
0xa7: {  	v56 =	vmul.f32 v21, v21;
	v38 =	vadd.f32 v54, v53;
	v36 =	vsub.f32 $0.0e+00, v20;
	v20 =	vld [tilespmem:s30+$0x60]  }
0xa8: {  	v58 =	vmul.f32 v14, v30;
	v34 =	vsub.f32 v37, v25;
	v41 =	vadd.f32 v52, v41;
	v61 =	vld [tilespmem:s0+$0x70]  }
0xa9: {  	v40 =	vld [tilespmem:s31+$0x60];
	v62 =	vmul.f32 v13, v13;
	v59 =	vadd.f32 v56, v55;
	v55 =	vadd.f32 v51, v24  }
0xaa: {  	v23 =	vadd.f32 v42, v23;
	v53 =	vmul.f32 v26, v15;
	v46 =	vld [tilespmem:s0+$0x50];
	v57 =	vmul.f32 v18, v18  }
0xab: {  	v56 =	vmul.f32 v17, v31;
	v43 =	vsub.f32 v48, v49;
	v48 =	vadd.f32 $0.0e+00, v58;
	v49 =	vld [tilespmem:s0+$0x80]  }
0xac: {  	v47 =	vld [tilespmem:s0+$0x60];
	v27 =	vsub.f32 v27, v53;
	v38 =	vadd.f32 v57, v38;
	v60 =	vmul.f32 v20, v20  }
0xad: {  	v39 =	vld [tilespmem:s0+$0xA0];
	v11 =	vmul.f32 v26, v11;
	v25 =	vsub.f32 v61, v63;
	v58 =	vadd.f32 v56, v48  }
0xae: {  	v50 =	vld [tilespmem:s0+$0xB0];
	v27 =	vand.u32 $0x7FFFFFFF, v27;
	v38 =	vadd.f32 v62, v38;
	v32 =	vadd.f32 v60, v59  }
0xaf: {  	v24 =	vld [tilespmem:s30+$0xA0];
	v52 =	vmul.f32 v13, v25;
	v29 =	vsub.f32 v46, v44;
	v62 =	vmul.f32 v26, v19  }
0xb0: {  	v53 =	vld [tilespmem:s31+$0xB0];
	v57 =	vand.u32 $0x7FFFFFFF, v43;
	v45 =	vsub.f32 v49, v45;
	v38 =	vadd.f32 v38, v32  }
0xb1: {  	v51 =	vld [tilespmem:s0+$0xC0];
	v37 =	vsub.f32 $0.0e+00, v57;
	v35 =	vsub.f32 v35, v62;
	v59 =	vmul.f32 v21, v34  }
0xb2: {  	v43 =	vld [tilespmem:s29+$0xFFFFFFE0];
	v60 =	vmul.f32 v18, v29;
	v32 =	vsub.f32 v47, v40;
	v61 =	vperm.xlane v38, v0  }
0xb3: {  	v19 =	vld [tilespmem:s30+$0x80];
	v37 =	vsub.f32 v37, v27;
	v35 =	vand.u32 $0x7FFFFFFF, v35;
	v41 =	vadd.f32 v59, v41  }
0xb4: {  	v27 =	vld [tilespmem:s30+$0xD0];
	v44 =	vadd.f32 v60, v58;
	v63 =	vmul.f32 v20, v32;
	v38 =	vadd.f32 v61, v38  }
0xb5: {  	v15 =	vld [tilespmem:s30+$0x90];
	v7 =	vmul.f32 v26, v7;
	v50 =	vsub.f32 v50, v53;
	v36 =	vsub.f32 v36, v35  }
0xb6: {  	v35 =	vld [tilespmem:s30+$0xB0];
	v44 =	vadd.f32 v52, v44;
	v41 =	vadd.f32 v63, v41;
	v54 =	vperm.xlane v38, v1  }
0xb7: {  	v22 =	vadd.f32 v43, v22;
	v40 =	vld [tilespmem:s0+$0x90];
	v58 =	vsub.f32 v55, v11;
	v60 =	vmul.f32 v26, v10  }
0xb8: {  	v6 =	vmul.f32 v26, v6;
	v11 =	vld [tilespmem:s30+$0xC0];
	v41 =	vadd.f32 v44, v41;
	v38 =	vadd.f32 v54, v38  }
0xb9: {  	v47 =	vld [tilespmem:s31+$0x90];
	v62 =	vmul.f32 v19, v19;
	v42 =	vsub.f32 v23, v60;
	v60 =	vmul.f32 v27, v27  }
0xba: {  	v7 =	vsub.f32 v22, v7;
	v23 =	vld [tilespmem:s30+$0xF0];
	v56 =	vperm.xlane v41, v0;
	v57 =	vperm.xlane v38, v2  }
0xbb: {  	v10 =	vld [tilespmem:s30+$0xE0];
	v59 =	vand.u32 $0x7FFFFFFF, v58;
	v63 =	vmul.f32 v24, v24;
	v54 =	vmul.f32 v35, v35  }
0xbc: {  	v44 =	vld [tilespmem:s31+$0xA0];
	v41 =	vadd.f32 v41, v56;
	v38 =	vadd.f32 v57, v38;
	v57 =	vmul.f32 v15, v15  }
0xbd: {  	v49 =	vld [tilespmem:s0+$0xD0];
	v36 =	vsub.f32 v36, v59;
	v59 =	vmul.f32 v11, v11;
	v58 =	vadd.f32 v63, v62  }
0xbe: {  	v52 =	vld [tilespmem:s31+$0xD0];
	v40 =	vsub.f32 v40, v47;
	v61 =	vperm.xlane v41, v1;
	v43 =	vadd.f32 v54, v57  }
0xbf: {  	v53 =	vld [tilespmem:s0+$0xF0];
	v55 =	vmul.f32 v23, v23;
	v46 =	vadd.f32 v59, v58;
	v48 =	vperm.xlane v38, v3  }
0xc0: {  	v58 =	vld [tilespmem:s31+$0xF0];
	v41 =	vadd.f32 v41, v61;
	v61 =	vmul.f32 v10, v10;
	v43 =	vadd.f32 v60, v43  }
0xc1: {  	v62 =	vmul.f32 v19, v45;
	v39 =	vsub.f32 v39, v44;
	v38 =	vadd.f32 v48, v38;
	v48 =	vld [tilespmem:s31+$0xC0]  }
0xc2: {  	v63 =	vmul.f32 v15, v40;
	v56 =	vld [tilespmem:s31+$0xE0];
	v46 =	vadd.f32 v61, v46;
	v43 =	vadd.f32 v55, v43  }
0xc3: {  	v49 =	vsub.f32 v49, v52;
	v47 =	vadd.f32 $0.0e+00, v62;
	v44 =	vld [tilespmem:s0+$0xE0];
	v57 =	vmul.f32 v24, v39  }
0xc4: {  	v59 =	vadd.f32 $0.0e+00, v63;
	v38 =	vmax.f32 v38, $1.000000020e-24;
	v43 =	vadd.f32 v43, v46  }
0xc5: {  	v60 =	vmul.f32 v35, v50;
	v47 =	vadd.f32 v57, v47;
	(erf) = vrcp.f32 v38  }
0xc6: {  	v62 =	vperm.xlane v41, v2;
	v57 =	vld [tilespmem:s29+$0xFFFFFFF0];
	v48 =	vsub.f32 v51, v48;
	v61 =	vperm.xlane v43, v0  }
0xc7: {  	v38 =	vadd.f32 v60, v59;
	v46 =	vsub.f32 v53, v58;
	v58 =	vmul.f32 v27, v49  }
0xc8: {  	v44 =	vsub.f32 v44, v56;
	v63 =	vmul.f32 v11, v48;
	v43 =	vadd.f32 v61, v43  }
0xc9: {  	v41 =	vadd.f32 v41, v62;
	v38 =	vadd.f32 v58, v38;
	v61 =	vmul.f32 v23, v46  }
0xca: {  	v60 =	vmul.f32 v10, v44;
	v47 =	vadd.f32 v63, v47;
	v59 =	vperm.xlane v43, v1  }
0xcb: {  	v55 =	vperm.xlane v41, v3;
	v9 =	vadd.f32 v57, v9;
	v38 =	vadd.f32 v61, v38  }
0xcc: {  	v7 =	vand.u32 $0x7FFFFFFF, v7;
	v56 =	vld [tilespmem:s29+$0x0];
	v63 =	vadd.f32 v60, v47;
	v62 =	vadd.f32 v59, v43  }
0xcd: {  	v42 =	vand.u32 $0x7FFFFFFF, v42;
	v41 =	vadd.f32 v41, v55;
	v6 =	vsub.f32 v9, v6  }
0xce: {  	v37 =	vsub.f32 v37, v42;
	v42 =	vld [tilespmem:s29+$0x40];
	v58 =	vpop (erf);
	v38 =	vadd.f32 v38, v63;
	v57 =	vperm.xlane v62, v2  }
0xcf: {  	v7 =	vsub.f32 v36, v7;
	v6 =	vand.u32 $0x7FFFFFFF, v6;
	v60 =	vld [tilespmem:s29+$0x20];
	v9 =	vmul.f32 v58, v41  }
0xd0: {  	v6 =	vsub.f32 v37, v6;
	v59 =	vld [tilespmem:s29+$0x10];
	v61 =	vperm.xlane v38, v0;
	v22 =	vadd.f32 v57, v62  }
0xd1: {  	v28 =	vadd.f32 v56, v28;
	v63 =	vld [tilespmem:s29+$0x30];
	v12 =	vmul.f32 v9, v12;
	v14 =	vmul.f32 v9, v14  }
0xd2: {  	v6 =	vadd.f32 v6, v7;
	v58 =	vld [tilespmem:s29+$0x80];
	v16 =	vmul.f32 v9, v16;
	v62 =	vperm.xlane v22, v3  }
0xd3: {  	v41 =	vld [tilespmem:s29+$0xF0];
	v17 =	vmul.f32 v9, v17;
	v21 =	vmul.f32 v9, v21;
	v38 =	vadd.f32 v38, v61  }
0xd4: {  	v53 =	vld [tilespmem:s29+$0x60];
	v18 =	vmul.f32 v9, v18;
	v33 =	vadd.f32 v60, v33;
	v22 =	vadd.f32 v62, v22  }
0xd5: {  	v51 =	vld [tilespmem:s29+$0x50];
	v12 =	vsub.f32 v28, v12;
	v26 =	vadd.f32 v59, v30;
	v43 =	vperm.xlane v38, v1  }
0xd6: {  	v28 =	vadd.f32 v42, v34;
	v16 =	vsub.f32 v33, v16;
	v22 =	vmax.f32 v22, $1.000000020e-24  }
0xd7: {  	v52 =	vadd.f32 v63, v31;
	v30 =	vadd.f32 v38, v43;
	(erf) = vrcp.f32 v22  }
0xd8: {  	v20 =	vmul.f32 v9, v20;
	v63 =	vadd.f32 v58, v45;
	v46 =	vadd.f32 v41, v46  }
0xd9: {  	v47 =	vsub.f32 v26, v14;
	v56 =	vsub.f32 v28, v21;
	v54 =	vperm.xlane v30, v2  }
0xda: {  	v59 =	vld [tilespmem:s29+$0x70];
	v7 =	vand.u32 $0x7FFFFFFF, v12;
	v14 =	vadd.f32 v51, v29;
	v26 =	vadd.f32 v53, v32  }
0xdb: {  	v9 =	vmul.f32 v9, v13;
	v61 =	vld [tilespmem:s29+$0x90];
	v7 =	vsub.f32 $0.0e+00, v7;
	v30 =	vadd.f32 v30, v54  }
0xdc: {  	v16 =	vand.u32 $0x7FFFFFFF, v16;
	v55 =	vsub.f32 v52, v17;
	v12 =	vand.u32 $0x7FFFFFFF, v47  }
0xdd: {  	v62 =	vld [tilespmem:s29+$0xA0];
	v14 =	vsub.f32 v14, v18;
	v20 =	vsub.f32 v26, v20;
	v57 =	vperm.xlane v30, v3  }
0xde: {  	v17 =	vand.u32 $0x7FFFFFFF, v56;
	v26 =	vld [tilespmem:s29+$0xB0];
	v7 =	vsub.f32 v7, v16;
	v12 =	vsub.f32 $0.0e+00, v12  }
0xdf: {  	v32 =	vld [tilespmem:s29+$0xD0];
	v16 =	vand.u32 $0x7FFFFFFF, v55;
	v28 =	vadd.f32 v59, v25;
	v21 =	vadd.f32 v30, v57  }
0xe0: {  	v18 =	vadd.f32 v61, v40;
	v14 =	vand.u32 $0x7FFFFFFF, v14;
	v12 =	vsub.f32 v12, v16;
	v30 =	vld [tilespmem:s29+$0xC0];
	v60 =	vpop (erf)  }
0xe1: {  	v7 =	vsub.f32 v7, v17;
	v9 =	vsub.f32 v28, v9;
	v16 =	vmul.f32 v60, v21  }
0xe2: {  	v20 =	vand.u32 $0x7FFFFFFF, v20;
	v31 =	vadd.f32 v62, v39;
	v12 =	vsub.f32 v12, v14  }
0xe3: {  	v7 =	vsub.f32 v7, v20;
	v33 =	vadd.f32 v26, v50;
	v19 =	vmul.f32 v16, v19  }
0xe4: {  	v38 =	vld [tilespmem:s29+$0xE0];
	v20 =	vadd.f32 v32, v49;
	v15 =	vmul.f32 v16, v15;
	v34 =	vmul.f32 v16, v24  }
0xe5: {  	v17 =	vadd.f32 v30, v48;
	v36 =	vmul.f32 v16, v35;
	v11 =	vmul.f32 v16, v11  }
0xe6: {  	v42 =	vmul.f32 v16, v27;
	v29 =	vsub.f32 v63, v19;
	v37 =	vsub.f32 v18, v15  }
0xe7: {  	v10 =	vmul.f32 v16, v10;
	v39 =	vsub.f32 v31, v34;
	v40 =	vsub.f32 v33, v36  }
0xe8: {  	v16 =	vmul.f32 v16, v23;
	v11 =	vsub.f32 v17, v11;
	v45 =	vsub.f32 v20, v42  }
0xe9: {  	v15 =	vadd.f32 v38, v44;
	v13 =	vand.u32 $0x7FFFFFFF, v29;
	v14 =	vand.u32 $0x7FFFFFFF, v37  }
0xea: {  	v13 =	vsub.f32 $0.0e+00, v13;
	v14 =	vsub.f32 $0.0e+00, v14  }
0xeb: {  	v48 =	vsub.f32 v46, v16;
	v18 =	vand.u32 $0x7FFFFFFF, v39;
	v43 =	vand.u32 $0x7FFFFFFF, v40  }
0xec: {  	v13 =	vsub.f32 v13, v18;
	v14 =	vsub.f32 v14, v43  }
0xed: {  	v11 =	vand.u32 $0x7FFFFFFF, v11;
	v47 =	vand.u32 $0x7FFFFFFF, v45;
	v10 =	vsub.f32 v15, v10  }
0xee: {  	v9 =	vand.u32 $0x7FFFFFFF, v9;
	v11 =	vsub.f32 v13, v11;
	v49 =	vsub.f32 v14, v47  }
0xef: {  	v9 =	vsub.f32 v12, v9;
	v50 =	vand.u32 $0x7FFFFFFF, v48;
	v10 =	vand.u32 $0x7FFFFFFF, v10  }
0xf0: {  	v51 =	vperm.xlane v8, v0;
	v10 =	vsub.f32 v11, v10;
	v52 =	vsub.f32 v49, v50  }
0xf1: {  	v53 =	vperm.xlane v6, v0;
	v7 =	vadd.f32 v9, v7  }
0xf2: {  	v8 =	vadd.f32 v8, v51;
	v54 =	vadd.f32 v52, v10  }
0xf3: {  	v6 =	vadd.f32 v6, v53;
	v55 =	vperm.xlane v7, v0  }
0xf4: {  	v56 =	vperm.xlane v8, v1;
	v57 =	vperm.xlane v54, v0  }
0xf5: {  	v58 =	vperm.xlane v6, v1;
	v7 =	vadd.f32 v7, v55  }
0xf6: {  	v8 =	vadd.f32 v8, v56;
	v9 =	vadd.f32 v54, v57  }
0xf7: {  	v6 =	vadd.f32 v6, v58;
	v10 =	vperm.xlane v7, v1  }
0xf8: {  	v11 =	vperm.xlane v8, v2;
	v12 =	vperm.xlane v9, v1  }
0xf9: {  	v13 =	vperm.xlane v6, v2;
	v7 =	vadd.f32 v7, v10  }
0xfa: {  	v8 =	vadd.f32 v8, v11;
	v9 =	vadd.f32 v9, v12  }
0xfb: {  	v6 =	vadd.f32 v6, v13;
	v10 =	vperm.xlane v7, v2  }
0xfc: {  	s17 =	sand.u32 $0xC, s4;
	v11 =	vperm.xlane v8, v3;
	v12 =	vperm.xlane v9, v2  }
0xfd: {  	s18 =	sor.u32 $0x1, s17;
	v59 =	vmov s17;
	v60 =	vperm.xlane v6, v3;
	v7 =	vadd.f32 v7, v10  }
0xfe: {  	v61 =	vmov s18;
	v8 =	vadd.f32 v8, v11;
	v9 =	vadd.f32 v9, v12  }
0xff: {  	s16 =	sadd.s32 $0x1, s16;
	vm0 =	veq.s32 v59, v4;
	v6 =	vadd.f32 v6, v60;
	v62 =	vperm.xlane v7, v3  }
0x100: {  	s19 =	sor.u32 $0x2, s17;
	p0 =	sne.s32 s16, $0x20;
	vm13 =	veq.s32 v61, v4;
	v5 =	vsel vm0, v8, v5;
	v63 =	vperm.xlane v9, v3  }
.Ltmp3:
0x101: {  	s17 =	sor.u32 $0x3, s17;
	v5 =	vsel vm13, v6, v5;
	v6 =	vmov s19;
	v7 =	vadd.f32 v7, v62;
	(pc) =	sbr.rel @!p0 .LBB2_10-.Ltmp3, $4  }
0x102: {  	vm14 =	veq.s32 v6, v4;
	v6 =	vmov s17;
	v8 =	vadd.f32 v9, v63  }
0x103: {  	s4 =	sadd.s32 $0x4, s4;
	s19 =	sand.u32 $0x1C0, s15;
	vm15 =	veq.s32 v6, v4;
	v5 =	vsel vm14, v7, v5  }
0x104: {  	s30 =	sadd.s32 $0x200, s30;
	s0 =	sadd.s32 $0x200, s0;
	s17 =	sshrl.u32 s19, $0x2;
	v5 =	vsel vm15, v8, v5  }
0x105: {  	s31 =	sadd.s32 $0x200, s31;
	s29 =	sadd.s32 $0x200, s29;
	s15 =	sadd.s32 $0x10, s15;
	[tilespmem:s17+$0x10180] =	vst v5  }
.LBB2_2:
0x106: {  	p0 =	sgt.s32 s16, $0xF  }
.Ltmp4:
0x107: {  	_ = 	snop;
	(pc) =	sbr.rel @p0 .LBB2_6-.Ltmp4, $1  }
0x108: {  	_ =	sdelay $0x3  }
0x109: {  	p0 =	sgt.s32 s16, $0x7  }
.Ltmp5:
0x10a: {  	_ = 	snop;
	(pc) =	sbr.rel @p0 .LBB2_5-.Ltmp5, $1  }
0x10b: {  	_ =	sdelay $0x3  }
0x10c: {  	p0 =	seq.s32 s16, $0x0  }
0x10d: {  	s17 =	simm.s32 @p0 $0x2  }
0x10e: {  	_ =	swait.ge @p0 [sflag:s17], $0x800  }
0x10f: {  	[sflag:s17] =	ssyncset.done @p0 $0x0  }
0x110: {  	[sflag:s17] =	ssyncadd.s32 @p0 $0xFFFFF800  }
0x111: {  	_ =	swait.ge @p0 [sflag:s17], $0x800  }
0x112: {  	[sflag:s17] =	ssyncset.done @p0 $0x0  }
0x113: {  	[sflag:s17] =	ssyncadd.s32 @p0 $0xFFFFF800  }
0x114: {  	_ =	swait.ge @p0 [sflag:s17], $0x800  }
0x115: {  	[sflag:s17] =	ssyncset.done @p0 $0x0  }
0x116: {  	[sflag:s17] =	ssyncadd.s32 @p0 $0xFFFFF800  }
0x117: {  	_ =	swait.ge @p0 [sflag:s17], $0x800  }
0x118: {  	s18 =	simm.s32 @p0 $0x20;
	[sflag:s17] =	ssyncset.done @p0 $0x0  }
0x119: {  	s19 =	simm.s32 @p0 $0x1180;
	[sflag:s17] =	ssyncadd.s32 @p0 $0xFFFFF800;
	s17 =	simm.s32 @p0 $0x10  }
0x11a: {  	[tilespmem:s19], [sflag:$0x4] =	stream.indirect.gather @p0 [hbm4b:s1+s17], $0x80, s18, s17, $0xb8;
	[tilespmem:$0x10200] =	vst v63  }
0x11b: {  	s18 =	simm.s32 @p0 $0x120;
	s19 =	simm.s32 @p0 $0x5180  }
0x11c: {  	[tilespmem:s19], [sflag:$0x4] =	stream.indirect.gather @p0 [hbm4b:s1+s17], $0x80, s18, s17, $0xb8;
	[tilespmem:$0x10200] =	vst v63  }
0x11d: {  	s18 =	simm.s32 @p0 $0xA0;
	s19 =	simm.s32 @p0 $0x9180  }
0x11e: {  	[tilespmem:s19], [sflag:$0x4] =	stream.indirect.gather @p0 [hbm4b:s2+s17], $0x80, s18, s17, $0xb8;
	[tilespmem:$0x10200] =	vst v63  }
0x11f: {  	p1 =	seq.s32 @!p0 s16, $0x4;
	s19 =	simm.s32 @p0 $0xD180  }
0x120: {  	[tilespmem:s19], [sflag:$0x4] =	stream.indirect.gather @p0 [hbm4b:s3+s17], $0x80, s18, s17, $0xb8;
	[tilespmem:$0x10200] =	vst v63  }
0x121: {  	p0 =	por !p1, p0  }
0x122: {  	s17 =	simm.s32 @!p0 $0x3  }
0x123: {  	_ =	swait.ge @!p0 [sflag:s17], $0x800  }
0x124: {  	[sflag:s17] =	ssyncset.done @!p0 $0x0  }
0x125: {  	[sflag:s17] =	ssyncadd.s32 @!p0 $0xFFFFF800  }
0x126: {  	_ =	swait.ge @!p0 [sflag:s17], $0x800  }
0x127: {  	[sflag:s17] =	ssyncset.done @!p0 $0x0  }
0x128: {  	[sflag:s17] =	ssyncadd.s32 @!p0 $0xFFFFF800  }
0x129: {  	_ =	swait.ge @!p0 [sflag:s17], $0x800  }
0x12a: {  	[sflag:s17] =	ssyncset.done @!p0 $0x0  }
0x12b: {  	[sflag:s17] =	ssyncadd.s32 @!p0 $0xFFFFF800  }
0x12c: {  	_ =	swait.ge @!p0 [sflag:s17], $0x800  }
0x12d: {  	s18 =	simm.s32 @!p0 $0x30;
	[sflag:s17] =	ssyncset.done @!p0 $0x0  }
0x12e: {  	s19 =	simm.s32 @!p0 $0x1980;
	[sflag:s17] =	ssyncadd.s32 @!p0 $0xFFFFF800;
	s17 =	simm.s32 @!p0 $0x10  }
0x12f: {  	[tilespmem:s19], [sflag:$0x5] =	stream.indirect.gather @!p0 [hbm4b:s1+s17], $0x80, s18, s17, $0xb8;
	[tilespmem:$0x10200] =	vst v63  }
0x130: {  	s18 =	simm.s32 @!p0 $0x130;
	s19 =	simm.s32 @!p0 $0x5980  }
0x131: {  	[tilespmem:s19], [sflag:$0x5] =	stream.indirect.gather @!p0 [hbm4b:s1+s17], $0x80, s18, s17, $0xb8;
	[tilespmem:$0x10200] =	vst v63  }
.Ltmp6:
0x132: {  	_ = 	snop;
	(pc) =	sbr.rel .LBB2_9-.Ltmp6, $4  }
0x133: {  	s18 =	simm.s32 @!p0 $0xB0;
	s19 =	simm.s32 @!p0 $0x9980  }
0x134: {  	[tilespmem:s19], [sflag:$0x5] =	stream.indirect.gather @!p0 [hbm4b:s2+s17], $0x80, s18, s17, $0xb8;
	[tilespmem:$0x10200] =	vst v63  }
0x135: {  	s19 =	simm.s32 @!p0 $0xD980  }
0x136: {  	[tilespmem:s19], [sflag:$0x5] =	stream.indirect.gather @!p0 [hbm4b:s3+s17], $0x80, s18, s17, $0xb8;
	[tilespmem:$0x10200] =	vst v63  }
.LBB2_6:
0x137: {  	p0 =	sgt.s32 s16, $0x17  }
.Ltmp7:
0x138: {  	_ = 	snop;
	(pc) =	sbr.rel @p0 .LBB2_8-.Ltmp7, $1  }
0x139: {  	_ =	sdelay $0x3  }
0x13a: {  	p0 =	seq.s32 s16, $0x10  }
0x13b: {  	s17 =	simm.s32 @p0 $0x6  }
0x13c: {  	_ =	swait.ge @p0 [sflag:s17], $0x800  }
0x13d: {  	[sflag:s17] =	ssyncset.done @p0 $0x0  }
0x13e: {  	[sflag:s17] =	ssyncadd.s32 @p0 $0xFFFFF800  }
0x13f: {  	_ =	swait.ge @p0 [sflag:s17], $0x800  }
0x140: {  	[sflag:s17] =	ssyncset.done @p0 $0x0  }
0x141: {  	[sflag:s17] =	ssyncadd.s32 @p0 $0xFFFFF800  }
0x142: {  	_ =	swait.ge @p0 [sflag:s17], $0x800  }
0x143: {  	[sflag:s17] =	ssyncset.done @p0 $0x0  }
0x144: {  	[sflag:s17] =	ssyncadd.s32 @p0 $0xFFFFF800  }
0x145: {  	_ =	swait.ge @p0 [sflag:s17], $0x800  }
0x146: {  	s18 =	simm.s32 @p0 $0x60;
	[sflag:s17] =	ssyncset.done @p0 $0x0  }
0x147: {  	s19 =	simm.s32 @p0 $0x3180;
	[sflag:s17] =	ssyncadd.s32 @p0 $0xFFFFF800;
	s17 =	simm.s32 @p0 $0x10  }
0x148: {  	[tilespmem:s19], [sflag:$0x8] =	stream.indirect.gather @p0 [hbm4b:s1+s17], $0x80, s18, s17, $0xb8;
	[tilespmem:$0x10200] =	vst v63  }
0x149: {  	s18 =	simm.s32 @p0 $0x160;
	s19 =	simm.s32 @p0 $0x7180  }
0x14a: {  	[tilespmem:s19], [sflag:$0x8] =	stream.indirect.gather @p0 [hbm4b:s1+s17], $0x80, s18, s17, $0xb8;
	[tilespmem:$0x10200] =	vst v63  }
0x14b: {  	s18 =	simm.s32 @p0 $0xE0;
	s19 =	simm.s32 @p0 $0xB180  }
0x14c: {  	[tilespmem:s19], [sflag:$0x8] =	stream.indirect.gather @p0 [hbm4b:s2+s17], $0x80, s18, s17, $0xb8;
	[tilespmem:$0x10200] =	vst v63  }
0x14d: {  	p1 =	seq.s32 @!p0 s16, $0x14;
	s19 =	simm.s32 @p0 $0xF180  }
0x14e: {  	[tilespmem:s19], [sflag:$0x8] =	stream.indirect.gather @p0 [hbm4b:s3+s17], $0x80, s18, s17, $0xb8;
	[tilespmem:$0x10200] =	vst v63  }
0x14f: {  	p0 =	por !p1, p0  }
0x150: {  	s17 =	simm.s32 @!p0 $0x7  }
0x151: {  	_ =	swait.ge @!p0 [sflag:s17], $0x800  }
0x152: {  	[sflag:s17] =	ssyncset.done @!p0 $0x0  }
0x153: {  	[sflag:s17] =	ssyncadd.s32 @!p0 $0xFFFFF800  }
0x154: {  	_ =	swait.ge @!p0 [sflag:s17], $0x800  }
0x155: {  	[sflag:s17] =	ssyncset.done @!p0 $0x0  }
0x156: {  	[sflag:s17] =	ssyncadd.s32 @!p0 $0xFFFFF800  }
0x157: {  	_ =	swait.ge @!p0 [sflag:s17], $0x800  }
0x158: {  	[sflag:s17] =	ssyncset.done @!p0 $0x0  }
0x159: {  	[sflag:s17] =	ssyncadd.s32 @!p0 $0xFFFFF800  }
0x15a: {  	_ =	swait.ge @!p0 [sflag:s17], $0x800  }
0x15b: {  	s18 =	simm.s32 @!p0 $0x70;
	[sflag:s17] =	ssyncset.done @!p0 $0x0  }
0x15c: {  	s19 =	simm.s32 @!p0 $0x3980;
	[sflag:s17] =	ssyncadd.s32 @!p0 $0xFFFFF800;
	s17 =	simm.s32 @!p0 $0x10  }
0x15d: {  	[tilespmem:s19], [sflag:$0x9] =	stream.indirect.gather @!p0 [hbm4b:s1+s17], $0x80, s18, s17, $0xb8;
	[tilespmem:$0x10200] =	vst v63  }
0x15e: {  	s18 =	simm.s32 @!p0 $0x170;
	s19 =	simm.s32 @!p0 $0x7980  }
0x15f: {  	[tilespmem:s19], [sflag:$0x9] =	stream.indirect.gather @!p0 [hbm4b:s1+s17], $0x80, s18, s17, $0xb8;
	[tilespmem:$0x10200] =	vst v63  }
.Ltmp8:
0x160: {  	_ = 	snop;
	(pc) =	sbr.rel .LBB2_9-.Ltmp8, $4  }
0x161: {  	s18 =	simm.s32 @!p0 $0xF0;
	s19 =	simm.s32 @!p0 $0xB980  }
0x162: {  	[tilespmem:s19], [sflag:$0x9] =	stream.indirect.gather @!p0 [hbm4b:s2+s17], $0x80, s18, s17, $0xb8;
	[tilespmem:$0x10200] =	vst v63  }
0x163: {  	s19 =	simm.s32 @!p0 $0xF980  }
0x164: {  	[tilespmem:s19], [sflag:$0x9] =	stream.indirect.gather @!p0 [hbm4b:s3+s17], $0x80, s18, s17, $0xb8;
	[tilespmem:$0x10200] =	vst v63  }
.LBB2_5:
0x165: {  	p0 =	seq.s32 s16, $0x8  }
0x166: {  	s17 =	simm.s32 @p0 $0x4  }
0x167: {  	_ =	swait.ge @p0 [sflag:s17], $0x800  }
0x168: {  	[sflag:s17] =	ssyncset.done @p0 $0x0  }
0x169: {  	[sflag:s17] =	ssyncadd.s32 @p0 $0xFFFFF800  }
0x16a: {  	_ =	swait.ge @p0 [sflag:s17], $0x800  }
0x16b: {  	[sflag:s17] =	ssyncset.done @p0 $0x0  }
0x16c: {  	[sflag:s17] =	ssyncadd.s32 @p0 $0xFFFFF800  }
0x16d: {  	_ =	swait.ge @p0 [sflag:s17], $0x800  }
0x16e: {  	[sflag:s17] =	ssyncset.done @p0 $0x0  }
0x16f: {  	[sflag:s17] =	ssyncadd.s32 @p0 $0xFFFFF800  }
0x170: {  	_ =	swait.ge @p0 [sflag:s17], $0x800  }
0x171: {  	s18 =	simm.s32 @p0 $0x40;
	[sflag:s17] =	ssyncset.done @p0 $0x0  }
0x172: {  	s19 =	simm.s32 @p0 $0x2180;
	[sflag:s17] =	ssyncadd.s32 @p0 $0xFFFFF800;
	s17 =	simm.s32 @p0 $0x10  }
0x173: {  	[tilespmem:s19], [sflag:$0x6] =	stream.indirect.gather @p0 [hbm4b:s1+s17], $0x80, s18, s17, $0xb8;
	[tilespmem:$0x10200] =	vst v63  }
0x174: {  	s18 =	simm.s32 @p0 $0x140;
	s19 =	simm.s32 @p0 $0x6180  }
0x175: {  	[tilespmem:s19], [sflag:$0x6] =	stream.indirect.gather @p0 [hbm4b:s1+s17], $0x80, s18, s17, $0xb8;
	[tilespmem:$0x10200] =	vst v63  }
0x176: {  	s18 =	simm.s32 @p0 $0xC0;
	s19 =	simm.s32 @p0 $0xA180  }
0x177: {  	[tilespmem:s19], [sflag:$0x6] =	stream.indirect.gather @p0 [hbm4b:s2+s17], $0x80, s18, s17, $0xb8;
	[tilespmem:$0x10200] =	vst v63  }
0x178: {  	p1 =	seq.s32 @!p0 s16, $0xC;
	s19 =	simm.s32 @p0 $0xE180  }
0x179: {  	[tilespmem:s19], [sflag:$0x6] =	stream.indirect.gather @p0 [hbm4b:s3+s17], $0x80, s18, s17, $0xb8;
	[tilespmem:$0x10200] =	vst v63  }
0x17a: {  	p0 =	por !p1, p0  }
0x17b: {  	s17 =	simm.s32 @!p0 $0x5  }
0x17c: {  	_ =	swait.ge @!p0 [sflag:s17], $0x800  }
0x17d: {  	[sflag:s17] =	ssyncset.done @!p0 $0x0  }
0x17e: {  	[sflag:s17] =	ssyncadd.s32 @!p0 $0xFFFFF800  }
0x17f: {  	_ =	swait.ge @!p0 [sflag:s17], $0x800  }
0x180: {  	[sflag:s17] =	ssyncset.done @!p0 $0x0  }
0x181: {  	[sflag:s17] =	ssyncadd.s32 @!p0 $0xFFFFF800  }
0x182: {  	_ =	swait.ge @!p0 [sflag:s17], $0x800  }
0x183: {  	[sflag:s17] =	ssyncset.done @!p0 $0x0  }
0x184: {  	[sflag:s17] =	ssyncadd.s32 @!p0 $0xFFFFF800  }
0x185: {  	_ =	swait.ge @!p0 [sflag:s17], $0x800  }
0x186: {  	s18 =	simm.s32 @!p0 $0x50;
	[sflag:s17] =	ssyncset.done @!p0 $0x0  }
0x187: {  	s19 =	simm.s32 @!p0 $0x2980;
	[sflag:s17] =	ssyncadd.s32 @!p0 $0xFFFFF800;
	s17 =	simm.s32 @!p0 $0x10  }
0x188: {  	[tilespmem:s19], [sflag:$0x7] =	stream.indirect.gather @!p0 [hbm4b:s1+s17], $0x80, s18, s17, $0xb8;
	[tilespmem:$0x10200] =	vst v63  }
0x189: {  	s18 =	simm.s32 @!p0 $0x150;
	s19 =	simm.s32 @!p0 $0x6980  }
0x18a: {  	[tilespmem:s19], [sflag:$0x7] =	stream.indirect.gather @!p0 [hbm4b:s1+s17], $0x80, s18, s17, $0xb8;
	[tilespmem:$0x10200] =	vst v63  }
.Ltmp9:
0x18b: {  	_ = 	snop;
	(pc) =	sbr.rel .LBB2_9-.Ltmp9, $4  }
0x18c: {  	s18 =	simm.s32 @!p0 $0xD0;
	s19 =	simm.s32 @!p0 $0xA980  }
0x18d: {  	[tilespmem:s19], [sflag:$0x7] =	stream.indirect.gather @!p0 [hbm4b:s2+s17], $0x80, s18, s17, $0xb8;
	[tilespmem:$0x10200] =	vst v63  }
0x18e: {  	s19 =	simm.s32 @!p0 $0xE980  }
0x18f: {  	[tilespmem:s19], [sflag:$0x7] =	stream.indirect.gather @!p0 [hbm4b:s3+s17], $0x80, s18, s17, $0xb8;
	[tilespmem:$0x10200] =	vst v63  }
.LBB2_11:
0x190: {  	_ =	sfence.sel $0x180000  }
0x191: {  	[bflag:$0x0] =	sbarrier.arrive $0xFFFF  }
0x192: {  	_ =	strace $0x90000047  }
0x193: {  	s0 =	stileid.u32;
	[bflag:$0x2] =	sbarrier.arrive $0xFFFF  }
0x194: {  	p0 =	sne.s32 s0, $0x0;
	s0 =	rddreg [dreg:$0x7]  }
0x195: {  	s0 =	sadd.s32 @!p0 $0x100000, s0  }
0x196: {  	[sflag:s0] =	ssyncadd.tile.s32 @!p0 $0x1;
	_ =	shalt  }
.Lfunc_end2:
_tile_overlayer_lowered:
.L_overlay_start_2:
0x197: {  	(tag) =	ssettag $0x2  }
0x198: {  	s0 =	rddreg [dreg:$0x0];
	s2 =	stileid.u32  }
0x199: {  	s1 =	rddreg [dreg:$0x1];
	p0 =	sne.s32 s2, $0x0  }
0x19a: {  	s3 =	rddreg [dreg:$0x2];
	[bflag:$0x3] =	sbarrier.arrive $0xFFFF;
	s2 =	simm.s32 @!p0 $0x1C0A  }
0x19b: {  	[timem:s3], [sflag:s2] =	dma.local @!p0 [hbm:s0], s1  }
0x19c: {  	s0 =	simm.s32 @!p0 $0xA  }
0x19d: {  	_ =	swait.ge @!p0 [sflag:s0], s1  }
0x19e: {  	s1 =	ssub.s32 @!p0 $0x0, s1;
	[sflag:s0] =	ssyncset.done @!p0 $0x0  }
0x19f: {  	[sflag:s0] =	ssyncadd.s32 @!p0 s1  }
0x1a0: {  	[bflag:$0x3] =	sbarrier.arrive $0xFFFF  }
0x1a1: {  	_ =	shalt  }

</sc_bundles>
